<compile_context>
chip_gen: v7x
topology: tpu7x:2x2x1
jax: 0.10.2.dev20260603
libtpu: 0.0.44.dev20260713+nightly
codegen_flags: <defaults>
</compile_context>

<pallas_src>
import jax
import jax.numpy as jnp
from jax import lax
from jax.experimental import pallas as pl
from jax.experimental.pallas import tpu as pltpu
from jax.experimental.pallas import tpu_sc as plsc

NUM_FIELDS = 26
FIELD_DIM = 100000
TOTAL_ROWS = NUM_FIELDS * FIELD_DIM
BATCH = 16384
L = 16
NC, NS = 2, 16
NW = NC * NS
B_PER_W = BATCH // NW
N_PER_W = B_PER_W * NUM_FIELDS
CHUNK = 128
N_CHUNKS = N_PER_W // CHUNK
UNROLL = 4
GROUP_FIELDS = 2
N_GROUPS = NUM_FIELDS // GROUP_FIELDS
N_PER_G = GROUP_FIELDS * B_PER_W
CHUNKS_PER_G = N_PER_G // CHUNK


def _index_body(xt_hbm, idx_hbm, idx_v, sem):
    wid = lax.axis_index("c") * NS + lax.axis_index("s")

    for f in range(NUM_FIELDS):
        pltpu.make_async_copy(
            xt_hbm.at[pl.ds(f * BATCH + wid * B_PER_W, B_PER_W)],
            idx_v.at[pl.ds(f * B_PER_W, B_PER_W)],
            sem,
        ).start()
    for f in range(NUM_FIELDS):
        pltpu.make_async_copy(
            xt_hbm.at[pl.ds(f * BATCH + wid * B_PER_W, B_PER_W)],
            idx_v.at[pl.ds(f * B_PER_W, B_PER_W)],
            sem,
        ).wait()

    def add_offsets(f, carry):
        off = (f % GROUP_FIELDS) * FIELD_DIM

        def inner(c, carry2):
            for u in range(UNROLL):
                o = f * B_PER_W + (c * UNROLL + u) * L
                idx_v[pl.ds(o, L)] = idx_v[pl.ds(o, L)] + off
            return carry2

        return lax.fori_loop(0, B_PER_W // (L * UNROLL), inner, carry)

    lax.fori_loop(0, NUM_FIELDS, add_offsets, 0)

    pltpu.sync_copy(idx_v, idx_hbm.at[pl.ds(wid * N_PER_W, N_PER_W)])


def _gather_body(idx_hbm, *refs):
    tabs = refs[:N_GROUPS]
    bias_hbm, out_hbm, idx_v, rows_v, out_v, bias_v, sem = refs[N_GROUPS:]
    wid = lax.axis_index("c") * NS + lax.axis_index("s")

    pltpu.sync_copy(idx_hbm.at[pl.ds(wid * N_PER_W, N_PER_W)], idx_v)
    pltpu.sync_copy(bias_hbm, bias_v)

    for g in range(N_GROUPS):
        def fire(j, carry, g=g):
            o = g * N_PER_G + j * CHUNK
            pltpu.make_async_copy(
                tabs[g].at[idx_v.at[pl.ds(o, CHUNK)]],
                rows_v.at[pl.ds(o, CHUNK)],
                sem,
            ).start()
            return carry

        lax.fori_loop(0, CHUNKS_PER_G, fire, 0)

    for g in range(N_GROUPS):
        def drain(j, carry, g=g):
            o = g * N_PER_G + j * CHUNK
            pltpu.make_async_copy(
                tabs[g].at[idx_v.at[pl.ds(o, CHUNK)]],
                rows_v.at[pl.ds(o, CHUNK)],
                sem,
            ).wait()
            return carry

        lax.fori_loop(0, CHUNKS_PER_G, drain, 0)

    def reduce(c, carry):
        o = c * L
        acc = bias_v[...]
        for f in range(NUM_FIELDS):
            acc = acc + rows_v[pl.ds(f * B_PER_W + o, L)]
        out_v[pl.ds(o, L)] = acc
        return carry

    lax.fori_loop(0, B_PER_W // L, reduce, 0)

    pltpu.sync_copy(out_v, out_hbm.at[pl.ds(wid * B_PER_W, B_PER_W)])


@jax.jit
def _run(xt_flat, tabs, bias16):
    mesh = plsc.VectorSubcoreMesh(core_axis_name="c", subcore_axis_name="s")
    idx = pl.kernel(
        _index_body,
        out_type=jax.ShapeDtypeStruct((BATCH * NUM_FIELDS,), jnp.int32),
        mesh=mesh,
        scratch_types=[
            pltpu.VMEM((N_PER_W,), jnp.int32),
            pltpu.SemaphoreType.DMA,
        ],
    )(xt_flat)
    return pl.kernel(
        _gather_body,
        out_type=jax.ShapeDtypeStruct((BATCH,), jnp.float32),
        mesh=mesh,
        scratch_types=[
            pltpu.VMEM((N_PER_W,), jnp.int32),
            pltpu.VMEM((N_PER_W,), jnp.float32),
            pltpu.VMEM((B_PER_W,), jnp.float32),
            pltpu.VMEM((L,), jnp.float32),
            pltpu.SemaphoreType.DMA,
        ],
    )(idx, *tabs, bias16)


def kernel(x, table, bias):
    xt_flat = x.T.reshape(-1)
    tabs = tuple(
        table[g * GROUP_FIELDS * FIELD_DIM:(g + 1) * GROUP_FIELDS * FIELD_DIM].reshape(-1)
        for g in range(N_GROUPS)
    )
    bias16 = jnp.broadcast_to(bias, (L,))
    out = _run(xt_flat, tabs, bias16)
    return out.reshape(BATCH, 1)

# --- scband reference (transcript-rebuilt; emitter-appended) ---
"""Pipeline reference for scband-logistic-regression-9904194585385 (READ-ONLY COPY).

The authoritative reference and input builder live on the scoring server;
editing this copy changes nothing except your own understanding.
"""

import jax, jax.numpy as jnp
import numpy as np

NUM_FIELDS = 26
FIELD_DIM = 100000
TOTAL_ROWS = NUM_FIELDS * FIELD_DIM
BATCH = 16384

def setup_inputs(seed: int = 0) -> dict:
    key = jax.random.key(seed)
    k1, k2 = jax.random.split(key)
    x = jax.random.randint(k1, (BATCH, NUM_FIELDS), 0, FIELD_DIM, dtype=jnp.int32)
    table = jax.random.normal(k2, (TOTAL_ROWS, 1), dtype=jnp.float32) * 0.01
    bias = jnp.zeros((1,), dtype=jnp.float32)
    return {"x": x, "table": table, "bias": bias}

def reference(x, table, bias):
    # FeaturesLinear: offsets = cumsum-exclusive of field_dims, shared table of dim 1
    offsets = (jnp.arange(NUM_FIELDS, dtype=jnp.int32) * FIELD_DIM)[None, :]
    idx = x + offsets                       # [B, num_fields] global row ids
    emb = jnp.take(table, idx, axis=0)      # [B, num_fields, 1] gather
    out = jnp.sum(emb, axis=1) + bias       # [B, 1]
    return out

if __name__ == "__main__":
    import jax
    _d = setup_inputs()
    print(jax.jit(kernel)(*tuple(_d.values())))

</pallas_src>

<mosaic_0001>
#map = affine_map<(d0, d1) -> (0)>
module attributes {stable_mosaic.version = 14 : i64} {
  func.func @_gather_body(%arg0: i32, %arg1: i32, %arg2: memref<425984xi32, #tpu.memory_space<hbm>>, %arg3: memref<200000xf32, #tpu.memory_space<hbm>>, %arg4: memref<200000xf32, #tpu.memory_space<hbm>>, %arg5: memref<200000xf32, #tpu.memory_space<hbm>>, %arg6: memref<200000xf32, #tpu.memory_space<hbm>>, %arg7: memref<200000xf32, #tpu.memory_space<hbm>>, %arg8: memref<200000xf32, #tpu.memory_space<hbm>>, %arg9: memref<200000xf32, #tpu.memory_space<hbm>>, %arg10: memref<200000xf32, #tpu.memory_space<hbm>>, %arg11: memref<200000xf32, #tpu.memory_space<hbm>>, %arg12: memref<200000xf32, #tpu.memory_space<hbm>>, %arg13: memref<200000xf32, #tpu.memory_space<hbm>>, %arg14: memref<200000xf32, #tpu.memory_space<hbm>>, %arg15: memref<200000xf32, #tpu.memory_space<hbm>>, %arg16: memref<16xf32, #tpu.memory_space<hbm>>, %arg17: memref<16384xf32, #tpu.memory_space<hbm>>, %arg18: memref<13312xi32, #tpu.memory_space<vmem>>, %arg19: memref<13312xf32, #tpu.memory_space<vmem>>, %arg20: memref<512xf32, #tpu.memory_space<vmem>>, %arg21: memref<16xf32, #tpu.memory_space<vmem>>, %arg22: memref<!tpu.dma_semaphore, #tpu.memory_space<semaphore_mem>>) attributes {dimension_semantics = [#tpu.dimension_semantics<core_parallel>, #tpu.dimension_semantics<subcore_parallel>], iteration_bounds = array<i64: 2, 16>, scalar_prefetch = 0 : i64, scratch_operands = 5 : i64, tpu.core_type = #tpu.core_type<sc_vector_subcore>, window_params = [{transform_indices = #map}, {transform_indices = #map}, {transform_indices = #map}, {transform_indices = #map}, {transform_indices = #map}, {transform_indices = #map}, {transform_indices = #map}, {transform_indices = #map}, {transform_indices = #map}, {transform_indices = #map}, {transform_indices = #map}, {transform_indices = #map}, {transform_indices = #map}, {transform_indices = #map}, {transform_indices = #map}, {transform_indices = #map}]} {
    %mul3A = arith.constant 16 : i32
    %mul3A_0 = arith.muli %arg0, %mul3A : i32
    %add3A = arith.addi %mul3A_0, %arg1 : i32
    %mul3A_1 = arith.constant 13312 : i32
    %mul3A_2 = arith.muli %add3A, %mul3A_1 : i32
    "tpu.region"() ({
      %run_scoped3A = tpu.sem_alloc : memref<!tpu.dma_semaphore, #tpu.memory_space<semaphore_mem>>
      %dma_start3A = tpu.memref_slice %arg2[%mul3A_2] : memref<425984xi32, #tpu.memory_space<hbm>> -> memref<13312xi32, #tpu.memory_space<hbm>>
      %dma_start3A_166 = tpu.memref_slice %arg2[%mul3A_2] : memref<425984xi32, #tpu.memory_space<hbm>> -> memref<13312xi32, #tpu.memory_space<hbm>>
      tpu.enqueue_dma source(%dma_start3A_166 : memref<13312xi32, #tpu.memory_space<hbm>>) target(%arg18 : memref<13312xi32, #tpu.memory_space<vmem>>) target_semaphore(%run_scoped3A : memref<!tpu.dma_semaphore, #tpu.memory_space<semaphore_mem>>)
      %dma_wait3A = tpu.memref_slice %arg2[%mul3A_2] : memref<425984xi32, #tpu.memory_space<hbm>> -> memref<13312xi32, #tpu.memory_space<hbm>>
      %dma_wait3A_167 = tpu.memref_slice %arg2[%mul3A_2] : memref<425984xi32, #tpu.memory_space<hbm>> -> memref<13312xi32, #tpu.memory_space<hbm>>
      tpu.wait_dma2 semaphore(%run_scoped3A : memref<!tpu.dma_semaphore, #tpu.memory_space<semaphore_mem>>) src(%dma_wait3A_167 : memref<13312xi32, #tpu.memory_space<hbm>>) dst(%arg18 : memref<13312xi32, #tpu.memory_space<vmem>>)
      tpu.yield
    }) : () -> ()
    "tpu.region"() ({
      %run_scoped3A = tpu.sem_alloc : memref<!tpu.dma_semaphore, #tpu.memory_space<semaphore_mem>>
      tpu.enqueue_dma source(%arg16 : memref<16xf32, #tpu.memory_space<hbm>>) target(%arg21 : memref<16xf32, #tpu.memory_space<vmem>>) target_semaphore(%run_scoped3A : memref<!tpu.dma_semaphore, #tpu.memory_space<semaphore_mem>>)
      tpu.wait_dma2 semaphore(%run_scoped3A : memref<!tpu.dma_semaphore, #tpu.memory_space<semaphore_mem>>) src(%arg16 : memref<16xf32, #tpu.memory_space<hbm>>) dst(%arg21 : memref<16xf32, #tpu.memory_space<vmem>>)
      tpu.yield
    }) : () -> ()
    %scan3A = arith.constant 0 : i32
    %scan3A_3 = arith.constant 0 : i32
    %scan3A_4 = arith.constant 8 : i32
    %scan3A_5 = arith.addi %scan3A_3, %scan3A_4 : i32
    %scan3A_6 = arith.constant 1 : i32
    scf.for %scan3A_166 = %scan3A_3 to %scan3A_5 step %scan3A_6  : i32 {
      %mul3A_167 = arith.constant 128 : i32
      %mul3A_168 = arith.muli %scan3A_166, %mul3A_167 : i32
      %add3A_169 = arith.constant 0 : i32
      %add3A_170 = arith.addi %add3A_169, %mul3A_168 : i32
      %dma_start3A = tpu.memref_slice %arg19[%add3A_170] : memref<13312xf32, #tpu.memory_space<vmem>> -> memref<128xf32, #tpu.memory_space<vmem>>
      %dma_start3A_171 = tpu.memref_slice %arg18[%add3A_170] : memref<13312xi32, #tpu.memory_space<vmem>> -> memref<128xi32, #tpu.memory_space<vmem>>
      %dma_start3A_172 = arith.constant 0 : i32
      %dma_start3A_173 = tpu.memref_slice %arg3[%dma_start3A_172] : memref<200000xf32, #tpu.memory_space<hbm>> -> memref<200000xf32, #tpu.memory_space<hbm>>
      tpu.enqueue_indirect_dma source(%dma_start3A_173 : memref<200000xf32, #tpu.memory_space<hbm>>) target(%dma_start3A : memref<128xf32, #tpu.memory_space<vmem>>) offsets(%dma_start3A_171 : memref<128xi32, #tpu.memory_space<vmem>>) semaphore(%arg22 : memref<!tpu.dma_semaphore, #tpu.memory_space<semaphore_mem>>)
    }
    %scan3A_7 = arith.constant 8 : i32
    %scan3A_8 = arith.constant 0 : i32
    %scan3A_9 = arith.constant 0 : i32
    %scan3A_10 = arith.constant 8 : i32
    %scan3A_11 = arith.addi %scan3A_9, %scan3A_10 : i32
    %scan3A_12 = arith.constant 1 : i32
    scf.for %scan3A_166 = %scan3A_9 to %scan3A_11 step %scan3A_12  : i32 {
      %mul3A_167 = arith.constant 128 : i32
      %mul3A_168 = arith.muli %scan3A_166, %mul3A_167 : i32
      %add3A_169 = arith.constant 1024 : i32
      %add3A_170 = arith.addi %add3A_169, %mul3A_168 : i32
      %dma_start3A = tpu.memref_slice %arg19[%add3A_170] : memref<13312xf32, #tpu.memory_space<vmem>> -> memref<128xf32, #tpu.memory_space<vmem>>
      %dma_start3A_171 = tpu.memref_slice %arg18[%add3A_170] : memref<13312xi32, #tpu.memory_space<vmem>> -> memref<128xi32, #tpu.memory_space<vmem>>
      %dma_start3A_172 = arith.constant 0 : i32
      %dma_start3A_173 = tpu.memref_slice %arg4[%dma_start3A_172] : memref<200000xf32, #tpu.memory_space<hbm>> -> memref<200000xf32, #tpu.memory_space<hbm>>
      tpu.enqueue_indirect_dma source(%dma_start3A_173 : memref<200000xf32, #tpu.memory_space<hbm>>) target(%dma_start3A : memref<128xf32, #tpu.memory_space<vmem>>) offsets(%dma_start3A_171 : memref<128xi32, #tpu.memory_space<vmem>>) semaphore(%arg22 : memref<!tpu.dma_semaphore, #tpu.memory_space<semaphore_mem>>)
    }
    %scan3A_13 = arith.constant 8 : i32
    %scan3A_14 = arith.constant 0 : i32
    %scan3A_15 = arith.constant 0 : i32
    %scan3A_16 = arith.constant 8 : i32
    %scan3A_17 = arith.addi %scan3A_15, %scan3A_16 : i32
    %scan3A_18 = arith.constant 1 : i32
    scf.for %scan3A_166 = %scan3A_15 to %scan3A_17 step %scan3A_18  : i32 {
      %mul3A_167 = arith.constant 128 : i32
      %mul3A_168 = arith.muli %scan3A_166, %mul3A_167 : i32
      %add3A_169 = arith.constant 2048 : i32
      %add3A_170 = arith.addi %add3A_169, %mul3A_168 : i32
      %dma_start3A = tpu.memref_slice %arg19[%add3A_170] : memref<13312xf32, #tpu.memory_space<vmem>> -> memref<128xf32, #tpu.memory_space<vmem>>
      %dma_start3A_171 = tpu.memref_slice %arg18[%add3A_170] : memref<13312xi32, #tpu.memory_space<vmem>> -> memref<128xi32, #tpu.memory_space<vmem>>
      %dma_start3A_172 = arith.constant 0 : i32
      %dma_start3A_173 = tpu.memref_slice %arg5[%dma_start3A_172] : memref<200000xf32, #tpu.memory_space<hbm>> -> memref<200000xf32, #tpu.memory_space<hbm>>
      tpu.enqueue_indirect_dma source(%dma_start3A_173 : memref<200000xf32, #tpu.memory_space<hbm>>) target(%dma_start3A : memref<128xf32, #tpu.memory_space<vmem>>) offsets(%dma_start3A_171 : memref<128xi32, #tpu.memory_space<vmem>>) semaphore(%arg22 : memref<!tpu.dma_semaphore, #tpu.memory_space<semaphore_mem>>)
    }
    %scan3A_19 = arith.constant 8 : i32
    %scan3A_20 = arith.constant 0 : i32
    %scan3A_21 = arith.constant 0 : i32
    %scan3A_22 = arith.constant 8 : i32
    %scan3A_23 = arith.addi %scan3A_21, %scan3A_22 : i32
    %scan3A_24 = arith.constant 1 : i32
    scf.for %scan3A_166 = %scan3A_21 to %scan3A_23 step %scan3A_24  : i32 {
      %mul3A_167 = arith.constant 128 : i32
      %mul3A_168 = arith.muli %scan3A_166, %mul3A_167 : i32
      %add3A_169 = arith.constant 3072 : i32
      %add3A_170 = arith.addi %add3A_169, %mul3A_168 : i32
      %dma_start3A = tpu.memref_slice %arg19[%add3A_170] : memref<13312xf32, #tpu.memory_space<vmem>> -> memref<128xf32, #tpu.memory_space<vmem>>
      %dma_start3A_171 = tpu.memref_slice %arg18[%add3A_170] : memref<13312xi32, #tpu.memory_space<vmem>> -> memref<128xi32, #tpu.memory_space<vmem>>
      %dma_start3A_172 = arith.constant 0 : i32
      %dma_start3A_173 = tpu.memref_slice %arg6[%dma_start3A_172] : memref<200000xf32, #tpu.memory_space<hbm>> -> memref<200000xf32, #tpu.memory_space<hbm>>
      tpu.enqueue_indirect_dma source(%dma_start3A_173 : memref<200000xf32, #tpu.memory_space<hbm>>) target(%dma_start3A : memref<128xf32, #tpu.memory_space<vmem>>) offsets(%dma_start3A_171 : memref<128xi32, #tpu.memory_space<vmem>>) semaphore(%arg22 : memref<!tpu.dma_semaphore, #tpu.memory_space<semaphore_mem>>)
    }
    %scan3A_25 = arith.constant 8 : i32
    %scan3A_26 = arith.constant 0 : i32
    %scan3A_27 = arith.constant 0 : i32
    %scan3A_28 = arith.constant 8 : i32
    %scan3A_29 = arith.addi %scan3A_27, %scan3A_28 : i32
    %scan3A_30 = arith.constant 1 : i32
    scf.for %scan3A_166 = %scan3A_27 to %scan3A_29 step %scan3A_30  : i32 {
      %mul3A_167 = arith.constant 128 : i32
      %mul3A_168 = arith.muli %scan3A_166, %mul3A_167 : i32
      %add3A_169 = arith.constant 4096 : i32
      %add3A_170 = arith.addi %add3A_169, %mul3A_168 : i32
      %dma_start3A = tpu.memref_slice %arg19[%add3A_170] : memref<13312xf32, #tpu.memory_space<vmem>> -> memref<128xf32, #tpu.memory_space<vmem>>
      %dma_start3A_171 = tpu.memref_slice %arg18[%add3A_170] : memref<13312xi32, #tpu.memory_space<vmem>> -> memref<128xi32, #tpu.memory_space<vmem>>
      %dma_start3A_172 = arith.constant 0 : i32
      %dma_start3A_173 = tpu.memref_slice %arg7[%dma_start3A_172] : memref<200000xf32, #tpu.memory_space<hbm>> -> memref<200000xf32, #tpu.memory_space<hbm>>
      tpu.enqueue_indirect_dma source(%dma_start3A_173 : memref<200000xf32, #tpu.memory_space<hbm>>) target(%dma_start3A : memref<128xf32, #tpu.memory_space<vmem>>) offsets(%dma_start3A_171 : memref<128xi32, #tpu.memory_space<vmem>>) semaphore(%arg22 : memref<!tpu.dma_semaphore, #tpu.memory_space<semaphore_mem>>)
    }
    %scan3A_31 = arith.constant 8 : i32
    %scan3A_32 = arith.constant 0 : i32
    %scan3A_33 = arith.constant 0 : i32
    %scan3A_34 = arith.constant 8 : i32
    %scan3A_35 = arith.addi %scan3A_33, %scan3A_34 : i32
    %scan3A_36 = arith.constant 1 : i32
    scf.for %scan3A_166 = %scan3A_33 to %scan3A_35 step %scan3A_36  : i32 {
      %mul3A_167 = arith.constant 128 : i32
      %mul3A_168 = arith.muli %scan3A_166, %mul3A_167 : i32
      %add3A_169 = arith.constant 5120 : i32
      %add3A_170 = arith.addi %add3A_169, %mul3A_168 : i32
      %dma_start3A = tpu.memref_slice %arg19[%add3A_170] : memref<13312xf32, #tpu.memory_space<vmem>> -> memref<128xf32, #tpu.memory_space<vmem>>
      %dma_start3A_171 = tpu.memref_slice %arg18[%add3A_170] : memref<13312xi32, #tpu.memory_space<vmem>> -> memref<128xi32, #tpu.memory_space<vmem>>
      %dma_start3A_172 = arith.constant 0 : i32
      %dma_start3A_173 = tpu.memref_slice %arg8[%dma_start3A_172] : memref<200000xf32, #tpu.memory_space<hbm>> -> memref<200000xf32, #tpu.memory_space<hbm>>
      tpu.enqueue_indirect_dma source(%dma_start3A_173 : memref<200000xf32, #tpu.memory_space<hbm>>) target(%dma_start3A : memref<128xf32, #tpu.memory_space<vmem>>) offsets(%dma_start3A_171 : memref<128xi32, #tpu.memory_space<vmem>>) semaphore(%arg22 : memref<!tpu.dma_semaphore, #tpu.memory_space<semaphore_mem>>)
    }
    %scan3A_37 = arith.constant 8 : i32
    %scan3A_38 = arith.constant 0 : i32
    %scan3A_39 = arith.constant 0 : i32
    %scan3A_40 = arith.constant 8 : i32
    %scan3A_41 = arith.addi %scan3A_39, %scan3A_40 : i32
    %scan3A_42 = arith.constant 1 : i32
    scf.for %scan3A_166 = %scan3A_39 to %scan3A_41 step %scan3A_42  : i32 {
      %mul3A_167 = arith.constant 128 : i32
      %mul3A_168 = arith.muli %scan3A_166, %mul3A_167 : i32
      %add3A_169 = arith.constant 6144 : i32
      %add3A_170 = arith.addi %add3A_169, %mul3A_168 : i32
      %dma_start3A = tpu.memref_slice %arg19[%add3A_170] : memref<13312xf32, #tpu.memory_space<vmem>> -> memref<128xf32, #tpu.memory_space<vmem>>
      %dma_start3A_171 = tpu.memref_slice %arg18[%add3A_170] : memref<13312xi32, #tpu.memory_space<vmem>> -> memref<128xi32, #tpu.memory_space<vmem>>
      %dma_start3A_172 = arith.constant 0 : i32
      %dma_start3A_173 = tpu.memref_slice %arg9[%dma_start3A_172] : memref<200000xf32, #tpu.memory_space<hbm>> -> memref<200000xf32, #tpu.memory_space<hbm>>
      tpu.enqueue_indirect_dma source(%dma_start3A_173 : memref<200000xf32, #tpu.memory_space<hbm>>) target(%dma_start3A : memref<128xf32, #tpu.memory_space<vmem>>) offsets(%dma_start3A_171 : memref<128xi32, #tpu.memory_space<vmem>>) semaphore(%arg22 : memref<!tpu.dma_semaphore, #tpu.memory_space<semaphore_mem>>)
    }
    %scan3A_43 = arith.constant 8 : i32
    %scan3A_44 = arith.constant 0 : i32
    %scan3A_45 = arith.constant 0 : i32
    %scan3A_46 = arith.constant 8 : i32
    %scan3A_47 = arith.addi %scan3A_45, %scan3A_46 : i32
    %scan3A_48 = arith.constant 1 : i32
    scf.for %scan3A_166 = %scan3A_45 to %scan3A_47 step %scan3A_48  : i32 {
      %mul3A_167 = arith.constant 128 : i32
      %mul3A_168 = arith.muli %scan3A_166, %mul3A_167 : i32
      %add3A_169 = arith.constant 7168 : i32
      %add3A_170 = arith.addi %add3A_169, %mul3A_168 : i32
      %dma_start3A = tpu.memref_slice %arg19[%add3A_170] : memref<13312xf32, #tpu.memory_space<vmem>> -> memref<128xf32, #tpu.memory_space<vmem>>
      %dma_start3A_171 = tpu.memref_slice %arg18[%add3A_170] : memref<13312xi32, #tpu.memory_space<vmem>> -> memref<128xi32, #tpu.memory_space<vmem>>
      %dma_start3A_172 = arith.constant 0 : i32
      %dma_start3A_173 = tpu.memref_slice %arg10[%dma_start3A_172] : memref<200000xf32, #tpu.memory_space<hbm>> -> memref<200000xf32, #tpu.memory_space<hbm>>
      tpu.enqueue_indirect_dma source(%dma_start3A_173 : memref<200000xf32, #tpu.memory_space<hbm>>) target(%dma_start3A : memref<128xf32, #tpu.memory_space<vmem>>) offsets(%dma_start3A_171 : memref<128xi32, #tpu.memory_space<vmem>>) semaphore(%arg22 : memref<!tpu.dma_semaphore, #tpu.memory_space<semaphore_mem>>)
    }
    %scan3A_49 = arith.constant 8 : i32
    %scan3A_50 = arith.constant 0 : i32
    %scan3A_51 = arith.constant 0 : i32
    %scan3A_52 = arith.constant 8 : i32
    %scan3A_53 = arith.addi %scan3A_51, %scan3A_52 : i32
    %scan3A_54 = arith.constant 1 : i32
    scf.for %scan3A_166 = %scan3A_51 to %scan3A_53 step %scan3A_54  : i32 {
      %mul3A_167 = arith.constant 128 : i32
      %mul3A_168 = arith.muli %scan3A_166, %mul3A_167 : i32
      %add3A_169 = arith.constant 8192 : i32
      %add3A_170 = arith.addi %add3A_169, %mul3A_168 : i32
      %dma_start3A = tpu.memref_slice %arg19[%add3A_170] : memref<13312xf32, #tpu.memory_space<vmem>> -> memref<128xf32, #tpu.memory_space<vmem>>
      %dma_start3A_171 = tpu.memref_slice %arg18[%add3A_170] : memref<13312xi32, #tpu.memory_space<vmem>> -> memref<128xi32, #tpu.memory_space<vmem>>
      %dma_start3A_172 = arith.constant 0 : i32
      %dma_start3A_173 = tpu.memref_slice %arg11[%dma_start3A_172] : memref<200000xf32, #tpu.memory_space<hbm>> -> memref<200000xf32, #tpu.memory_space<hbm>>
      tpu.enqueue_indirect_dma source(%dma_start3A_173 : memref<200000xf32, #tpu.memory_space<hbm>>) target(%dma_start3A : memref<128xf32, #tpu.memory_space<vmem>>) offsets(%dma_start3A_171 : memref<128xi32, #tpu.memory_space<vmem>>) semaphore(%arg22 : memref<!tpu.dma_semaphore, #tpu.memory_space<semaphore_mem>>)
    }
    %scan3A_55 = arith.constant 8 : i32
    %scan3A_56 = arith.constant 0 : i32
    %scan3A_57 = arith.constant 0 : i32
    %scan3A_58 = arith.constant 8 : i32
    %scan3A_59 = arith.addi %scan3A_57, %scan3A_58 : i32
    %scan3A_60 = arith.constant 1 : i32
    scf.for %scan3A_166 = %scan3A_57 to %scan3A_59 step %scan3A_60  : i32 {
      %mul3A_167 = arith.constant 128 : i32
      %mul3A_168 = arith.muli %scan3A_166, %mul3A_167 : i32
      %add3A_169 = arith.constant 9216 : i32
      %add3A_170 = arith.addi %add3A_169, %mul3A_168 : i32
      %dma_start3A = tpu.memref_slice %arg19[%add3A_170] : memref<13312xf32, #tpu.memory_space<vmem>> -> memref<128xf32, #tpu.memory_space<vmem>>
      %dma_start3A_171 = tpu.memref_slice %arg18[%add3A_170] : memref<13312xi32, #tpu.memory_space<vmem>> -> memref<128xi32, #tpu.memory_space<vmem>>
      %dma_start3A_172 = arith.constant 0 : i32
      %dma_start3A_173 = tpu.memref_slice %arg12[%dma_start3A_172] : memref<200000xf32, #tpu.memory_space<hbm>> -> memref<200000xf32, #tpu.memory_space<hbm>>
      tpu.enqueue_indirect_dma source(%dma_start3A_173 : memref<200000xf32, #tpu.memory_space<hbm>>) target(%dma_start3A : memref<128xf32, #tpu.memory_space<vmem>>) offsets(%dma_start3A_171 : memref<128xi32, #tpu.memory_space<vmem>>) semaphore(%arg22 : memref<!tpu.dma_semaphore, #tpu.memory_space<semaphore_mem>>)
    }
    %scan3A_61 = arith.constant 8 : i32
    %scan3A_62 = arith.constant 0 : i32
    %scan3A_63 = arith.constant 0 : i32
    %scan3A_64 = arith.constant 8 : i32
    %scan3A_65 = arith.addi %scan3A_63, %scan3A_64 : i32
    %scan3A_66 = arith.constant 1 : i32
    scf.for %scan3A_166 = %scan3A_63 to %scan3A_65 step %scan3A_66  : i32 {
      %mul3A_167 = arith.constant 128 : i32
      %mul3A_168 = arith.muli %scan3A_166, %mul3A_167 : i32
      %add3A_169 = arith.constant 10240 : i32
      %add3A_170 = arith.addi %add3A_169, %mul3A_168 : i32
      %dma_start3A = tpu.memref_slice %arg19[%add3A_170] : memref<13312xf32, #tpu.memory_space<vmem>> -> memref<128xf32, #tpu.memory_space<vmem>>
      %dma_start3A_171 = tpu.memref_slice %arg18[%add3A_170] : memref<13312xi32, #tpu.memory_space<vmem>> -> memref<128xi32, #tpu.memory_space<vmem>>
      %dma_start3A_172 = arith.constant 0 : i32
      %dma_start3A_173 = tpu.memref_slice %arg13[%dma_start3A_172] : memref<200000xf32, #tpu.memory_space<hbm>> -> memref<200000xf32, #tpu.memory_space<hbm>>
      tpu.enqueue_indirect_dma source(%dma_start3A_173 : memref<200000xf32, #tpu.memory_space<hbm>>) target(%dma_start3A : memref<128xf32, #tpu.memory_space<vmem>>) offsets(%dma_start3A_171 : memref<128xi32, #tpu.memory_space<vmem>>) semaphore(%arg22 : memref<!tpu.dma_semaphore, #tpu.memory_space<semaphore_mem>>)
    }
    %scan3A_67 = arith.constant 8 : i32
    %scan3A_68 = arith.constant 0 : i32
    %scan3A_69 = arith.constant 0 : i32
    %scan3A_70 = arith.constant 8 : i32
    %scan3A_71 = arith.addi %scan3A_69, %scan3A_70 : i32
    %scan3A_72 = arith.constant 1 : i32
    scf.for %scan3A_166 = %scan3A_69 to %scan3A_71 step %scan3A_72  : i32 {
      %mul3A_167 = arith.constant 128 : i32
      %mul3A_168 = arith.muli %scan3A_166, %mul3A_167 : i32
      %add3A_169 = arith.constant 11264 : i32
      %add3A_170 = arith.addi %add3A_169, %mul3A_168 : i32
      %dma_start3A = tpu.memref_slice %arg19[%add3A_170] : memref<13312xf32, #tpu.memory_space<vmem>> -> memref<128xf32, #tpu.memory_space<vmem>>
      %dma_start3A_171 = tpu.memref_slice %arg18[%add3A_170] : memref<13312xi32, #tpu.memory_space<vmem>> -> memref<128xi32, #tpu.memory_space<vmem>>
      %dma_start3A_172 = arith.constant 0 : i32
      %dma_start3A_173 = tpu.memref_slice %arg14[%dma_start3A_172] : memref<200000xf32, #tpu.memory_space<hbm>> -> memref<200000xf32, #tpu.memory_space<hbm>>
      tpu.enqueue_indirect_dma source(%dma_start3A_173 : memref<200000xf32, #tpu.memory_space<hbm>>) target(%dma_start3A : memref<128xf32, #tpu.memory_space<vmem>>) offsets(%dma_start3A_171 : memref<128xi32, #tpu.memory_space<vmem>>) semaphore(%arg22 : memref<!tpu.dma_semaphore, #tpu.memory_space<semaphore_mem>>)
    }
    %scan3A_73 = arith.constant 8 : i32
    %scan3A_74 = arith.constant 0 : i32
    %scan3A_75 = arith.constant 0 : i32
    %scan3A_76 = arith.constant 8 : i32
    %scan3A_77 = arith.addi %scan3A_75, %scan3A_76 : i32
    %scan3A_78 = arith.constant 1 : i32
    scf.for %scan3A_166 = %scan3A_75 to %scan3A_77 step %scan3A_78  : i32 {
      %mul3A_167 = arith.constant 128 : i32
      %mul3A_168 = arith.muli %scan3A_166, %mul3A_167 : i32
      %add3A_169 = arith.constant 12288 : i32
      %add3A_170 = arith.addi %add3A_169, %mul3A_168 : i32
      %dma_start3A = tpu.memref_slice %arg19[%add3A_170] : memref<13312xf32, #tpu.memory_space<vmem>> -> memref<128xf32, #tpu.memory_space<vmem>>
      %dma_start3A_171 = tpu.memref_slice %arg18[%add3A_170] : memref<13312xi32, #tpu.memory_space<vmem>> -> memref<128xi32, #tpu.memory_space<vmem>>
      %dma_start3A_172 = arith.constant 0 : i32
      %dma_start3A_173 = tpu.memref_slice %arg15[%dma_start3A_172] : memref<200000xf32, #tpu.memory_space<hbm>> -> memref<200000xf32, #tpu.memory_space<hbm>>
      tpu.enqueue_indirect_dma source(%dma_start3A_173 : memref<200000xf32, #tpu.memory_space<hbm>>) target(%dma_start3A : memref<128xf32, #tpu.memory_space<vmem>>) offsets(%dma_start3A_171 : memref<128xi32, #tpu.memory_space<vmem>>) semaphore(%arg22 : memref<!tpu.dma_semaphore, #tpu.memory_space<semaphore_mem>>)
    }
    %scan3A_79 = arith.constant 8 : i32
    %scan3A_80 = arith.constant 0 : i32
    %scan3A_81 = arith.constant 0 : i32
    %scan3A_82 = arith.constant 8 : i32
    %scan3A_83 = arith.addi %scan3A_81, %scan3A_82 : i32
    %scan3A_84 = arith.constant 1 : i32
    scf.for %scan3A_166 = %scan3A_81 to %scan3A_83 step %scan3A_84  : i32 {
      %mul3A_167 = arith.constant 128 : i32
      %mul3A_168 = arith.muli %scan3A_166, %mul3A_167 : i32
      %add3A_169 = arith.constant 0 : i32
      %add3A_170 = arith.addi %add3A_169, %mul3A_168 : i32
      %dma_wait3A = tpu.memref_slice %arg19[%add3A_170] : memref<13312xf32, #tpu.memory_space<vmem>> -> memref<128xf32, #tpu.memory_space<vmem>>
      %dma_wait3A_171 = tpu.memref_slice %arg18[%add3A_170] : memref<13312xi32, #tpu.memory_space<vmem>> -> memref<128xi32, #tpu.memory_space<vmem>>
      %dma_wait3A_172 = arith.constant 0 : i32
      %dma_wait3A_173 = tpu.memref_slice %arg3[%dma_wait3A_172] : memref<200000xf32, #tpu.memory_space<hbm>> -> memref<200000xf32, #tpu.memory_space<hbm>>
      tpu.wait_indirect_dma semaphore(%arg22 : memref<!tpu.dma_semaphore, #tpu.memory_space<semaphore_mem>>) src(%dma_wait3A_173 : memref<200000xf32, #tpu.memory_space<hbm>>) dst(%dma_wait3A : memref<128xf32, #tpu.memory_space<vmem>>)
    }
    %scan3A_85 = arith.constant 8 : i32
    %scan3A_86 = arith.constant 0 : i32
    %scan3A_87 = arith.constant 0 : i32
    %scan3A_88 = arith.constant 8 : i32
    %scan3A_89 = arith.addi %scan3A_87, %scan3A_88 : i32
    %scan3A_90 = arith.constant 1 : i32
    scf.for %scan3A_166 = %scan3A_87 to %scan3A_89 step %scan3A_90  : i32 {
      %mul3A_167 = arith.constant 128 : i32
      %mul3A_168 = arith.muli %scan3A_166, %mul3A_167 : i32
      %add3A_169 = arith.constant 1024 : i32
      %add3A_170 = arith.addi %add3A_169, %mul3A_168 : i32
      %dma_wait3A = tpu.memref_slice %arg19[%add3A_170] : memref<13312xf32, #tpu.memory_space<vmem>> -> memref<128xf32, #tpu.memory_space<vmem>>
      %dma_wait3A_171 = tpu.memref_slice %arg18[%add3A_170] : memref<13312xi32, #tpu.memory_space<vmem>> -> memref<128xi32, #tpu.memory_space<vmem>>
      %dma_wait3A_172 = arith.constant 0 : i32
      %dma_wait3A_173 = tpu.memref_slice %arg4[%dma_wait3A_172] : memref<200000xf32, #tpu.memory_space<hbm>> -> memref<200000xf32, #tpu.memory_space<hbm>>
      tpu.wait_indirect_dma semaphore(%arg22 : memref<!tpu.dma_semaphore, #tpu.memory_space<semaphore_mem>>) src(%dma_wait3A_173 : memref<200000xf32, #tpu.memory_space<hbm>>) dst(%dma_wait3A : memref<128xf32, #tpu.memory_space<vmem>>)
    }
    %scan3A_91 = arith.constant 8 : i32
    %scan3A_92 = arith.constant 0 : i32
    %scan3A_93 = arith.constant 0 : i32
    %scan3A_94 = arith.constant 8 : i32
    %scan3A_95 = arith.addi %scan3A_93, %scan3A_94 : i32
    %scan3A_96 = arith.constant 1 : i32
    scf.for %scan3A_166 = %scan3A_93 to %scan3A_95 step %scan3A_96  : i32 {
      %mul3A_167 = arith.constant 128 : i32
      %mul3A_168 = arith.muli %scan3A_166, %mul3A_167 : i32
      %add3A_169 = arith.constant 2048 : i32
      %add3A_170 = arith.addi %add3A_169, %mul3A_168 : i32
      %dma_wait3A = tpu.memref_slice %arg19[%add3A_170] : memref<13312xf32, #tpu.memory_space<vmem>> -> memref<128xf32, #tpu.memory_space<vmem>>
      %dma_wait3A_171 = tpu.memref_slice %arg18[%add3A_170] : memref<13312xi32, #tpu.memory_space<vmem>> -> memref<128xi32, #tpu.memory_space<vmem>>
      %dma_wait3A_172 = arith.constant 0 : i32
      %dma_wait3A_173 = tpu.memref_slice %arg5[%dma_wait3A_172] : memref<200000xf32, #tpu.memory_space<hbm>> -> memref<200000xf32, #tpu.memory_space<hbm>>
      tpu.wait_indirect_dma semaphore(%arg22 : memref<!tpu.dma_semaphore, #tpu.memory_space<semaphore_mem>>) src(%dma_wait3A_173 : memref<200000xf32, #tpu.memory_space<hbm>>) dst(%dma_wait3A : memref<128xf32, #tpu.memory_space<vmem>>)
    }
    %scan3A_97 = arith.constant 8 : i32
    %scan3A_98 = arith.constant 0 : i32
    %scan3A_99 = arith.constant 0 : i32
    %scan3A_100 = arith.constant 8 : i32
    %scan3A_101 = arith.addi %scan3A_99, %scan3A_100 : i32
    %scan3A_102 = arith.constant 1 : i32
    scf.for %scan3A_166 = %scan3A_99 to %scan3A_101 step %scan3A_102  : i32 {
      %mul3A_167 = arith.constant 128 : i32
      %mul3A_168 = arith.muli %scan3A_166, %mul3A_167 : i32
      %add3A_169 = arith.constant 3072 : i32
      %add3A_170 = arith.addi %add3A_169, %mul3A_168 : i32
      %dma_wait3A = tpu.memref_slice %arg19[%add3A_170] : memref<13312xf32, #tpu.memory_space<vmem>> -> memref<128xf32, #tpu.memory_space<vmem>>
      %dma_wait3A_171 = tpu.memref_slice %arg18[%add3A_170] : memref<13312xi32, #tpu.memory_space<vmem>> -> memref<128xi32, #tpu.memory_space<vmem>>
      %dma_wait3A_172 = arith.constant 0 : i32
      %dma_wait3A_173 = tpu.memref_slice %arg6[%dma_wait3A_172] : memref<200000xf32, #tpu.memory_space<hbm>> -> memref<200000xf32, #tpu.memory_space<hbm>>
      tpu.wait_indirect_dma semaphore(%arg22 : memref<!tpu.dma_semaphore, #tpu.memory_space<semaphore_mem>>) src(%dma_wait3A_173 : memref<200000xf32, #tpu.memory_space<hbm>>) dst(%dma_wait3A : memref<128xf32, #tpu.memory_space<vmem>>)
    }
    %scan3A_103 = arith.constant 8 : i32
    %scan3A_104 = arith.constant 0 : i32
    %scan3A_105 = arith.constant 0 : i32
    %scan3A_106 = arith.constant 8 : i32
    %scan3A_107 = arith.addi %scan3A_105, %scan3A_106 : i32
    %scan3A_108 = arith.constant 1 : i32
    scf.for %scan3A_166 = %scan3A_105 to %scan3A_107 step %scan3A_108  : i32 {
      %mul3A_167 = arith.constant 128 : i32
      %mul3A_168 = arith.muli %scan3A_166, %mul3A_167 : i32
      %add3A_169 = arith.constant 4096 : i32
      %add3A_170 = arith.addi %add3A_169, %mul3A_168 : i32
      %dma_wait3A = tpu.memref_slice %arg19[%add3A_170] : memref<13312xf32, #tpu.memory_space<vmem>> -> memref<128xf32, #tpu.memory_space<vmem>>
      %dma_wait3A_171 = tpu.memref_slice %arg18[%add3A_170] : memref<13312xi32, #tpu.memory_space<vmem>> -> memref<128xi32, #tpu.memory_space<vmem>>
      %dma_wait3A_172 = arith.constant 0 : i32
      %dma_wait3A_173 = tpu.memref_slice %arg7[%dma_wait3A_172] : memref<200000xf32, #tpu.memory_space<hbm>> -> memref<200000xf32, #tpu.memory_space<hbm>>
      tpu.wait_indirect_dma semaphore(%arg22 : memref<!tpu.dma_semaphore, #tpu.memory_space<semaphore_mem>>) src(%dma_wait3A_173 : memref<200000xf32, #tpu.memory_space<hbm>>) dst(%dma_wait3A : memref<128xf32, #tpu.memory_space<vmem>>)
    }
    %scan3A_109 = arith.constant 8 : i32
    %scan3A_110 = arith.constant 0 : i32
    %scan3A_111 = arith.constant 0 : i32
    %scan3A_112 = arith.constant 8 : i32
    %scan3A_113 = arith.addi %scan3A_111, %scan3A_112 : i32
    %scan3A_114 = arith.constant 1 : i32
    scf.for %scan3A_166 = %scan3A_111 to %scan3A_113 step %scan3A_114  : i32 {
      %mul3A_167 = arith.constant 128 : i32
      %mul3A_168 = arith.muli %scan3A_166, %mul3A_167 : i32
      %add3A_169 = arith.constant 5120 : i32
      %add3A_170 = arith.addi %add3A_169, %mul3A_168 : i32
      %dma_wait3A = tpu.memref_slice %arg19[%add3A_170] : memref<13312xf32, #tpu.memory_space<vmem>> -> memref<128xf32, #tpu.memory_space<vmem>>
      %dma_wait3A_171 = tpu.memref_slice %arg18[%add3A_170] : memref<13312xi32, #tpu.memory_space<vmem>> -> memref<128xi32, #tpu.memory_space<vmem>>
      %dma_wait3A_172 = arith.constant 0 : i32
      %dma_wait3A_173 = tpu.memref_slice %arg8[%dma_wait3A_172] : memref<200000xf32, #tpu.memory_space<hbm>> -> memref<200000xf32, #tpu.memory_space<hbm>>
      tpu.wait_indirect_dma semaphore(%arg22 : memref<!tpu.dma_semaphore, #tpu.memory_space<semaphore_mem>>) src(%dma_wait3A_173 : memref<200000xf32, #tpu.memory_space<hbm>>) dst(%dma_wait3A : memref<128xf32, #tpu.memory_space<vmem>>)
    }
    %scan3A_115 = arith.constant 8 : i32
    %scan3A_116 = arith.constant 0 : i32
    %scan3A_117 = arith.constant 0 : i32
    %scan3A_118 = arith.constant 8 : i32
    %scan3A_119 = arith.addi %scan3A_117, %scan3A_118 : i32
    %scan3A_120 = arith.constant 1 : i32
    scf.for %scan3A_166 = %scan3A_117 to %scan3A_119 step %scan3A_120  : i32 {
      %mul3A_167 = arith.constant 128 : i32
      %mul3A_168 = arith.muli %scan3A_166, %mul3A_167 : i32
      %add3A_169 = arith.constant 6144 : i32
      %add3A_170 = arith.addi %add3A_169, %mul3A_168 : i32
      %dma_wait3A = tpu.memref_slice %arg19[%add3A_170] : memref<13312xf32, #tpu.memory_space<vmem>> -> memref<128xf32, #tpu.memory_space<vmem>>
      %dma_wait3A_171 = tpu.memref_slice %arg18[%add3A_170] : memref<13312xi32, #tpu.memory_space<vmem>> -> memref<128xi32, #tpu.memory_space<vmem>>
      %dma_wait3A_172 = arith.constant 0 : i32
      %dma_wait3A_173 = tpu.memref_slice %arg9[%dma_wait3A_172] : memref<200000xf32, #tpu.memory_space<hbm>> -> memref<200000xf32, #tpu.memory_space<hbm>>
      tpu.wait_indirect_dma semaphore(%arg22 : memref<!tpu.dma_semaphore, #tpu.memory_space<semaphore_mem>>) src(%dma_wait3A_173 : memref<200000xf32, #tpu.memory_space<hbm>>) dst(%dma_wait3A : memref<128xf32, #tpu.memory_space<vmem>>)
    }
    %scan3A_121 = arith.constant 8 : i32
    %scan3A_122 = arith.constant 0 : i32
    %scan3A_123 = arith.constant 0 : i32
    %scan3A_124 = arith.constant 8 : i32
    %scan3A_125 = arith.addi %scan3A_123, %scan3A_124 : i32
    %scan3A_126 = arith.constant 1 : i32
    scf.for %scan3A_166 = %scan3A_123 to %scan3A_125 step %scan3A_126  : i32 {
      %mul3A_167 = arith.constant 128 : i32
      %mul3A_168 = arith.muli %scan3A_166, %mul3A_167 : i32
      %add3A_169 = arith.constant 7168 : i32
      %add3A_170 = arith.addi %add3A_169, %mul3A_168 : i32
      %dma_wait3A = tpu.memref_slice %arg19[%add3A_170] : memref<13312xf32, #tpu.memory_space<vmem>> -> memref<128xf32, #tpu.memory_space<vmem>>
      %dma_wait3A_171 = tpu.memref_slice %arg18[%add3A_170] : memref<13312xi32, #tpu.memory_space<vmem>> -> memref<128xi32, #tpu.memory_space<vmem>>
      %dma_wait3A_172 = arith.constant 0 : i32
      %dma_wait3A_173 = tpu.memref_slice %arg10[%dma_wait3A_172] : memref<200000xf32, #tpu.memory_space<hbm>> -> memref<200000xf32, #tpu.memory_space<hbm>>
      tpu.wait_indirect_dma semaphore(%arg22 : memref<!tpu.dma_semaphore, #tpu.memory_space<semaphore_mem>>) src(%dma_wait3A_173 : memref<200000xf32, #tpu.memory_space<hbm>>) dst(%dma_wait3A : memref<128xf32, #tpu.memory_space<vmem>>)
    }
    %scan3A_127 = arith.constant 8 : i32
    %scan3A_128 = arith.constant 0 : i32
    %scan3A_129 = arith.constant 0 : i32
    %scan3A_130 = arith.constant 8 : i32
    %scan3A_131 = arith.addi %scan3A_129, %scan3A_130 : i32
    %scan3A_132 = arith.constant 1 : i32
    scf.for %scan3A_166 = %scan3A_129 to %scan3A_131 step %scan3A_132  : i32 {
      %mul3A_167 = arith.constant 128 : i32
      %mul3A_168 = arith.muli %scan3A_166, %mul3A_167 : i32
      %add3A_169 = arith.constant 8192 : i32
      %add3A_170 = arith.addi %add3A_169, %mul3A_168 : i32
      %dma_wait3A = tpu.memref_slice %arg19[%add3A_170] : memref<13312xf32, #tpu.memory_space<vmem>> -> memref<128xf32, #tpu.memory_space<vmem>>
      %dma_wait3A_171 = tpu.memref_slice %arg18[%add3A_170] : memref<13312xi32, #tpu.memory_space<vmem>> -> memref<128xi32, #tpu.memory_space<vmem>>
      %dma_wait3A_172 = arith.constant 0 : i32
      %dma_wait3A_173 = tpu.memref_slice %arg11[%dma_wait3A_172] : memref<200000xf32, #tpu.memory_space<hbm>> -> memref<200000xf32, #tpu.memory_space<hbm>>
      tpu.wait_indirect_dma semaphore(%arg22 : memref<!tpu.dma_semaphore, #tpu.memory_space<semaphore_mem>>) src(%dma_wait3A_173 : memref<200000xf32, #tpu.memory_space<hbm>>) dst(%dma_wait3A : memref<128xf32, #tpu.memory_space<vmem>>)
    }
    %scan3A_133 = arith.constant 8 : i32
    %scan3A_134 = arith.constant 0 : i32
    %scan3A_135 = arith.constant 0 : i32
    %scan3A_136 = arith.constant 8 : i32
    %scan3A_137 = arith.addi %scan3A_135, %scan3A_136 : i32
    %scan3A_138 = arith.constant 1 : i32
    scf.for %scan3A_166 = %scan3A_135 to %scan3A_137 step %scan3A_138  : i32 {
      %mul3A_167 = arith.constant 128 : i32
      %mul3A_168 = arith.muli %scan3A_166, %mul3A_167 : i32
      %add3A_169 = arith.constant 9216 : i32
      %add3A_170 = arith.addi %add3A_169, %mul3A_168 : i32
      %dma_wait3A = tpu.memref_slice %arg19[%add3A_170] : memref<13312xf32, #tpu.memory_space<vmem>> -> memref<128xf32, #tpu.memory_space<vmem>>
      %dma_wait3A_171 = tpu.memref_slice %arg18[%add3A_170] : memref<13312xi32, #tpu.memory_space<vmem>> -> memref<128xi32, #tpu.memory_space<vmem>>
      %dma_wait3A_172 = arith.constant 0 : i32
      %dma_wait3A_173 = tpu.memref_slice %arg12[%dma_wait3A_172] : memref<200000xf32, #tpu.memory_space<hbm>> -> memref<200000xf32, #tpu.memory_space<hbm>>
      tpu.wait_indirect_dma semaphore(%arg22 : memref<!tpu.dma_semaphore, #tpu.memory_space<semaphore_mem>>) src(%dma_wait3A_173 : memref<200000xf32, #tpu.memory_space<hbm>>) dst(%dma_wait3A : memref<128xf32, #tpu.memory_space<vmem>>)
    }
    %scan3A_139 = arith.constant 8 : i32
    %scan3A_140 = arith.constant 0 : i32
    %scan3A_141 = arith.constant 0 : i32
    %scan3A_142 = arith.constant 8 : i32
    %scan3A_143 = arith.addi %scan3A_141, %scan3A_142 : i32
    %scan3A_144 = arith.constant 1 : i32
    scf.for %scan3A_166 = %scan3A_141 to %scan3A_143 step %scan3A_144  : i32 {
      %mul3A_167 = arith.constant 128 : i32
      %mul3A_168 = arith.muli %scan3A_166, %mul3A_167 : i32
      %add3A_169 = arith.constant 10240 : i32
      %add3A_170 = arith.addi %add3A_169, %mul3A_168 : i32
      %dma_wait3A = tpu.memref_slice %arg19[%add3A_170] : memref<13312xf32, #tpu.memory_space<vmem>> -> memref<128xf32, #tpu.memory_space<vmem>>
      %dma_wait3A_171 = tpu.memref_slice %arg18[%add3A_170] : memref<13312xi32, #tpu.memory_space<vmem>> -> memref<128xi32, #tpu.memory_space<vmem>>
      %dma_wait3A_172 = arith.constant 0 : i32
      %dma_wait3A_173 = tpu.memref_slice %arg13[%dma_wait3A_172] : memref<200000xf32, #tpu.memory_space<hbm>> -> memref<200000xf32, #tpu.memory_space<hbm>>
      tpu.wait_indirect_dma semaphore(%arg22 : memref<!tpu.dma_semaphore, #tpu.memory_space<semaphore_mem>>) src(%dma_wait3A_173 : memref<200000xf32, #tpu.memory_space<hbm>>) dst(%dma_wait3A : memref<128xf32, #tpu.memory_space<vmem>>)
    }
    %scan3A_145 = arith.constant 8 : i32
    %scan3A_146 = arith.constant 0 : i32
    %scan3A_147 = arith.constant 0 : i32
    %scan3A_148 = arith.constant 8 : i32
    %scan3A_149 = arith.addi %scan3A_147, %scan3A_148 : i32
    %scan3A_150 = arith.constant 1 : i32
    scf.for %scan3A_166 = %scan3A_147 to %scan3A_149 step %scan3A_150  : i32 {
      %mul3A_167 = arith.constant 128 : i32
      %mul3A_168 = arith.muli %scan3A_166, %mul3A_167 : i32
      %add3A_169 = arith.constant 11264 : i32
      %add3A_170 = arith.addi %add3A_169, %mul3A_168 : i32
      %dma_wait3A = tpu.memref_slice %arg19[%add3A_170] : memref<13312xf32, #tpu.memory_space<vmem>> -> memref<128xf32, #tpu.memory_space<vmem>>
      %dma_wait3A_171 = tpu.memref_slice %arg18[%add3A_170] : memref<13312xi32, #tpu.memory_space<vmem>> -> memref<128xi32, #tpu.memory_space<vmem>>
      %dma_wait3A_172 = arith.constant 0 : i32
      %dma_wait3A_173 = tpu.memref_slice %arg14[%dma_wait3A_172] : memref<200000xf32, #tpu.memory_space<hbm>> -> memref<200000xf32, #tpu.memory_space<hbm>>
      tpu.wait_indirect_dma semaphore(%arg22 : memref<!tpu.dma_semaphore, #tpu.memory_space<semaphore_mem>>) src(%dma_wait3A_173 : memref<200000xf32, #tpu.memory_space<hbm>>) dst(%dma_wait3A : memref<128xf32, #tpu.memory_space<vmem>>)
    }
    %scan3A_151 = arith.constant 8 : i32
    %scan3A_152 = arith.constant 0 : i32
    %scan3A_153 = arith.constant 0 : i32
    %scan3A_154 = arith.constant 8 : i32
    %scan3A_155 = arith.addi %scan3A_153, %scan3A_154 : i32
    %scan3A_156 = arith.constant 1 : i32
    scf.for %scan3A_166 = %scan3A_153 to %scan3A_155 step %scan3A_156  : i32 {
      %mul3A_167 = arith.constant 128 : i32
      %mul3A_168 = arith.muli %scan3A_166, %mul3A_167 : i32
      %add3A_169 = arith.constant 12288 : i32
      %add3A_170 = arith.addi %add3A_169, %mul3A_168 : i32
      %dma_wait3A = tpu.memref_slice %arg19[%add3A_170] : memref<13312xf32, #tpu.memory_space<vmem>> -> memref<128xf32, #tpu.memory_space<vmem>>
      %dma_wait3A_171 = tpu.memref_slice %arg18[%add3A_170] : memref<13312xi32, #tpu.memory_space<vmem>> -> memref<128xi32, #tpu.memory_space<vmem>>
      %dma_wait3A_172 = arith.constant 0 : i32
      %dma_wait3A_173 = tpu.memref_slice %arg15[%dma_wait3A_172] : memref<200000xf32, #tpu.memory_space<hbm>> -> memref<200000xf32, #tpu.memory_space<hbm>>
      tpu.wait_indirect_dma semaphore(%arg22 : memref<!tpu.dma_semaphore, #tpu.memory_space<semaphore_mem>>) src(%dma_wait3A_173 : memref<200000xf32, #tpu.memory_space<hbm>>) dst(%dma_wait3A : memref<128xf32, #tpu.memory_space<vmem>>)
    }
    %scan3A_157 = arith.constant 8 : i32
    %scan3A_158 = arith.constant 0 : i32
    %scan3A_159 = arith.constant 0 : i32
    %scan3A_160 = arith.constant 32 : i32
    %scan3A_161 = arith.addi %scan3A_159, %scan3A_160 : i32
    %scan3A_162 = arith.constant 1 : i32
    scf.for %scan3A_166 = %scan3A_159 to %scan3A_161 step %scan3A_162  : i32 {
      %mul3A_167 = arith.constant 16 : i32
      %mul3A_168 = arith.muli %scan3A_166, %mul3A_167 : i32
      %get3A = arith.constant 0 : index
      %get3A_169 = tpu.vector_load %arg21[%get3A] {strides = array<i32>} : memref<16xf32, #tpu.memory_space<vmem>>, vector<16xf32>,
      %get3A_170 = vector.shape_cast %get3A_169 : vector<16xf32> to vector<16xf32>
      %add3A_171 = arith.constant 0 : i32
      %add3A_172 = arith.addi %add3A_171, %mul3A_168 : i32
      %get3A_173 = arith.index_cast %add3A_172 : i32 to index
      %get3A_174 = tpu.vector_load %arg19[%get3A_173] {strides = array<i32>} : memref<13312xf32, #tpu.memory_space<vmem>>, vector<16xf32>,
      %get3A_175 = vector.shape_cast %get3A_174 : vector<16xf32> to vector<16xf32>
      %add3A_176 = arith.addf %get3A_170, %get3A_175 : vector<16xf32>
      %add3A_177 = arith.constant 512 : i32
      %add3A_178 = arith.addi %add3A_177, %mul3A_168 : i32
      %get3A_179 = arith.index_cast %add3A_178 : i32 to index
      %get3A_180 = tpu.vector_load %arg19[%get3A_179] {strides = array<i32>} : memref<13312xf32, #tpu.memory_space<vmem>>, vector<16xf32>,
      %get3A_181 = vector.shape_cast %get3A_180 : vector<16xf32> to vector<16xf32>
      %add3A_182 = arith.addf %add3A_176, %get3A_181 : vector<16xf32>
      %add3A_183 = arith.constant 1024 : i32
      %add3A_184 = arith.addi %add3A_183, %mul3A_168 : i32
      %get3A_185 = arith.index_cast %add3A_184 : i32 to index
      %get3A_186 = tpu.vector_load %arg19[%get3A_185] {strides = array<i32>} : memref<13312xf32, #tpu.memory_space<vmem>>, vector<16xf32>,
      %get3A_187 = vector.shape_cast %get3A_186 : vector<16xf32> to vector<16xf32>
      %add3A_188 = arith.addf %add3A_182, %get3A_187 : vector<16xf32>
      %add3A_189 = arith.constant 1536 : i32
      %add3A_190 = arith.addi %add3A_189, %mul3A_168 : i32
      %get3A_191 = arith.index_cast %add3A_190 : i32 to index
      %get3A_192 = tpu.vector_load %arg19[%get3A_191] {strides = array<i32>} : memref<13312xf32, #tpu.memory_space<vmem>>, vector<16xf32>,
      %get3A_193 = vector.shape_cast %get3A_192 : vector<16xf32> to vector<16xf32>
      %add3A_194 = arith.addf %add3A_188, %get3A_193 : vector<16xf32>
      %add3A_195 = arith.constant 2048 : i32
      %add3A_196 = arith.addi %add3A_195, %mul3A_168 : i32
      %get3A_197 = arith.index_cast %add3A_196 : i32 to index
      %get3A_198 = tpu.vector_load %arg19[%get3A_197] {strides = array<i32>} : memref<13312xf32, #tpu.memory_space<vmem>>, vector<16xf32>,
      %get3A_199 = vector.shape_cast %get3A_198 : vector<16xf32> to vector<16xf32>
      %add3A_200 = arith.addf %add3A_194, %get3A_199 : vector<16xf32>
      %add3A_201 = arith.constant 2560 : i32
      %add3A_202 = arith.addi %add3A_201, %mul3A_168 : i32
      %get3A_203 = arith.index_cast %add3A_202 : i32 to index
      %get3A_204 = tpu.vector_load %arg19[%get3A_203] {strides = array<i32>} : memref<13312xf32, #tpu.memory_space<vmem>>, vector<16xf32>,
      %get3A_205 = vector.shape_cast %get3A_204 : vector<16xf32> to vector<16xf32>
      %add3A_206 = arith.addf %add3A_200, %get3A_205 : vector<16xf32>
      %add3A_207 = arith.constant 3072 : i32
      %add3A_208 = arith.addi %add3A_207, %mul3A_168 : i32
      %get3A_209 = arith.index_cast %add3A_208 : i32 to index
      %get3A_210 = tpu.vector_load %arg19[%get3A_209] {strides = array<i32>} : memref<13312xf32, #tpu.memory_space<vmem>>, vector<16xf32>,
      %get3A_211 = vector.shape_cast %get3A_210 : vector<16xf32> to vector<16xf32>
      %add3A_212 = arith.addf %add3A_206, %get3A_211 : vector<16xf32>
      %add3A_213 = arith.constant 3584 : i32
      %add3A_214 = arith.addi %add3A_213, %mul3A_168 : i32
      %get3A_215 = arith.index_cast %add3A_214 : i32 to index
      %get3A_216 = tpu.vector_load %arg19[%get3A_215] {strides = array<i32>} : memref<13312xf32, #tpu.memory_space<vmem>>, vector<16xf32>,
      %get3A_217 = vector.shape_cast %get3A_216 : vector<16xf32> to vector<16xf32>
      %add3A_218 = arith.addf %add3A_212, %get3A_217 : vector<16xf32>
      %add3A_219 = arith.constant 4096 : i32
      %add3A_220 = arith.addi %add3A_219, %mul3A_168 : i32
      %get3A_221 = arith.index_cast %add3A_220 : i32 to index
      %get3A_222 = tpu.vector_load %arg19[%get3A_221] {strides = array<i32>} : memref<13312xf32, #tpu.memory_space<vmem>>, vector<16xf32>,
      %get3A_223 = vector.shape_cast %get3A_222 : vector<16xf32> to vector<16xf32>
      %add3A_224 = arith.addf %add3A_218, %get3A_223 : vector<16xf32>
      %add3A_225 = arith.constant 4608 : i32
      %add3A_226 = arith.addi %add3A_225, %mul3A_168 : i32
      %get3A_227 = arith.index_cast %add3A_226 : i32 to index
      %get3A_228 = tpu.vector_load %arg19[%get3A_227] {strides = array<i32>} : memref<13312xf32, #tpu.memory_space<vmem>>, vector<16xf32>,
      %get3A_229 = vector.shape_cast %get3A_228 : vector<16xf32> to vector<16xf32>
      %add3A_230 = arith.addf %add3A_224, %get3A_229 : vector<16xf32>
      %add3A_231 = arith.constant 5120 : i32
      %add3A_232 = arith.addi %add3A_231, %mul3A_168 : i32
      %get3A_233 = arith.index_cast %add3A_232 : i32 to index
      %get3A_234 = tpu.vector_load %arg19[%get3A_233] {strides = array<i32>} : memref<13312xf32, #tpu.memory_space<vmem>>, vector<16xf32>,
      %get3A_235 = vector.shape_cast %get3A_234 : vector<16xf32> to vector<16xf32>
      %add3A_236 = arith.addf %add3A_230, %get3A_235 : vector<16xf32>
      %add3A_237 = arith.constant 5632 : i32
      %add3A_238 = arith.addi %add3A_237, %mul3A_168 : i32
      %get3A_239 = arith.index_cast %add3A_238 : i32 to index
      %get3A_240 = tpu.vector_load %arg19[%get3A_239] {strides = array<i32>} : memref<13312xf32, #tpu.memory_space<vmem>>, vector<16xf32>,
      %get3A_241 = vector.shape_cast %get3A_240 : vector<16xf32> to vector<16xf32>
      %add3A_242 = arith.addf %add3A_236, %get3A_241 : vector<16xf32>
      %add3A_243 = arith.constant 6144 : i32
      %add3A_244 = arith.addi %add3A_243, %mul3A_168 : i32
      %get3A_245 = arith.index_cast %add3A_244 : i32 to index
      %get3A_246 = tpu.vector_load %arg19[%get3A_245] {strides = array<i32>} : memref<13312xf32, #tpu.memory_space<vmem>>, vector<16xf32>,
      %get3A_247 = vector.shape_cast %get3A_246 : vector<16xf32> to vector<16xf32>
      %add3A_248 = arith.addf %add3A_242, %get3A_247 : vector<16xf32>
      %add3A_249 = arith.constant 6656 : i32
      %add3A_250 = arith.addi %add3A_249, %mul3A_168 : i32
      %get3A_251 = arith.index_cast %add3A_250 : i32 to index
      %get3A_252 = tpu.vector_load %arg19[%get3A_251] {strides = array<i32>} : memref<13312xf32, #tpu.memory_space<vmem>>, vector<16xf32>,
      %get3A_253 = vector.shape_cast %get3A_252 : vector<16xf32> to vector<16xf32>
      %add3A_254 = arith.addf %add3A_248, %get3A_253 : vector<16xf32>
      %add3A_255 = arith.constant 7168 : i32
      %add3A_256 = arith.addi %add3A_255, %mul3A_168 : i32
      %get3A_257 = arith.index_cast %add3A_256 : i32 to index
      %get3A_258 = tpu.vector_load %arg19[%get3A_257] {strides = array<i32>} : memref<13312xf32, #tpu.memory_space<vmem>>, vector<16xf32>,
      %get3A_259 = vector.shape_cast %get3A_258 : vector<16xf32> to vector<16xf32>
      %add3A_260 = arith.addf %add3A_254, %get3A_259 : vector<16xf32>
      %add3A_261 = arith.constant 7680 : i32
      %add3A_262 = arith.addi %add3A_261, %mul3A_168 : i32
      %get3A_263 = arith.index_cast %add3A_262 : i32 to index
      %get3A_264 = tpu.vector_load %arg19[%get3A_263] {strides = array<i32>} : memref<13312xf32, #tpu.memory_space<vmem>>, vector<16xf32>,
      %get3A_265 = vector.shape_cast %get3A_264 : vector<16xf32> to vector<16xf32>
      %add3A_266 = arith.addf %add3A_260, %get3A_265 : vector<16xf32>
      %add3A_267 = arith.constant 8192 : i32
      %add3A_268 = arith.addi %add3A_267, %mul3A_168 : i32
      %get3A_269 = arith.index_cast %add3A_268 : i32 to index
      %get3A_270 = tpu.vector_load %arg19[%get3A_269] {strides = array<i32>} : memref<13312xf32, #tpu.memory_space<vmem>>, vector<16xf32>,
      %get3A_271 = vector.shape_cast %get3A_270 : vector<16xf32> to vector<16xf32>
      %add3A_272 = arith.addf %add3A_266, %get3A_271 : vector<16xf32>
      %add3A_273 = arith.constant 8704 : i32
      %add3A_274 = arith.addi %add3A_273, %mul3A_168 : i32
      %get3A_275 = arith.index_cast %add3A_274 : i32 to index
      %get3A_276 = tpu.vector_load %arg19[%get3A_275] {strides = array<i32>} : memref<13312xf32, #tpu.memory_space<vmem>>, vector<16xf32>,
      %get3A_277 = vector.shape_cast %get3A_276 : vector<16xf32> to vector<16xf32>
      %add3A_278 = arith.addf %add3A_272, %get3A_277 : vector<16xf32>
      %add3A_279 = arith.constant 9216 : i32
      %add3A_280 = arith.addi %add3A_279, %mul3A_168 : i32
      %get3A_281 = arith.index_cast %add3A_280 : i32 to index
      %get3A_282 = tpu.vector_load %arg19[%get3A_281] {strides = array<i32>} : memref<13312xf32, #tpu.memory_space<vmem>>, vector<16xf32>,
      %get3A_283 = vector.shape_cast %get3A_282 : vector<16xf32> to vector<16xf32>
      %add3A_284 = arith.addf %add3A_278, %get3A_283 : vector<16xf32>
      %add3A_285 = arith.constant 9728 : i32
      %add3A_286 = arith.addi %add3A_285, %mul3A_168 : i32
      %get3A_287 = arith.index_cast %add3A_286 : i32 to index
      %get3A_288 = tpu.vector_load %arg19[%get3A_287] {strides = array<i32>} : memref<13312xf32, #tpu.memory_space<vmem>>, vector<16xf32>,
      %get3A_289 = vector.shape_cast %get3A_288 : vector<16xf32> to vector<16xf32>
      %add3A_290 = arith.addf %add3A_284, %get3A_289 : vector<16xf32>
      %add3A_291 = arith.constant 10240 : i32
      %add3A_292 = arith.addi %add3A_291, %mul3A_168 : i32
      %get3A_293 = arith.index_cast %add3A_292 : i32 to index
      %get3A_294 = tpu.vector_load %arg19[%get3A_293] {strides = array<i32>} : memref<13312xf32, #tpu.memory_space<vmem>>, vector<16xf32>,
      %get3A_295 = vector.shape_cast %get3A_294 : vector<16xf32> to vector<16xf32>
      %add3A_296 = arith.addf %add3A_290, %get3A_295 : vector<16xf32>
      %add3A_297 = arith.constant 10752 : i32
      %add3A_298 = arith.addi %add3A_297, %mul3A_168 : i32
      %get3A_299 = arith.index_cast %add3A_298 : i32 to index
      %get3A_300 = tpu.vector_load %arg19[%get3A_299] {strides = array<i32>} : memref<13312xf32, #tpu.memory_space<vmem>>, vector<16xf32>,
      %get3A_301 = vector.shape_cast %get3A_300 : vector<16xf32> to vector<16xf32>
      %add3A_302 = arith.addf %add3A_296, %get3A_301 : vector<16xf32>
      %add3A_303 = arith.constant 11264 : i32
      %add3A_304 = arith.addi %add3A_303, %mul3A_168 : i32
      %get3A_305 = arith.index_cast %add3A_304 : i32 to index
      %get3A_306 = tpu.vector_load %arg19[%get3A_305] {strides = array<i32>} : memref<13312xf32, #tpu.memory_space<vmem>>, vector<16xf32>,
      %get3A_307 = vector.shape_cast %get3A_306 : vector<16xf32> to vector<16xf32>
      %add3A_308 = arith.addf %add3A_302, %get3A_307 : vector<16xf32>
      %add3A_309 = arith.constant 11776 : i32
      %add3A_310 = arith.addi %add3A_309, %mul3A_168 : i32
      %get3A_311 = arith.index_cast %add3A_310 : i32 to index
      %get3A_312 = tpu.vector_load %arg19[%get3A_311] {strides = array<i32>} : memref<13312xf32, #tpu.memory_space<vmem>>, vector<16xf32>,
      %get3A_313 = vector.shape_cast %get3A_312 : vector<16xf32> to vector<16xf32>
      %add3A_314 = arith.addf %add3A_308, %get3A_313 : vector<16xf32>
      %add3A_315 = arith.constant 12288 : i32
      %add3A_316 = arith.addi %add3A_315, %mul3A_168 : i32
      %get3A_317 = arith.index_cast %add3A_316 : i32 to index
      %get3A_318 = tpu.vector_load %arg19[%get3A_317] {strides = array<i32>} : memref<13312xf32, #tpu.memory_space<vmem>>, vector<16xf32>,
      %get3A_319 = vector.shape_cast %get3A_318 : vector<16xf32> to vector<16xf32>
      %add3A_320 = arith.addf %add3A_314, %get3A_319 : vector<16xf32>
      %add3A_321 = arith.constant 12800 : i32
      %add3A_322 = arith.addi %add3A_321, %mul3A_168 : i32
      %get3A_323 = arith.index_cast %add3A_322 : i32 to index
      %get3A_324 = tpu.vector_load %arg19[%get3A_323] {strides = array<i32>} : memref<13312xf32, #tpu.memory_space<vmem>>, vector<16xf32>,
      %get3A_325 = vector.shape_cast %get3A_324 : vector<16xf32> to vector<16xf32>
      %add3A_326 = arith.addf %add3A_320, %get3A_325 : vector<16xf32>
      %swap3A = arith.index_cast %mul3A_168 : i32 to index
      %swap3A_327 = tpu.vector_load %arg20[%swap3A] {strides = array<i32>} : memref<512xf32, #tpu.memory_space<vmem>>, vector<16xf32>,
      %swap3A_328 = vector.shape_cast %swap3A_327 : vector<16xf32> to vector<16xf32>
      %swap3A_329 = vector.shape_cast %add3A_326 : vector<16xf32> to vector<16xf32>
      tpu.vector_store %arg20[%swap3A], %swap3A_329 {strides = array<i32>} : memref<512xf32, #tpu.memory_space<vmem>>, vector<16xf32>,
    }
    %scan3A_163 = arith.constant 32 : i32
    %mul3A_164 = arith.constant 512 : i32
    %mul3A_165 = arith.muli %add3A, %mul3A_164 : i32
    "tpu.region"() ({
      %run_scoped3A = tpu.sem_alloc : memref<!tpu.dma_semaphore, #tpu.memory_space<semaphore_mem>>
      %dma_start3A = tpu.memref_slice %arg17[%mul3A_165] : memref<16384xf32, #tpu.memory_space<hbm>> -> memref<512xf32, #tpu.memory_space<hbm>>
      %dma_start3A_166 = tpu.memref_slice %arg17[%mul3A_165] : memref<16384xf32, #tpu.memory_space<hbm>> -> memref<512xf32, #tpu.memory_space<hbm>>
      tpu.enqueue_dma source(%arg20 : memref<512xf32, #tpu.memory_space<vmem>>) target(%dma_start3A_166 : memref<512xf32, #tpu.memory_space<hbm>>) target_semaphore(%run_scoped3A : memref<!tpu.dma_semaphore, #tpu.memory_space<semaphore_mem>>)
      %dma_wait3A = tpu.memref_slice %arg17[%mul3A_165] : memref<16384xf32, #tpu.memory_space<hbm>> -> memref<512xf32, #tpu.memory_space<hbm>>
      %dma_wait3A_167 = tpu.memref_slice %arg17[%mul3A_165] : memref<16384xf32, #tpu.memory_space<hbm>> -> memref<512xf32, #tpu.memory_space<hbm>>
      tpu.wait_dma2 semaphore(%run_scoped3A : memref<!tpu.dma_semaphore, #tpu.memory_space<semaphore_mem>>) src(%arg20 : memref<512xf32, #tpu.memory_space<vmem>>) dst(%dma_wait3A_167 : memref<512xf32, #tpu.memory_space<hbm>>)
      tpu.yield
    }) : () -> ()
    return
  }
}

#map = affine_map<(d0, d1) -> (0)>
module attributes {stable_mosaic.version = 14 : i64} {
  func.func @_index_body(%arg0: i32, %arg1: i32, %arg2: memref<425984xi32, #tpu.memory_space<hbm>>, %arg3: memref<425984xi32, #tpu.memory_space<hbm>>, %arg4: memref<13312xi32, #tpu.memory_space<vmem>>, %arg5: memref<!tpu.dma_semaphore, #tpu.memory_space<semaphore_mem>>) attributes {dimension_semantics = [#tpu.dimension_semantics<core_parallel>, #tpu.dimension_semantics<subcore_parallel>], iteration_bounds = array<i64: 2, 16>, scalar_prefetch = 0 : i64, scratch_operands = 2 : i64, tpu.core_type = #tpu.core_type<sc_vector_subcore>, window_params = [{transform_indices = #map}, {transform_indices = #map}]} {
    %mul3A = arith.constant 16 : i32
    %mul3A_0 = arith.muli %arg0, %mul3A : i32
    %add3A = arith.addi %mul3A_0, %arg1 : i32
    %mul3A_1 = arith.constant 512 : i32
    %mul3A_2 = arith.muli %add3A, %mul3A_1 : i32
    %add3A_3 = arith.constant 0 : i32
    %add3A_4 = arith.addi %add3A_3, %mul3A_2 : i32
    %dma_start3A = arith.constant 0 : i32
    %dma_start3A_5 = tpu.memref_slice %arg4[%dma_start3A] : memref<13312xi32, #tpu.memory_space<vmem>> -> memref<512xi32, #tpu.memory_space<vmem>>
    %dma_start3A_6 = tpu.memref_slice %arg2[%add3A_4] : memref<425984xi32, #tpu.memory_space<hbm>> -> memref<512xi32, #tpu.memory_space<hbm>>
    %dma_start3A_7 = arith.constant 0 : i32
    %dma_start3A_8 = tpu.memref_slice %arg4[%dma_start3A_7] : memref<13312xi32, #tpu.memory_space<vmem>> -> memref<512xi32, #tpu.memory_space<vmem>>
    %dma_start3A_9 = tpu.memref_slice %arg2[%add3A_4] : memref<425984xi32, #tpu.memory_space<hbm>> -> memref<512xi32, #tpu.memory_space<hbm>>
    tpu.enqueue_dma source(%dma_start3A_9 : memref<512xi32, #tpu.memory_space<hbm>>) target(%dma_start3A_8 : memref<512xi32, #tpu.memory_space<vmem>>) target_semaphore(%arg5 : memref<!tpu.dma_semaphore, #tpu.memory_space<semaphore_mem>>)
    %mul3A_10 = arith.constant 512 : i32
    %mul3A_11 = arith.muli %add3A, %mul3A_10 : i32
    %add3A_12 = arith.constant 16384 : i32
    %add3A_13 = arith.addi %add3A_12, %mul3A_11 : i32
    %dma_start3A_14 = arith.constant 512 : i32
    %dma_start3A_15 = tpu.memref_slice %arg4[%dma_start3A_14] : memref<13312xi32, #tpu.memory_space<vmem>> -> memref<512xi32, #tpu.memory_space<vmem>>
    %dma_start3A_16 = tpu.memref_slice %arg2[%add3A_13] : memref<425984xi32, #tpu.memory_space<hbm>> -> memref<512xi32, #tpu.memory_space<hbm>>
    %dma_start3A_17 = arith.constant 512 : i32
    %dma_start3A_18 = tpu.memref_slice %arg4[%dma_start3A_17] : memref<13312xi32, #tpu.memory_space<vmem>> -> memref<512xi32, #tpu.memory_space<vmem>>
    %dma_start3A_19 = tpu.memref_slice %arg2[%add3A_13] : memref<425984xi32, #tpu.memory_space<hbm>> -> memref<512xi32, #tpu.memory_space<hbm>>
    tpu.enqueue_dma source(%dma_start3A_19 : memref<512xi32, #tpu.memory_space<hbm>>) target(%dma_start3A_18 : memref<512xi32, #tpu.memory_space<vmem>>) target_semaphore(%arg5 : memref<!tpu.dma_semaphore, #tpu.memory_space<semaphore_mem>>)
    %mul3A_20 = arith.constant 512 : i32
    %mul3A_21 = arith.muli %add3A, %mul3A_20 : i32
    %add3A_22 = arith.constant 32768 : i32
    %add3A_23 = arith.addi %add3A_22, %mul3A_21 : i32
    %dma_start3A_24 = arith.constant 1024 : i32
    %dma_start3A_25 = tpu.memref_slice %arg4[%dma_start3A_24] : memref<13312xi32, #tpu.memory_space<vmem>> -> memref<512xi32, #tpu.memory_space<vmem>>
    %dma_start3A_26 = tpu.memref_slice %arg2[%add3A_23] : memref<425984xi32, #tpu.memory_space<hbm>> -> memref<512xi32, #tpu.memory_space<hbm>>
    %dma_start3A_27 = arith.constant 1024 : i32
    %dma_start3A_28 = tpu.memref_slice %arg4[%dma_start3A_27] : memref<13312xi32, #tpu.memory_space<vmem>> -> memref<512xi32, #tpu.memory_space<vmem>>
    %dma_start3A_29 = tpu.memref_slice %arg2[%add3A_23] : memref<425984xi32, #tpu.memory_space<hbm>> -> memref<512xi32, #tpu.memory_space<hbm>>
    tpu.enqueue_dma source(%dma_start3A_29 : memref<512xi32, #tpu.memory_space<hbm>>) target(%dma_start3A_28 : memref<512xi32, #tpu.memory_space<vmem>>) target_semaphore(%arg5 : memref<!tpu.dma_semaphore, #tpu.memory_space<semaphore_mem>>)
    %mul3A_30 = arith.constant 512 : i32
    %mul3A_31 = arith.muli %add3A, %mul3A_30 : i32
    %add3A_32 = arith.constant 49152 : i32
    %add3A_33 = arith.addi %add3A_32, %mul3A_31 : i32
    %dma_start3A_34 = arith.constant 1536 : i32
    %dma_start3A_35 = tpu.memref_slice %arg4[%dma_start3A_34] : memref<13312xi32, #tpu.memory_space<vmem>> -> memref<512xi32, #tpu.memory_space<vmem>>
    %dma_start3A_36 = tpu.memref_slice %arg2[%add3A_33] : memref<425984xi32, #tpu.memory_space<hbm>> -> memref<512xi32, #tpu.memory_space<hbm>>
    %dma_start3A_37 = arith.constant 1536 : i32
    %dma_start3A_38 = tpu.memref_slice %arg4[%dma_start3A_37] : memref<13312xi32, #tpu.memory_space<vmem>> -> memref<512xi32, #tpu.memory_space<vmem>>
    %dma_start3A_39 = tpu.memref_slice %arg2[%add3A_33] : memref<425984xi32, #tpu.memory_space<hbm>> -> memref<512xi32, #tpu.memory_space<hbm>>
    tpu.enqueue_dma source(%dma_start3A_39 : memref<512xi32, #tpu.memory_space<hbm>>) target(%dma_start3A_38 : memref<512xi32, #tpu.memory_space<vmem>>) target_semaphore(%arg5 : memref<!tpu.dma_semaphore, #tpu.memory_space<semaphore_mem>>)
    %mul3A_40 = arith.constant 512 : i32
    %mul3A_41 = arith.muli %add3A, %mul3A_40 : i32
    %add3A_42 = arith.constant 65536 : i32
    %add3A_43 = arith.addi %add3A_42, %mul3A_41 : i32
    %dma_start3A_44 = arith.constant 2048 : i32
    %dma_start3A_45 = tpu.memref_slice %arg4[%dma_start3A_44] : memref<13312xi32, #tpu.memory_space<vmem>> -> memref<512xi32, #tpu.memory_space<vmem>>
    %dma_start3A_46 = tpu.memref_slice %arg2[%add3A_43] : memref<425984xi32, #tpu.memory_space<hbm>> -> memref<512xi32, #tpu.memory_space<hbm>>
    %dma_start3A_47 = arith.constant 2048 : i32
    %dma_start3A_48 = tpu.memref_slice %arg4[%dma_start3A_47] : memref<13312xi32, #tpu.memory_space<vmem>> -> memref<512xi32, #tpu.memory_space<vmem>>
    %dma_start3A_49 = tpu.memref_slice %arg2[%add3A_43] : memref<425984xi32, #tpu.memory_space<hbm>> -> memref<512xi32, #tpu.memory_space<hbm>>
    tpu.enqueue_dma source(%dma_start3A_49 : memref<512xi32, #tpu.memory_space<hbm>>) target(%dma_start3A_48 : memref<512xi32, #tpu.memory_space<vmem>>) target_semaphore(%arg5 : memref<!tpu.dma_semaphore, #tpu.memory_space<semaphore_mem>>)
    %mul3A_50 = arith.constant 512 : i32
    %mul3A_51 = arith.muli %add3A, %mul3A_50 : i32
    %add3A_52 = arith.constant 81920 : i32
    %add3A_53 = arith.addi %add3A_52, %mul3A_51 : i32
    %dma_start3A_54 = arith.constant 2560 : i32
    %dma_start3A_55 = tpu.memref_slice %arg4[%dma_start3A_54] : memref<13312xi32, #tpu.memory_space<vmem>> -> memref<512xi32, #tpu.memory_space<vmem>>
    %dma_start3A_56 = tpu.memref_slice %arg2[%add3A_53] : memref<425984xi32, #tpu.memory_space<hbm>> -> memref<512xi32, #tpu.memory_space<hbm>>
    %dma_start3A_57 = arith.constant 2560 : i32
    %dma_start3A_58 = tpu.memref_slice %arg4[%dma_start3A_57] : memref<13312xi32, #tpu.memory_space<vmem>> -> memref<512xi32, #tpu.memory_space<vmem>>
    %dma_start3A_59 = tpu.memref_slice %arg2[%add3A_53] : memref<425984xi32, #tpu.memory_space<hbm>> -> memref<512xi32, #tpu.memory_space<hbm>>
    tpu.enqueue_dma source(%dma_start3A_59 : memref<512xi32, #tpu.memory_space<hbm>>) target(%dma_start3A_58 : memref<512xi32, #tpu.memory_space<vmem>>) target_semaphore(%arg5 : memref<!tpu.dma_semaphore, #tpu.memory_space<semaphore_mem>>)
    %mul3A_60 = arith.constant 512 : i32
    %mul3A_61 = arith.muli %add3A, %mul3A_60 : i32
    %add3A_62 = arith.constant 98304 : i32
    %add3A_63 = arith.addi %add3A_62, %mul3A_61 : i32
    %dma_start3A_64 = arith.constant 3072 : i32
    %dma_start3A_65 = tpu.memref_slice %arg4[%dma_start3A_64] : memref<13312xi32, #tpu.memory_space<vmem>> -> memref<512xi32, #tpu.memory_space<vmem>>
    %dma_start3A_66 = tpu.memref_slice %arg2[%add3A_63] : memref<425984xi32, #tpu.memory_space<hbm>> -> memref<512xi32, #tpu.memory_space<hbm>>
    %dma_start3A_67 = arith.constant 3072 : i32
    %dma_start3A_68 = tpu.memref_slice %arg4[%dma_start3A_67] : memref<13312xi32, #tpu.memory_space<vmem>> -> memref<512xi32, #tpu.memory_space<vmem>>
    %dma_start3A_69 = tpu.memref_slice %arg2[%add3A_63] : memref<425984xi32, #tpu.memory_space<hbm>> -> memref<512xi32, #tpu.memory_space<hbm>>
    tpu.enqueue_dma source(%dma_start3A_69 : memref<512xi32, #tpu.memory_space<hbm>>) target(%dma_start3A_68 : memref<512xi32, #tpu.memory_space<vmem>>) target_semaphore(%arg5 : memref<!tpu.dma_semaphore, #tpu.memory_space<semaphore_mem>>)
    %mul3A_70 = arith.constant 512 : i32
    %mul3A_71 = arith.muli %add3A, %mul3A_70 : i32
    %add3A_72 = arith.constant 114688 : i32
    %add3A_73 = arith.addi %add3A_72, %mul3A_71 : i32
    %dma_start3A_74 = arith.constant 3584 : i32
    %dma_start3A_75 = tpu.memref_slice %arg4[%dma_start3A_74] : memref<13312xi32, #tpu.memory_space<vmem>> -> memref<512xi32, #tpu.memory_space<vmem>>
    %dma_start3A_76 = tpu.memref_slice %arg2[%add3A_73] : memref<425984xi32, #tpu.memory_space<hbm>> -> memref<512xi32, #tpu.memory_space<hbm>>
    %dma_start3A_77 = arith.constant 3584 : i32
    %dma_start3A_78 = tpu.memref_slice %arg4[%dma_start3A_77] : memref<13312xi32, #tpu.memory_space<vmem>> -> memref<512xi32, #tpu.memory_space<vmem>>
    %dma_start3A_79 = tpu.memref_slice %arg2[%add3A_73] : memref<425984xi32, #tpu.memory_space<hbm>> -> memref<512xi32, #tpu.memory_space<hbm>>
    tpu.enqueue_dma source(%dma_start3A_79 : memref<512xi32, #tpu.memory_space<hbm>>) target(%dma_start3A_78 : memref<512xi32, #tpu.memory_space<vmem>>) target_semaphore(%arg5 : memref<!tpu.dma_semaphore, #tpu.memory_space<semaphore_mem>>)
    %mul3A_80 = arith.constant 512 : i32
    %mul3A_81 = arith.muli %add3A, %mul3A_80 : i32
    %add3A_82 = arith.constant 131072 : i32
    %add3A_83 = arith.addi %add3A_82, %mul3A_81 : i32
    %dma_start3A_84 = arith.constant 4096 : i32
    %dma_start3A_85 = tpu.memref_slice %arg4[%dma_start3A_84] : memref<13312xi32, #tpu.memory_space<vmem>> -> memref<512xi32, #tpu.memory_space<vmem>>
    %dma_start3A_86 = tpu.memref_slice %arg2[%add3A_83] : memref<425984xi32, #tpu.memory_space<hbm>> -> memref<512xi32, #tpu.memory_space<hbm>>
    %dma_start3A_87 = arith.constant 4096 : i32
    %dma_start3A_88 = tpu.memref_slice %arg4[%dma_start3A_87] : memref<13312xi32, #tpu.memory_space<vmem>> -> memref<512xi32, #tpu.memory_space<vmem>>
    %dma_start3A_89 = tpu.memref_slice %arg2[%add3A_83] : memref<425984xi32, #tpu.memory_space<hbm>> -> memref<512xi32, #tpu.memory_space<hbm>>
    tpu.enqueue_dma source(%dma_start3A_89 : memref<512xi32, #tpu.memory_space<hbm>>) target(%dma_start3A_88 : memref<512xi32, #tpu.memory_space<vmem>>) target_semaphore(%arg5 : memref<!tpu.dma_semaphore, #tpu.memory_space<semaphore_mem>>)
    %mul3A_90 = arith.constant 512 : i32
    %mul3A_91 = arith.muli %add3A, %mul3A_90 : i32
    %add3A_92 = arith.constant 147456 : i32
    %add3A_93 = arith.addi %add3A_92, %mul3A_91 : i32
    %dma_start3A_94 = arith.constant 4608 : i32
    %dma_start3A_95 = tpu.memref_slice %arg4[%dma_start3A_94] : memref<13312xi32, #tpu.memory_space<vmem>> -> memref<512xi32, #tpu.memory_space<vmem>>
    %dma_start3A_96 = tpu.memref_slice %arg2[%add3A_93] : memref<425984xi32, #tpu.memory_space<hbm>> -> memref<512xi32, #tpu.memory_space<hbm>>
    %dma_start3A_97 = arith.constant 4608 : i32
    %dma_start3A_98 = tpu.memref_slice %arg4[%dma_start3A_97] : memref<13312xi32, #tpu.memory_space<vmem>> -> memref<512xi32, #tpu.memory_space<vmem>>
    %dma_start3A_99 = tpu.memref_slice %arg2[%add3A_93] : memref<425984xi32, #tpu.memory_space<hbm>> -> memref<512xi32, #tpu.memory_space<hbm>>
    tpu.enqueue_dma source(%dma_start3A_99 : memref<512xi32, #tpu.memory_space<hbm>>) target(%dma_start3A_98 : memref<512xi32, #tpu.memory_space<vmem>>) target_semaphore(%arg5 : memref<!tpu.dma_semaphore, #tpu.memory_space<semaphore_mem>>)
    %mul3A_100 = arith.constant 512 : i32
    %mul3A_101 = arith.muli %add3A, %mul3A_100 : i32
    %add3A_102 = arith.constant 163840 : i32
    %add3A_103 = arith.addi %add3A_102, %mul3A_101 : i32
    %dma_start3A_104 = arith.constant 5120 : i32
    %dma_start3A_105 = tpu.memref_slice %arg4[%dma_start3A_104] : memref<13312xi32, #tpu.memory_space<vmem>> -> memref<512xi32, #tpu.memory_space<vmem>>
    %dma_start3A_106 = tpu.memref_slice %arg2[%add3A_103] : memref<425984xi32, #tpu.memory_space<hbm>> -> memref<512xi32, #tpu.memory_space<hbm>>
    %dma_start3A_107 = arith.constant 5120 : i32
    %dma_start3A_108 = tpu.memref_slice %arg4[%dma_start3A_107] : memref<13312xi32, #tpu.memory_space<vmem>> -> memref<512xi32, #tpu.memory_space<vmem>>
    %dma_start3A_109 = tpu.memref_slice %arg2[%add3A_103] : memref<425984xi32, #tpu.memory_space<hbm>> -> memref<512xi32, #tpu.memory_space<hbm>>
    tpu.enqueue_dma source(%dma_start3A_109 : memref<512xi32, #tpu.memory_space<hbm>>) target(%dma_start3A_108 : memref<512xi32, #tpu.memory_space<vmem>>) target_semaphore(%arg5 : memref<!tpu.dma_semaphore, #tpu.memory_space<semaphore_mem>>)
    %mul3A_110 = arith.constant 512 : i32
    %mul3A_111 = arith.muli %add3A, %mul3A_110 : i32
    %add3A_112 = arith.constant 180224 : i32
    %add3A_113 = arith.addi %add3A_112, %mul3A_111 : i32
    %dma_start3A_114 = arith.constant 5632 : i32
    %dma_start3A_115 = tpu.memref_slice %arg4[%dma_start3A_114] : memref<13312xi32, #tpu.memory_space<vmem>> -> memref<512xi32, #tpu.memory_space<vmem>>
    %dma_start3A_116 = tpu.memref_slice %arg2[%add3A_113] : memref<425984xi32, #tpu.memory_space<hbm>> -> memref<512xi32, #tpu.memory_space<hbm>>
    %dma_start3A_117 = arith.constant 5632 : i32
    %dma_start3A_118 = tpu.memref_slice %arg4[%dma_start3A_117] : memref<13312xi32, #tpu.memory_space<vmem>> -> memref<512xi32, #tpu.memory_space<vmem>>
    %dma_start3A_119 = tpu.memref_slice %arg2[%add3A_113] : memref<425984xi32, #tpu.memory_space<hbm>> -> memref<512xi32, #tpu.memory_space<hbm>>
    tpu.enqueue_dma source(%dma_start3A_119 : memref<512xi32, #tpu.memory_space<hbm>>) target(%dma_start3A_118 : memref<512xi32, #tpu.memory_space<vmem>>) target_semaphore(%arg5 : memref<!tpu.dma_semaphore, #tpu.memory_space<semaphore_mem>>)
    %mul3A_120 = arith.constant 512 : i32
    %mul3A_121 = arith.muli %add3A, %mul3A_120 : i32
    %add3A_122 = arith.constant 196608 : i32
    %add3A_123 = arith.addi %add3A_122, %mul3A_121 : i32
    %dma_start3A_124 = arith.constant 6144 : i32
    %dma_start3A_125 = tpu.memref_slice %arg4[%dma_start3A_124] : memref<13312xi32, #tpu.memory_space<vmem>> -> memref<512xi32, #tpu.memory_space<vmem>>
    %dma_start3A_126 = tpu.memref_slice %arg2[%add3A_123] : memref<425984xi32, #tpu.memory_space<hbm>> -> memref<512xi32, #tpu.memory_space<hbm>>
    %dma_start3A_127 = arith.constant 6144 : i32
    %dma_start3A_128 = tpu.memref_slice %arg4[%dma_start3A_127] : memref<13312xi32, #tpu.memory_space<vmem>> -> memref<512xi32, #tpu.memory_space<vmem>>
    %dma_start3A_129 = tpu.memref_slice %arg2[%add3A_123] : memref<425984xi32, #tpu.memory_space<hbm>> -> memref<512xi32, #tpu.memory_space<hbm>>
    tpu.enqueue_dma source(%dma_start3A_129 : memref<512xi32, #tpu.memory_space<hbm>>) target(%dma_start3A_128 : memref<512xi32, #tpu.memory_space<vmem>>) target_semaphore(%arg5 : memref<!tpu.dma_semaphore, #tpu.memory_space<semaphore_mem>>)
    %mul3A_130 = arith.constant 512 : i32
    %mul3A_131 = arith.muli %add3A, %mul3A_130 : i32
    %add3A_132 = arith.constant 212992 : i32
    %add3A_133 = arith.addi %add3A_132, %mul3A_131 : i32
    %dma_start3A_134 = arith.constant 6656 : i32
    %dma_start3A_135 = tpu.memref_slice %arg4[%dma_start3A_134] : memref<13312xi32, #tpu.memory_space<vmem>> -> memref<512xi32, #tpu.memory_space<vmem>>
    %dma_start3A_136 = tpu.memref_slice %arg2[%add3A_133] : memref<425984xi32, #tpu.memory_space<hbm>> -> memref<512xi32, #tpu.memory_space<hbm>>
    %dma_start3A_137 = arith.constant 6656 : i32
    %dma_start3A_138 = tpu.memref_slice %arg4[%dma_start3A_137] : memref<13312xi32, #tpu.memory_space<vmem>> -> memref<512xi32, #tpu.memory_space<vmem>>
    %dma_start3A_139 = tpu.memref_slice %arg2[%add3A_133] : memref<425984xi32, #tpu.memory_space<hbm>> -> memref<512xi32, #tpu.memory_space<hbm>>
    tpu.enqueue_dma source(%dma_start3A_139 : memref<512xi32, #tpu.memory_space<hbm>>) target(%dma_start3A_138 : memref<512xi32, #tpu.memory_space<vmem>>) target_semaphore(%arg5 : memref<!tpu.dma_semaphore, #tpu.memory_space<semaphore_mem>>)
    %mul3A_140 = arith.constant 512 : i32
    %mul3A_141 = arith.muli %add3A, %mul3A_140 : i32
    %add3A_142 = arith.constant 229376 : i32
    %add3A_143 = arith.addi %add3A_142, %mul3A_141 : i32
    %dma_start3A_144 = arith.constant 7168 : i32
    %dma_start3A_145 = tpu.memref_slice %arg4[%dma_start3A_144] : memref<13312xi32, #tpu.memory_space<vmem>> -> memref<512xi32, #tpu.memory_space<vmem>>
    %dma_start3A_146 = tpu.memref_slice %arg2[%add3A_143] : memref<425984xi32, #tpu.memory_space<hbm>> -> memref<512xi32, #tpu.memory_space<hbm>>
    %dma_start3A_147 = arith.constant 7168 : i32
    %dma_start3A_148 = tpu.memref_slice %arg4[%dma_start3A_147] : memref<13312xi32, #tpu.memory_space<vmem>> -> memref<512xi32, #tpu.memory_space<vmem>>
    %dma_start3A_149 = tpu.memref_slice %arg2[%add3A_143] : memref<425984xi32, #tpu.memory_space<hbm>> -> memref<512xi32, #tpu.memory_space<hbm>>
    tpu.enqueue_dma source(%dma_start3A_149 : memref<512xi32, #tpu.memory_space<hbm>>) target(%dma_start3A_148 : memref<512xi32, #tpu.memory_space<vmem>>) target_semaphore(%arg5 : memref<!tpu.dma_semaphore, #tpu.memory_space<semaphore_mem>>)
    %mul3A_150 = arith.constant 512 : i32
    %mul3A_151 = arith.muli %add3A, %mul3A_150 : i32
    %add3A_152 = arith.constant 245760 : i32
    %add3A_153 = arith.addi %add3A_152, %mul3A_151 : i32
    %dma_start3A_154 = arith.constant 7680 : i32
    %dma_start3A_155 = tpu.memref_slice %arg4[%dma_start3A_154] : memref<13312xi32, #tpu.memory_space<vmem>> -> memref<512xi32, #tpu.memory_space<vmem>>
    %dma_start3A_156 = tpu.memref_slice %arg2[%add3A_153] : memref<425984xi32, #tpu.memory_space<hbm>> -> memref<512xi32, #tpu.memory_space<hbm>>
    %dma_start3A_157 = arith.constant 7680 : i32
    %dma_start3A_158 = tpu.memref_slice %arg4[%dma_start3A_157] : memref<13312xi32, #tpu.memory_space<vmem>> -> memref<512xi32, #tpu.memory_space<vmem>>
    %dma_start3A_159 = tpu.memref_slice %arg2[%add3A_153] : memref<425984xi32, #tpu.memory_space<hbm>> -> memref<512xi32, #tpu.memory_space<hbm>>
    tpu.enqueue_dma source(%dma_start3A_159 : memref<512xi32, #tpu.memory_space<hbm>>) target(%dma_start3A_158 : memref<512xi32, #tpu.memory_space<vmem>>) target_semaphore(%arg5 : memref<!tpu.dma_semaphore, #tpu.memory_space<semaphore_mem>>)
    %mul3A_160 = arith.constant 512 : i32
    %mul3A_161 = arith.muli %add3A, %mul3A_160 : i32
    %add3A_162 = arith.constant 262144 : i32
    %add3A_163 = arith.addi %add3A_162, %mul3A_161 : i32
    %dma_start3A_164 = arith.constant 8192 : i32
    %dma_start3A_165 = tpu.memref_slice %arg4[%dma_start3A_164] : memref<13312xi32, #tpu.memory_space<vmem>> -> memref<512xi32, #tpu.memory_space<vmem>>
    %dma_start3A_166 = tpu.memref_slice %arg2[%add3A_163] : memref<425984xi32, #tpu.memory_space<hbm>> -> memref<512xi32, #tpu.memory_space<hbm>>
    %dma_start3A_167 = arith.constant 8192 : i32
    %dma_start3A_168 = tpu.memref_slice %arg4[%dma_start3A_167] : memref<13312xi32, #tpu.memory_space<vmem>> -> memref<512xi32, #tpu.memory_space<vmem>>
    %dma_start3A_169 = tpu.memref_slice %arg2[%add3A_163] : memref<425984xi32, #tpu.memory_space<hbm>> -> memref<512xi32, #tpu.memory_space<hbm>>
    tpu.enqueue_dma source(%dma_start3A_169 : memref<512xi32, #tpu.memory_space<hbm>>) target(%dma_start3A_168 : memref<512xi32, #tpu.memory_space<vmem>>) target_semaphore(%arg5 : memref<!tpu.dma_semaphore, #tpu.memory_space<semaphore_mem>>)
    %mul3A_170 = arith.constant 512 : i32
    %mul3A_171 = arith.muli %add3A, %mul3A_170 : i32
    %add3A_172 = arith.constant 278528 : i32
    %add3A_173 = arith.addi %add3A_172, %mul3A_171 : i32
    %dma_start3A_174 = arith.constant 8704 : i32
    %dma_start3A_175 = tpu.memref_slice %arg4[%dma_start3A_174] : memref<13312xi32, #tpu.memory_space<vmem>> -> memref<512xi32, #tpu.memory_space<vmem>>
    %dma_start3A_176 = tpu.memref_slice %arg2[%add3A_173] : memref<425984xi32, #tpu.memory_space<hbm>> -> memref<512xi32, #tpu.memory_space<hbm>>
    %dma_start3A_177 = arith.constant 8704 : i32
    %dma_start3A_178 = tpu.memref_slice %arg4[%dma_start3A_177] : memref<13312xi32, #tpu.memory_space<vmem>> -> memref<512xi32, #tpu.memory_space<vmem>>
    %dma_start3A_179 = tpu.memref_slice %arg2[%add3A_173] : memref<425984xi32, #tpu.memory_space<hbm>> -> memref<512xi32, #tpu.memory_space<hbm>>
    tpu.enqueue_dma source(%dma_start3A_179 : memref<512xi32, #tpu.memory_space<hbm>>) target(%dma_start3A_178 : memref<512xi32, #tpu.memory_space<vmem>>) target_semaphore(%arg5 : memref<!tpu.dma_semaphore, #tpu.memory_space<semaphore_mem>>)
    %mul3A_180 = arith.constant 512 : i32
    %mul3A_181 = arith.muli %add3A, %mul3A_180 : i32
    %add3A_182 = arith.constant 294912 : i32
    %add3A_183 = arith.addi %add3A_182, %mul3A_181 : i32
    %dma_start3A_184 = arith.constant 9216 : i32
    %dma_start3A_185 = tpu.memref_slice %arg4[%dma_start3A_184] : memref<13312xi32, #tpu.memory_space<vmem>> -> memref<512xi32, #tpu.memory_space<vmem>>
    %dma_start3A_186 = tpu.memref_slice %arg2[%add3A_183] : memref<425984xi32, #tpu.memory_space<hbm>> -> memref<512xi32, #tpu.memory_space<hbm>>
    %dma_start3A_187 = arith.constant 9216 : i32
    %dma_start3A_188 = tpu.memref_slice %arg4[%dma_start3A_187] : memref<13312xi32, #tpu.memory_space<vmem>> -> memref<512xi32, #tpu.memory_space<vmem>>
    %dma_start3A_189 = tpu.memref_slice %arg2[%add3A_183] : memref<425984xi32, #tpu.memory_space<hbm>> -> memref<512xi32, #tpu.memory_space<hbm>>
    tpu.enqueue_dma source(%dma_start3A_189 : memref<512xi32, #tpu.memory_space<hbm>>) target(%dma_start3A_188 : memref<512xi32, #tpu.memory_space<vmem>>) target_semaphore(%arg5 : memref<!tpu.dma_semaphore, #tpu.memory_space<semaphore_mem>>)
    %mul3A_190 = arith.constant 512 : i32
    %mul3A_191 = arith.muli %add3A, %mul3A_190 : i32
    %add3A_192 = arith.constant 311296 : i32
    %add3A_193 = arith.addi %add3A_192, %mul3A_191 : i32
    %dma_start3A_194 = arith.constant 9728 : i32
    %dma_start3A_195 = tpu.memref_slice %arg4[%dma_start3A_194] : memref<13312xi32, #tpu.memory_space<vmem>> -> memref<512xi32, #tpu.memory_space<vmem>>
    %dma_start3A_196 = tpu.memref_slice %arg2[%add3A_193] : memref<425984xi32, #tpu.memory_space<hbm>> -> memref<512xi32, #tpu.memory_space<hbm>>
    %dma_start3A_197 = arith.constant 9728 : i32
    %dma_start3A_198 = tpu.memref_slice %arg4[%dma_start3A_197] : memref<13312xi32, #tpu.memory_space<vmem>> -> memref<512xi32, #tpu.memory_space<vmem>>
    %dma_start3A_199 = tpu.memref_slice %arg2[%add3A_193] : memref<425984xi32, #tpu.memory_space<hbm>> -> memref<512xi32, #tpu.memory_space<hbm>>
    tpu.enqueue_dma source(%dma_start3A_199 : memref<512xi32, #tpu.memory_space<hbm>>) target(%dma_start3A_198 : memref<512xi32, #tpu.memory_space<vmem>>) target_semaphore(%arg5 : memref<!tpu.dma_semaphore, #tpu.memory_space<semaphore_mem>>)
    %mul3A_200 = arith.constant 512 : i32
    %mul3A_201 = arith.muli %add3A, %mul3A_200 : i32
    %add3A_202 = arith.constant 327680 : i32
    %add3A_203 = arith.addi %add3A_202, %mul3A_201 : i32
    %dma_start3A_204 = arith.constant 10240 : i32
    %dma_start3A_205 = tpu.memref_slice %arg4[%dma_start3A_204] : memref<13312xi32, #tpu.memory_space<vmem>> -> memref<512xi32, #tpu.memory_space<vmem>>
    %dma_start3A_206 = tpu.memref_slice %arg2[%add3A_203] : memref<425984xi32, #tpu.memory_space<hbm>> -> memref<512xi32, #tpu.memory_space<hbm>>
    %dma_start3A_207 = arith.constant 10240 : i32
    %dma_start3A_208 = tpu.memref_slice %arg4[%dma_start3A_207] : memref<13312xi32, #tpu.memory_space<vmem>> -> memref<512xi32, #tpu.memory_space<vmem>>
    %dma_start3A_209 = tpu.memref_slice %arg2[%add3A_203] : memref<425984xi32, #tpu.memory_space<hbm>> -> memref<512xi32, #tpu.memory_space<hbm>>
    tpu.enqueue_dma source(%dma_start3A_209 : memref<512xi32, #tpu.memory_space<hbm>>) target(%dma_start3A_208 : memref<512xi32, #tpu.memory_space<vmem>>) target_semaphore(%arg5 : memref<!tpu.dma_semaphore, #tpu.memory_space<semaphore_mem>>)
    %mul3A_210 = arith.constant 512 : i32
    %mul3A_211 = arith.muli %add3A, %mul3A_210 : i32
    %add3A_212 = arith.constant 344064 : i32
    %add3A_213 = arith.addi %add3A_212, %mul3A_211 : i32
    %dma_start3A_214 = arith.constant 10752 : i32
    %dma_start3A_215 = tpu.memref_slice %arg4[%dma_start3A_214] : memref<13312xi32, #tpu.memory_space<vmem>> -> memref<512xi32, #tpu.memory_space<vmem>>
    %dma_start3A_216 = tpu.memref_slice %arg2[%add3A_213] : memref<425984xi32, #tpu.memory_space<hbm>> -> memref<512xi32, #tpu.memory_space<hbm>>
    %dma_start3A_217 = arith.constant 10752 : i32
    %dma_start3A_218 = tpu.memref_slice %arg4[%dma_start3A_217] : memref<13312xi32, #tpu.memory_space<vmem>> -> memref<512xi32, #tpu.memory_space<vmem>>
    %dma_start3A_219 = tpu.memref_slice %arg2[%add3A_213] : memref<425984xi32, #tpu.memory_space<hbm>> -> memref<512xi32, #tpu.memory_space<hbm>>
    tpu.enqueue_dma source(%dma_start3A_219 : memref<512xi32, #tpu.memory_space<hbm>>) target(%dma_start3A_218 : memref<512xi32, #tpu.memory_space<vmem>>) target_semaphore(%arg5 : memref<!tpu.dma_semaphore, #tpu.memory_space<semaphore_mem>>)
    %mul3A_220 = arith.constant 512 : i32
    %mul3A_221 = arith.muli %add3A, %mul3A_220 : i32
    %add3A_222 = arith.constant 360448 : i32
    %add3A_223 = arith.addi %add3A_222, %mul3A_221 : i32
    %dma_start3A_224 = arith.constant 11264 : i32
    %dma_start3A_225 = tpu.memref_slice %arg4[%dma_start3A_224] : memref<13312xi32, #tpu.memory_space<vmem>> -> memref<512xi32, #tpu.memory_space<vmem>>
    %dma_start3A_226 = tpu.memref_slice %arg2[%add3A_223] : memref<425984xi32, #tpu.memory_space<hbm>> -> memref<512xi32, #tpu.memory_space<hbm>>
    %dma_start3A_227 = arith.constant 11264 : i32
    %dma_start3A_228 = tpu.memref_slice %arg4[%dma_start3A_227] : memref<13312xi32, #tpu.memory_space<vmem>> -> memref<512xi32, #tpu.memory_space<vmem>>
    %dma_start3A_229 = tpu.memref_slice %arg2[%add3A_223] : memref<425984xi32, #tpu.memory_space<hbm>> -> memref<512xi32, #tpu.memory_space<hbm>>
    tpu.enqueue_dma source(%dma_start3A_229 : memref<512xi32, #tpu.memory_space<hbm>>) target(%dma_start3A_228 : memref<512xi32, #tpu.memory_space<vmem>>) target_semaphore(%arg5 : memref<!tpu.dma_semaphore, #tpu.memory_space<semaphore_mem>>)
    %mul3A_230 = arith.constant 512 : i32
    %mul3A_231 = arith.muli %add3A, %mul3A_230 : i32
    %add3A_232 = arith.constant 376832 : i32
    %add3A_233 = arith.addi %add3A_232, %mul3A_231 : i32
    %dma_start3A_234 = arith.constant 11776 : i32
    %dma_start3A_235 = tpu.memref_slice %arg4[%dma_start3A_234] : memref<13312xi32, #tpu.memory_space<vmem>> -> memref<512xi32, #tpu.memory_space<vmem>>
    %dma_start3A_236 = tpu.memref_slice %arg2[%add3A_233] : memref<425984xi32, #tpu.memory_space<hbm>> -> memref<512xi32, #tpu.memory_space<hbm>>
    %dma_start3A_237 = arith.constant 11776 : i32
    %dma_start3A_238 = tpu.memref_slice %arg4[%dma_start3A_237] : memref<13312xi32, #tpu.memory_space<vmem>> -> memref<512xi32, #tpu.memory_space<vmem>>
    %dma_start3A_239 = tpu.memref_slice %arg2[%add3A_233] : memref<425984xi32, #tpu.memory_space<hbm>> -> memref<512xi32, #tpu.memory_space<hbm>>
    tpu.enqueue_dma source(%dma_start3A_239 : memref<512xi32, #tpu.memory_space<hbm>>) target(%dma_start3A_238 : memref<512xi32, #tpu.memory_space<vmem>>) target_semaphore(%arg5 : memref<!tpu.dma_semaphore, #tpu.memory_space<semaphore_mem>>)
    %mul3A_240 = arith.constant 512 : i32
    %mul3A_241 = arith.muli %add3A, %mul3A_240 : i32
    %add3A_242 = arith.constant 393216 : i32
    %add3A_243 = arith.addi %add3A_242, %mul3A_241 : i32
    %dma_start3A_244 = arith.constant 12288 : i32
    %dma_start3A_245 = tpu.memref_slice %arg4[%dma_start3A_244] : memref<13312xi32, #tpu.memory_space<vmem>> -> memref<512xi32, #tpu.memory_space<vmem>>
    %dma_start3A_246 = tpu.memref_slice %arg2[%add3A_243] : memref<425984xi32, #tpu.memory_space<hbm>> -> memref<512xi32, #tpu.memory_space<hbm>>
    %dma_start3A_247 = arith.constant 12288 : i32
    %dma_start3A_248 = tpu.memref_slice %arg4[%dma_start3A_247] : memref<13312xi32, #tpu.memory_space<vmem>> -> memref<512xi32, #tpu.memory_space<vmem>>
    %dma_start3A_249 = tpu.memref_slice %arg2[%add3A_243] : memref<425984xi32, #tpu.memory_space<hbm>> -> memref<512xi32, #tpu.memory_space<hbm>>
    tpu.enqueue_dma source(%dma_start3A_249 : memref<512xi32, #tpu.memory_space<hbm>>) target(%dma_start3A_248 : memref<512xi32, #tpu.memory_space<vmem>>) target_semaphore(%arg5 : memref<!tpu.dma_semaphore, #tpu.memory_space<semaphore_mem>>)
    %mul3A_250 = arith.constant 512 : i32
    %mul3A_251 = arith.muli %add3A, %mul3A_250 : i32
    %add3A_252 = arith.constant 409600 : i32
    %add3A_253 = arith.addi %add3A_252, %mul3A_251 : i32
    %dma_start3A_254 = arith.constant 12800 : i32
    %dma_start3A_255 = tpu.memref_slice %arg4[%dma_start3A_254] : memref<13312xi32, #tpu.memory_space<vmem>> -> memref<512xi32, #tpu.memory_space<vmem>>
    %dma_start3A_256 = tpu.memref_slice %arg2[%add3A_253] : memref<425984xi32, #tpu.memory_space<hbm>> -> memref<512xi32, #tpu.memory_space<hbm>>
    %dma_start3A_257 = arith.constant 12800 : i32
    %dma_start3A_258 = tpu.memref_slice %arg4[%dma_start3A_257] : memref<13312xi32, #tpu.memory_space<vmem>> -> memref<512xi32, #tpu.memory_space<vmem>>
    %dma_start3A_259 = tpu.memref_slice %arg2[%add3A_253] : memref<425984xi32, #tpu.memory_space<hbm>> -> memref<512xi32, #tpu.memory_space<hbm>>
    tpu.enqueue_dma source(%dma_start3A_259 : memref<512xi32, #tpu.memory_space<hbm>>) target(%dma_start3A_258 : memref<512xi32, #tpu.memory_space<vmem>>) target_semaphore(%arg5 : memref<!tpu.dma_semaphore, #tpu.memory_space<semaphore_mem>>)
    %mul3A_260 = arith.constant 512 : i32
    %mul3A_261 = arith.muli %add3A, %mul3A_260 : i32
    %add3A_262 = arith.constant 0 : i32
    %add3A_263 = arith.addi %add3A_262, %mul3A_261 : i32
    %dma_wait3A = arith.constant 0 : i32
    %dma_wait3A_264 = tpu.memref_slice %arg4[%dma_wait3A] : memref<13312xi32, #tpu.memory_space<vmem>> -> memref<512xi32, #tpu.memory_space<vmem>>
    %dma_wait3A_265 = tpu.memref_slice %arg2[%add3A_263] : memref<425984xi32, #tpu.memory_space<hbm>> -> memref<512xi32, #tpu.memory_space<hbm>>
    %dma_wait3A_266 = arith.constant 0 : i32
    %dma_wait3A_267 = tpu.memref_slice %arg4[%dma_wait3A_266] : memref<13312xi32, #tpu.memory_space<vmem>> -> memref<512xi32, #tpu.memory_space<vmem>>
    %dma_wait3A_268 = tpu.memref_slice %arg2[%add3A_263] : memref<425984xi32, #tpu.memory_space<hbm>> -> memref<512xi32, #tpu.memory_space<hbm>>
    tpu.wait_dma2 semaphore(%arg5 : memref<!tpu.dma_semaphore, #tpu.memory_space<semaphore_mem>>) src(%dma_wait3A_268 : memref<512xi32, #tpu.memory_space<hbm>>) dst(%dma_wait3A_267 : memref<512xi32, #tpu.memory_space<vmem>>)
    %mul3A_269 = arith.constant 512 : i32
    %mul3A_270 = arith.muli %add3A, %mul3A_269 : i32
    %add3A_271 = arith.constant 16384 : i32
    %add3A_272 = arith.addi %add3A_271, %mul3A_270 : i32
    %dma_wait3A_273 = arith.constant 512 : i32
    %dma_wait3A_274 = tpu.memref_slice %arg4[%dma_wait3A_273] : memref<13312xi32, #tpu.memory_space<vmem>> -> memref<512xi32, #tpu.memory_space<vmem>>
    %dma_wait3A_275 = tpu.memref_slice %arg2[%add3A_272] : memref<425984xi32, #tpu.memory_space<hbm>> -> memref<512xi32, #tpu.memory_space<hbm>>
    %dma_wait3A_276 = arith.constant 512 : i32
    %dma_wait3A_277 = tpu.memref_slice %arg4[%dma_wait3A_276] : memref<13312xi32, #tpu.memory_space<vmem>> -> memref<512xi32, #tpu.memory_space<vmem>>
    %dma_wait3A_278 = tpu.memref_slice %arg2[%add3A_272] : memref<425984xi32, #tpu.memory_space<hbm>> -> memref<512xi32, #tpu.memory_space<hbm>>
    tpu.wait_dma2 semaphore(%arg5 : memref<!tpu.dma_semaphore, #tpu.memory_space<semaphore_mem>>) src(%dma_wait3A_278 : memref<512xi32, #tpu.memory_space<hbm>>) dst(%dma_wait3A_277 : memref<512xi32, #tpu.memory_space<vmem>>)
    %mul3A_279 = arith.constant 512 : i32
    %mul3A_280 = arith.muli %add3A, %mul3A_279 : i32
    %add3A_281 = arith.constant 32768 : i32
    %add3A_282 = arith.addi %add3A_281, %mul3A_280 : i32
    %dma_wait3A_283 = arith.constant 1024 : i32
    %dma_wait3A_284 = tpu.memref_slice %arg4[%dma_wait3A_283] : memref<13312xi32, #tpu.memory_space<vmem>> -> memref<512xi32, #tpu.memory_space<vmem>>
    %dma_wait3A_285 = tpu.memref_slice %arg2[%add3A_282] : memref<425984xi32, #tpu.memory_space<hbm>> -> memref<512xi32, #tpu.memory_space<hbm>>
    %dma_wait3A_286 = arith.constant 1024 : i32
    %dma_wait3A_287 = tpu.memref_slice %arg4[%dma_wait3A_286] : memref<13312xi32, #tpu.memory_space<vmem>> -> memref<512xi32, #tpu.memory_space<vmem>>
    %dma_wait3A_288 = tpu.memref_slice %arg2[%add3A_282] : memref<425984xi32, #tpu.memory_space<hbm>> -> memref<512xi32, #tpu.memory_space<hbm>>
    tpu.wait_dma2 semaphore(%arg5 : memref<!tpu.dma_semaphore, #tpu.memory_space<semaphore_mem>>) src(%dma_wait3A_288 : memref<512xi32, #tpu.memory_space<hbm>>) dst(%dma_wait3A_287 : memref<512xi32, #tpu.memory_space<vmem>>)
    %mul3A_289 = arith.constant 512 : i32
    %mul3A_290 = arith.muli %add3A, %mul3A_289 : i32
    %add3A_291 = arith.constant 49152 : i32
    %add3A_292 = arith.addi %add3A_291, %mul3A_290 : i32
    %dma_wait3A_293 = arith.constant 1536 : i32
    %dma_wait3A_294 = tpu.memref_slice %arg4[%dma_wait3A_293] : memref<13312xi32, #tpu.memory_space<vmem>> -> memref<512xi32, #tpu.memory_space<vmem>>
    %dma_wait3A_295 = tpu.memref_slice %arg2[%add3A_292] : memref<425984xi32, #tpu.memory_space<hbm>> -> memref<512xi32, #tpu.memory_space<hbm>>
    %dma_wait3A_296 = arith.constant 1536 : i32
    %dma_wait3A_297 = tpu.memref_slice %arg4[%dma_wait3A_296] : memref<13312xi32, #tpu.memory_space<vmem>> -> memref<512xi32, #tpu.memory_space<vmem>>
    %dma_wait3A_298 = tpu.memref_slice %arg2[%add3A_292] : memref<425984xi32, #tpu.memory_space<hbm>> -> memref<512xi32, #tpu.memory_space<hbm>>
    tpu.wait_dma2 semaphore(%arg5 : memref<!tpu.dma_semaphore, #tpu.memory_space<semaphore_mem>>) src(%dma_wait3A_298 : memref<512xi32, #tpu.memory_space<hbm>>) dst(%dma_wait3A_297 : memref<512xi32, #tpu.memory_space<vmem>>)
    %mul3A_299 = arith.constant 512 : i32
    %mul3A_300 = arith.muli %add3A, %mul3A_299 : i32
    %add3A_301 = arith.constant 65536 : i32
    %add3A_302 = arith.addi %add3A_301, %mul3A_300 : i32
    %dma_wait3A_303 = arith.constant 2048 : i32
    %dma_wait3A_304 = tpu.memref_slice %arg4[%dma_wait3A_303] : memref<13312xi32, #tpu.memory_space<vmem>> -> memref<512xi32, #tpu.memory_space<vmem>>
    %dma_wait3A_305 = tpu.memref_slice %arg2[%add3A_302] : memref<425984xi32, #tpu.memory_space<hbm>> -> memref<512xi32, #tpu.memory_space<hbm>>
    %dma_wait3A_306 = arith.constant 2048 : i32
    %dma_wait3A_307 = tpu.memref_slice %arg4[%dma_wait3A_306] : memref<13312xi32, #tpu.memory_space<vmem>> -> memref<512xi32, #tpu.memory_space<vmem>>
    %dma_wait3A_308 = tpu.memref_slice %arg2[%add3A_302] : memref<425984xi32, #tpu.memory_space<hbm>> -> memref<512xi32, #tpu.memory_space<hbm>>
    tpu.wait_dma2 semaphore(%arg5 : memref<!tpu.dma_semaphore, #tpu.memory_space<semaphore_mem>>) src(%dma_wait3A_308 : memref<512xi32, #tpu.memory_space<hbm>>) dst(%dma_wait3A_307 : memref<512xi32, #tpu.memory_space<vmem>>)
    %mul3A_309 = arith.constant 512 : i32
    %mul3A_310 = arith.muli %add3A, %mul3A_309 : i32
    %add3A_311 = arith.constant 81920 : i32
    %add3A_312 = arith.addi %add3A_311, %mul3A_310 : i32
    %dma_wait3A_313 = arith.constant 2560 : i32
    %dma_wait3A_314 = tpu.memref_slice %arg4[%dma_wait3A_313] : memref<13312xi32, #tpu.memory_space<vmem>> -> memref<512xi32, #tpu.memory_space<vmem>>
    %dma_wait3A_315 = tpu.memref_slice %arg2[%add3A_312] : memref<425984xi32, #tpu.memory_space<hbm>> -> memref<512xi32, #tpu.memory_space<hbm>>
    %dma_wait3A_316 = arith.constant 2560 : i32
    %dma_wait3A_317 = tpu.memref_slice %arg4[%dma_wait3A_316] : memref<13312xi32, #tpu.memory_space<vmem>> -> memref<512xi32, #tpu.memory_space<vmem>>
    %dma_wait3A_318 = tpu.memref_slice %arg2[%add3A_312] : memref<425984xi32, #tpu.memory_space<hbm>> -> memref<512xi32, #tpu.memory_space<hbm>>
    tpu.wait_dma2 semaphore(%arg5 : memref<!tpu.dma_semaphore, #tpu.memory_space<semaphore_mem>>) src(%dma_wait3A_318 : memref<512xi32, #tpu.memory_space<hbm>>) dst(%dma_wait3A_317 : memref<512xi32, #tpu.memory_space<vmem>>)
    %mul3A_319 = arith.constant 512 : i32
    %mul3A_320 = arith.muli %add3A, %mul3A_319 : i32
    %add3A_321 = arith.constant 98304 : i32
    %add3A_322 = arith.addi %add3A_321, %mul3A_320 : i32
    %dma_wait3A_323 = arith.constant 3072 : i32
    %dma_wait3A_324 = tpu.memref_slice %arg4[%dma_wait3A_323] : memref<13312xi32, #tpu.memory_space<vmem>> -> memref<512xi32, #tpu.memory_space<vmem>>
    %dma_wait3A_325 = tpu.memref_slice %arg2[%add3A_322] : memref<425984xi32, #tpu.memory_space<hbm>> -> memref<512xi32, #tpu.memory_space<hbm>>
    %dma_wait3A_326 = arith.constant 3072 : i32
    %dma_wait3A_327 = tpu.memref_slice %arg4[%dma_wait3A_326] : memref<13312xi32, #tpu.memory_space<vmem>> -> memref<512xi32, #tpu.memory_space<vmem>>
    %dma_wait3A_328 = tpu.memref_slice %arg2[%add3A_322] : memref<425984xi32, #tpu.memory_space<hbm>> -> memref<512xi32, #tpu.memory_space<hbm>>
    tpu.wait_dma2 semaphore(%arg5 : memref<!tpu.dma_semaphore, #tpu.memory_space<semaphore_mem>>) src(%dma_wait3A_328 : memref<512xi32, #tpu.memory_space<hbm>>) dst(%dma_wait3A_327 : memref<512xi32, #tpu.memory_space<vmem>>)
    %mul3A_329 = arith.constant 512 : i32
    %mul3A_330 = arith.muli %add3A, %mul3A_329 : i32
    %add3A_331 = arith.constant 114688 : i32
    %add3A_332 = arith.addi %add3A_331, %mul3A_330 : i32
    %dma_wait3A_333 = arith.constant 3584 : i32
    %dma_wait3A_334 = tpu.memref_slice %arg4[%dma_wait3A_333] : memref<13312xi32, #tpu.memory_space<vmem>> -> memref<512xi32, #tpu.memory_space<vmem>>
    %dma_wait3A_335 = tpu.memref_slice %arg2[%add3A_332] : memref<425984xi32, #tpu.memory_space<hbm>> -> memref<512xi32, #tpu.memory_space<hbm>>
    %dma_wait3A_336 = arith.constant 3584 : i32
    %dma_wait3A_337 = tpu.memref_slice %arg4[%dma_wait3A_336] : memref<13312xi32, #tpu.memory_space<vmem>> -> memref<512xi32, #tpu.memory_space<vmem>>
    %dma_wait3A_338 = tpu.memref_slice %arg2[%add3A_332] : memref<425984xi32, #tpu.memory_space<hbm>> -> memref<512xi32, #tpu.memory_space<hbm>>
    tpu.wait_dma2 semaphore(%arg5 : memref<!tpu.dma_semaphore, #tpu.memory_space<semaphore_mem>>) src(%dma_wait3A_338 : memref<512xi32, #tpu.memory_space<hbm>>) dst(%dma_wait3A_337 : memref<512xi32, #tpu.memory_space<vmem>>)
    %mul3A_339 = arith.constant 512 : i32
    %mul3A_340 = arith.muli %add3A, %mul3A_339 : i32
    %add3A_341 = arith.constant 131072 : i32
    %add3A_342 = arith.addi %add3A_341, %mul3A_340 : i32
    %dma_wait3A_343 = arith.constant 4096 : i32
    %dma_wait3A_344 = tpu.memref_slice %arg4[%dma_wait3A_343] : memref<13312xi32, #tpu.memory_space<vmem>> -> memref<512xi32, #tpu.memory_space<vmem>>
    %dma_wait3A_345 = tpu.memref_slice %arg2[%add3A_342] : memref<425984xi32, #tpu.memory_space<hbm>> -> memref<512xi32, #tpu.memory_space<hbm>>
    %dma_wait3A_346 = arith.constant 4096 : i32
    %dma_wait3A_347 = tpu.memref_slice %arg4[%dma_wait3A_346] : memref<13312xi32, #tpu.memory_space<vmem>> -> memref<512xi32, #tpu.memory_space<vmem>>
    %dma_wait3A_348 = tpu.memref_slice %arg2[%add3A_342] : memref<425984xi32, #tpu.memory_space<hbm>> -> memref<512xi32, #tpu.memory_space<hbm>>
    tpu.wait_dma2 semaphore(%arg5 : memref<!tpu.dma_semaphore, #tpu.memory_space<semaphore_mem>>) src(%dma_wait3A_348 : memref<512xi32, #tpu.memory_space<hbm>>) dst(%dma_wait3A_347 : memref<512xi32, #tpu.memory_space<vmem>>)
    %mul3A_349 = arith.constant 512 : i32
    %mul3A_350 = arith.muli %add3A, %mul3A_349 : i32
    %add3A_351 = arith.constant 147456 : i32
    %add3A_352 = arith.addi %add3A_351, %mul3A_350 : i32
    %dma_wait3A_353 = arith.constant 4608 : i32
    %dma_wait3A_354 = tpu.memref_slice %arg4[%dma_wait3A_353] : memref<13312xi32, #tpu.memory_space<vmem>> -> memref<512xi32, #tpu.memory_space<vmem>>
    %dma_wait3A_355 = tpu.memref_slice %arg2[%add3A_352] : memref<425984xi32, #tpu.memory_space<hbm>> -> memref<512xi32, #tpu.memory_space<hbm>>
    %dma_wait3A_356 = arith.constant 4608 : i32
    %dma_wait3A_357 = tpu.memref_slice %arg4[%dma_wait3A_356] : memref<13312xi32, #tpu.memory_space<vmem>> -> memref<512xi32, #tpu.memory_space<vmem>>
    %dma_wait3A_358 = tpu.memref_slice %arg2[%add3A_352] : memref<425984xi32, #tpu.memory_space<hbm>> -> memref<512xi32, #tpu.memory_space<hbm>>
    tpu.wait_dma2 semaphore(%arg5 : memref<!tpu.dma_semaphore, #tpu.memory_space<semaphore_mem>>) src(%dma_wait3A_358 : memref<512xi32, #tpu.memory_space<hbm>>) dst(%dma_wait3A_357 : memref<512xi32, #tpu.memory_space<vmem>>)
    %mul3A_359 = arith.constant 512 : i32
    %mul3A_360 = arith.muli %add3A, %mul3A_359 : i32
    %add3A_361 = arith.constant 163840 : i32
    %add3A_362 = arith.addi %add3A_361, %mul3A_360 : i32
    %dma_wait3A_363 = arith.constant 5120 : i32
    %dma_wait3A_364 = tpu.memref_slice %arg4[%dma_wait3A_363] : memref<13312xi32, #tpu.memory_space<vmem>> -> memref<512xi32, #tpu.memory_space<vmem>>
    %dma_wait3A_365 = tpu.memref_slice %arg2[%add3A_362] : memref<425984xi32, #tpu.memory_space<hbm>> -> memref<512xi32, #tpu.memory_space<hbm>>
    %dma_wait3A_366 = arith.constant 5120 : i32
    %dma_wait3A_367 = tpu.memref_slice %arg4[%dma_wait3A_366] : memref<13312xi32, #tpu.memory_space<vmem>> -> memref<512xi32, #tpu.memory_space<vmem>>
    %dma_wait3A_368 = tpu.memref_slice %arg2[%add3A_362] : memref<425984xi32, #tpu.memory_space<hbm>> -> memref<512xi32, #tpu.memory_space<hbm>>
    tpu.wait_dma2 semaphore(%arg5 : memref<!tpu.dma_semaphore, #tpu.memory_space<semaphore_mem>>) src(%dma_wait3A_368 : memref<512xi32, #tpu.memory_space<hbm>>) dst(%dma_wait3A_367 : memref<512xi32, #tpu.memory_space<vmem>>)
    %mul3A_369 = arith.constant 512 : i32
    %mul3A_370 = arith.muli %add3A, %mul3A_369 : i32
    %add3A_371 = arith.constant 180224 : i32
    %add3A_372 = arith.addi %add3A_371, %mul3A_370 : i32
    %dma_wait3A_373 = arith.constant 5632 : i32
    %dma_wait3A_374 = tpu.memref_slice %arg4[%dma_wait3A_373] : memref<13312xi32, #tpu.memory_space<vmem>> -> memref<512xi32, #tpu.memory_space<vmem>>
    %dma_wait3A_375 = tpu.memref_slice %arg2[%add3A_372] : memref<425984xi32, #tpu.memory_space<hbm>> -> memref<512xi32, #tpu.memory_space<hbm>>
    %dma_wait3A_376 = arith.constant 5632 : i32
    %dma_wait3A_377 = tpu.memref_slice %arg4[%dma_wait3A_376] : memref<13312xi32, #tpu.memory_space<vmem>> -> memref<512xi32, #tpu.memory_space<vmem>>
    %dma_wait3A_378 = tpu.memref_slice %arg2[%add3A_372] : memref<425984xi32, #tpu.memory_space<hbm>> -> memref<512xi32, #tpu.memory_space<hbm>>
    tpu.wait_dma2 semaphore(%arg5 : memref<!tpu.dma_semaphore, #tpu.memory_space<semaphore_mem>>) src(%dma_wait3A_378 : memref<512xi32, #tpu.memory_space<hbm>>) dst(%dma_wait3A_377 : memref<512xi32, #tpu.memory_space<vmem>>)
    %mul3A_379 = arith.constant 512 : i32
    %mul3A_380 = arith.muli %add3A, %mul3A_379 : i32
    %add3A_381 = arith.constant 196608 : i32
    %add3A_382 = arith.addi %add3A_381, %mul3A_380 : i32
    %dma_wait3A_383 = arith.constant 6144 : i32
    %dma_wait3A_384 = tpu.memref_slice %arg4[%dma_wait3A_383] : memref<13312xi32, #tpu.memory_space<vmem>> -> memref<512xi32, #tpu.memory_space<vmem>>
    %dma_wait3A_385 = tpu.memref_slice %arg2[%add3A_382] : memref<425984xi32, #tpu.memory_space<hbm>> -> memref<512xi32, #tpu.memory_space<hbm>>
    %dma_wait3A_386 = arith.constant 6144 : i32
    %dma_wait3A_387 = tpu.memref_slice %arg4[%dma_wait3A_386] : memref<13312xi32, #tpu.memory_space<vmem>> -> memref<512xi32, #tpu.memory_space<vmem>>
    %dma_wait3A_388 = tpu.memref_slice %arg2[%add3A_382] : memref<425984xi32, #tpu.memory_space<hbm>> -> memref<512xi32, #tpu.memory_space<hbm>>
    tpu.wait_dma2 semaphore(%arg5 : memref<!tpu.dma_semaphore, #tpu.memory_space<semaphore_mem>>) src(%dma_wait3A_388 : memref<512xi32, #tpu.memory_space<hbm>>) dst(%dma_wait3A_387 : memref<512xi32, #tpu.memory_space<vmem>>)
    %mul3A_389 = arith.constant 512 : i32
    %mul3A_390 = arith.muli %add3A, %mul3A_389 : i32
    %add3A_391 = arith.constant 212992 : i32
    %add3A_392 = arith.addi %add3A_391, %mul3A_390 : i32
    %dma_wait3A_393 = arith.constant 6656 : i32
    %dma_wait3A_394 = tpu.memref_slice %arg4[%dma_wait3A_393] : memref<13312xi32, #tpu.memory_space<vmem>> -> memref<512xi32, #tpu.memory_space<vmem>>
    %dma_wait3A_395 = tpu.memref_slice %arg2[%add3A_392] : memref<425984xi32, #tpu.memory_space<hbm>> -> memref<512xi32, #tpu.memory_space<hbm>>
    %dma_wait3A_396 = arith.constant 6656 : i32
    %dma_wait3A_397 = tpu.memref_slice %arg4[%dma_wait3A_396] : memref<13312xi32, #tpu.memory_space<vmem>> -> memref<512xi32, #tpu.memory_space<vmem>>
    %dma_wait3A_398 = tpu.memref_slice %arg2[%add3A_392] : memref<425984xi32, #tpu.memory_space<hbm>> -> memref<512xi32, #tpu.memory_space<hbm>>
    tpu.wait_dma2 semaphore(%arg5 : memref<!tpu.dma_semaphore, #tpu.memory_space<semaphore_mem>>) src(%dma_wait3A_398 : memref<512xi32, #tpu.memory_space<hbm>>) dst(%dma_wait3A_397 : memref<512xi32, #tpu.memory_space<vmem>>)
    %mul3A_399 = arith.constant 512 : i32
    %mul3A_400 = arith.muli %add3A, %mul3A_399 : i32
    %add3A_401 = arith.constant 229376 : i32
    %add3A_402 = arith.addi %add3A_401, %mul3A_400 : i32
    %dma_wait3A_403 = arith.constant 7168 : i32
    %dma_wait3A_404 = tpu.memref_slice %arg4[%dma_wait3A_403] : memref<13312xi32, #tpu.memory_space<vmem>> -> memref<512xi32, #tpu.memory_space<vmem>>
    %dma_wait3A_405 = tpu.memref_slice %arg2[%add3A_402] : memref<425984xi32, #tpu.memory_space<hbm>> -> memref<512xi32, #tpu.memory_space<hbm>>
    %dma_wait3A_406 = arith.constant 7168 : i32
    %dma_wait3A_407 = tpu.memref_slice %arg4[%dma_wait3A_406] : memref<13312xi32, #tpu.memory_space<vmem>> -> memref<512xi32, #tpu.memory_space<vmem>>
    %dma_wait3A_408 = tpu.memref_slice %arg2[%add3A_402] : memref<425984xi32, #tpu.memory_space<hbm>> -> memref<512xi32, #tpu.memory_space<hbm>>
    tpu.wait_dma2 semaphore(%arg5 : memref<!tpu.dma_semaphore, #tpu.memory_space<semaphore_mem>>) src(%dma_wait3A_408 : memref<512xi32, #tpu.memory_space<hbm>>) dst(%dma_wait3A_407 : memref<512xi32, #tpu.memory_space<vmem>>)
    %mul3A_409 = arith.constant 512 : i32
    %mul3A_410 = arith.muli %add3A, %mul3A_409 : i32
    %add3A_411 = arith.constant 245760 : i32
    %add3A_412 = arith.addi %add3A_411, %mul3A_410 : i32
    %dma_wait3A_413 = arith.constant 7680 : i32
    %dma_wait3A_414 = tpu.memref_slice %arg4[%dma_wait3A_413] : memref<13312xi32, #tpu.memory_space<vmem>> -> memref<512xi32, #tpu.memory_space<vmem>>
    %dma_wait3A_415 = tpu.memref_slice %arg2[%add3A_412] : memref<425984xi32, #tpu.memory_space<hbm>> -> memref<512xi32, #tpu.memory_space<hbm>>
    %dma_wait3A_416 = arith.constant 7680 : i32
    %dma_wait3A_417 = tpu.memref_slice %arg4[%dma_wait3A_416] : memref<13312xi32, #tpu.memory_space<vmem>> -> memref<512xi32, #tpu.memory_space<vmem>>
    %dma_wait3A_418 = tpu.memref_slice %arg2[%add3A_412] : memref<425984xi32, #tpu.memory_space<hbm>> -> memref<512xi32, #tpu.memory_space<hbm>>
    tpu.wait_dma2 semaphore(%arg5 : memref<!tpu.dma_semaphore, #tpu.memory_space<semaphore_mem>>) src(%dma_wait3A_418 : memref<512xi32, #tpu.memory_space<hbm>>) dst(%dma_wait3A_417 : memref<512xi32, #tpu.memory_space<vmem>>)
    %mul3A_419 = arith.constant 512 : i32
    %mul3A_420 = arith.muli %add3A, %mul3A_419 : i32
    %add3A_421 = arith.constant 262144 : i32
    %add3A_422 = arith.addi %add3A_421, %mul3A_420 : i32
    %dma_wait3A_423 = arith.constant 8192 : i32
    %dma_wait3A_424 = tpu.memref_slice %arg4[%dma_wait3A_423] : memref<13312xi32, #tpu.memory_space<vmem>> -> memref<512xi32, #tpu.memory_space<vmem>>
    %dma_wait3A_425 = tpu.memref_slice %arg2[%add3A_422] : memref<425984xi32, #tpu.memory_space<hbm>> -> memref<512xi32, #tpu.memory_space<hbm>>
    %dma_wait3A_426 = arith.constant 8192 : i32
    %dma_wait3A_427 = tpu.memref_slice %arg4[%dma_wait3A_426] : memref<13312xi32, #tpu.memory_space<vmem>> -> memref<512xi32, #tpu.memory_space<vmem>>
    %dma_wait3A_428 = tpu.memref_slice %arg2[%add3A_422] : memref<425984xi32, #tpu.memory_space<hbm>> -> memref<512xi32, #tpu.memory_space<hbm>>
    tpu.wait_dma2 semaphore(%arg5 : memref<!tpu.dma_semaphore, #tpu.memory_space<semaphore_mem>>) src(%dma_wait3A_428 : memref<512xi32, #tpu.memory_space<hbm>>) dst(%dma_wait3A_427 : memref<512xi32, #tpu.memory_space<vmem>>)
    %mul3A_429 = arith.constant 512 : i32
    %mul3A_430 = arith.muli %add3A, %mul3A_429 : i32
    %add3A_431 = arith.constant 278528 : i32
    %add3A_432 = arith.addi %add3A_431, %mul3A_430 : i32
    %dma_wait3A_433 = arith.constant 8704 : i32
    %dma_wait3A_434 = tpu.memref_slice %arg4[%dma_wait3A_433] : memref<13312xi32, #tpu.memory_space<vmem>> -> memref<512xi32, #tpu.memory_space<vmem>>
    %dma_wait3A_435 = tpu.memref_slice %arg2[%add3A_432] : memref<425984xi32, #tpu.memory_space<hbm>> -> memref<512xi32, #tpu.memory_space<hbm>>
    %dma_wait3A_436 = arith.constant 8704 : i32
    %dma_wait3A_437 = tpu.memref_slice %arg4[%dma_wait3A_436] : memref<13312xi32, #tpu.memory_space<vmem>> -> memref<512xi32, #tpu.memory_space<vmem>>
    %dma_wait3A_438 = tpu.memref_slice %arg2[%add3A_432] : memref<425984xi32, #tpu.memory_space<hbm>> -> memref<512xi32, #tpu.memory_space<hbm>>
    tpu.wait_dma2 semaphore(%arg5 : memref<!tpu.dma_semaphore, #tpu.memory_space<semaphore_mem>>) src(%dma_wait3A_438 : memref<512xi32, #tpu.memory_space<hbm>>) dst(%dma_wait3A_437 : memref<512xi32, #tpu.memory_space<vmem>>)
    %mul3A_439 = arith.constant 512 : i32
    %mul3A_440 = arith.muli %add3A, %mul3A_439 : i32
    %add3A_441 = arith.constant 294912 : i32
    %add3A_442 = arith.addi %add3A_441, %mul3A_440 : i32
    %dma_wait3A_443 = arith.constant 9216 : i32
    %dma_wait3A_444 = tpu.memref_slice %arg4[%dma_wait3A_443] : memref<13312xi32, #tpu.memory_space<vmem>> -> memref<512xi32, #tpu.memory_space<vmem>>
    %dma_wait3A_445 = tpu.memref_slice %arg2[%add3A_442] : memref<425984xi32, #tpu.memory_space<hbm>> -> memref<512xi32, #tpu.memory_space<hbm>>
    %dma_wait3A_446 = arith.constant 9216 : i32
    %dma_wait3A_447 = tpu.memref_slice %arg4[%dma_wait3A_446] : memref<13312xi32, #tpu.memory_space<vmem>> -> memref<512xi32, #tpu.memory_space<vmem>>
    %dma_wait3A_448 = tpu.memref_slice %arg2[%add3A_442] : memref<425984xi32, #tpu.memory_space<hbm>> -> memref<512xi32, #tpu.memory_space<hbm>>
    tpu.wait_dma2 semaphore(%arg5 : memref<!tpu.dma_semaphore, #tpu.memory_space<semaphore_mem>>) src(%dma_wait3A_448 : memref<512xi32, #tpu.memory_space<hbm>>) dst(%dma_wait3A_447 : memref<512xi32, #tpu.memory_space<vmem>>)
    %mul3A_449 = arith.constant 512 : i32
    %mul3A_450 = arith.muli %add3A, %mul3A_449 : i32
    %add3A_451 = arith.constant 311296 : i32
    %add3A_452 = arith.addi %add3A_451, %mul3A_450 : i32
    %dma_wait3A_453 = arith.constant 9728 : i32
    %dma_wait3A_454 = tpu.memref_slice %arg4[%dma_wait3A_453] : memref<13312xi32, #tpu.memory_space<vmem>> -> memref<512xi32, #tpu.memory_space<vmem>>
    %dma_wait3A_455 = tpu.memref_slice %arg2[%add3A_452] : memref<425984xi32, #tpu.memory_space<hbm>> -> memref<512xi32, #tpu.memory_space<hbm>>
    %dma_wait3A_456 = arith.constant 9728 : i32
    %dma_wait3A_457 = tpu.memref_slice %arg4[%dma_wait3A_456] : memref<13312xi32, #tpu.memory_space<vmem>> -> memref<512xi32, #tpu.memory_space<vmem>>
    %dma_wait3A_458 = tpu.memref_slice %arg2[%add3A_452] : memref<425984xi32, #tpu.memory_space<hbm>> -> memref<512xi32, #tpu.memory_space<hbm>>
    tpu.wait_dma2 semaphore(%arg5 : memref<!tpu.dma_semaphore, #tpu.memory_space<semaphore_mem>>) src(%dma_wait3A_458 : memref<512xi32, #tpu.memory_space<hbm>>) dst(%dma_wait3A_457 : memref<512xi32, #tpu.memory_space<vmem>>)
    %mul3A_459 = arith.constant 512 : i32
    %mul3A_460 = arith.muli %add3A, %mul3A_459 : i32
    %add3A_461 = arith.constant 327680 : i32
    %add3A_462 = arith.addi %add3A_461, %mul3A_460 : i32
    %dma_wait3A_463 = arith.constant 10240 : i32
    %dma_wait3A_464 = tpu.memref_slice %arg4[%dma_wait3A_463] : memref<13312xi32, #tpu.memory_space<vmem>> -> memref<512xi32, #tpu.memory_space<vmem>>
    %dma_wait3A_465 = tpu.memref_slice %arg2[%add3A_462] : memref<425984xi32, #tpu.memory_space<hbm>> -> memref<512xi32, #tpu.memory_space<hbm>>
    %dma_wait3A_466 = arith.constant 10240 : i32
    %dma_wait3A_467 = tpu.memref_slice %arg4[%dma_wait3A_466] : memref<13312xi32, #tpu.memory_space<vmem>> -> memref<512xi32, #tpu.memory_space<vmem>>
    %dma_wait3A_468 = tpu.memref_slice %arg2[%add3A_462] : memref<425984xi32, #tpu.memory_space<hbm>> -> memref<512xi32, #tpu.memory_space<hbm>>
    tpu.wait_dma2 semaphore(%arg5 : memref<!tpu.dma_semaphore, #tpu.memory_space<semaphore_mem>>) src(%dma_wait3A_468 : memref<512xi32, #tpu.memory_space<hbm>>) dst(%dma_wait3A_467 : memref<512xi32, #tpu.memory_space<vmem>>)
    %mul3A_469 = arith.constant 512 : i32
    %mul3A_470 = arith.muli %add3A, %mul3A_469 : i32
    %add3A_471 = arith.constant 344064 : i32
    %add3A_472 = arith.addi %add3A_471, %mul3A_470 : i32
    %dma_wait3A_473 = arith.constant 10752 : i32
    %dma_wait3A_474 = tpu.memref_slice %arg4[%dma_wait3A_473] : memref<13312xi32, #tpu.memory_space<vmem>> -> memref<512xi32, #tpu.memory_space<vmem>>
    %dma_wait3A_475 = tpu.memref_slice %arg2[%add3A_472] : memref<425984xi32, #tpu.memory_space<hbm>> -> memref<512xi32, #tpu.memory_space<hbm>>
    %dma_wait3A_476 = arith.constant 10752 : i32
    %dma_wait3A_477 = tpu.memref_slice %arg4[%dma_wait3A_476] : memref<13312xi32, #tpu.memory_space<vmem>> -> memref<512xi32, #tpu.memory_space<vmem>>
    %dma_wait3A_478 = tpu.memref_slice %arg2[%add3A_472] : memref<425984xi32, #tpu.memory_space<hbm>> -> memref<512xi32, #tpu.memory_space<hbm>>
    tpu.wait_dma2 semaphore(%arg5 : memref<!tpu.dma_semaphore, #tpu.memory_space<semaphore_mem>>) src(%dma_wait3A_478 : memref<512xi32, #tpu.memory_space<hbm>>) dst(%dma_wait3A_477 : memref<512xi32, #tpu.memory_space<vmem>>)
    %mul3A_479 = arith.constant 512 : i32
    %mul3A_480 = arith.muli %add3A, %mul3A_479 : i32
    %add3A_481 = arith.constant 360448 : i32
    %add3A_482 = arith.addi %add3A_481, %mul3A_480 : i32
    %dma_wait3A_483 = arith.constant 11264 : i32
    %dma_wait3A_484 = tpu.memref_slice %arg4[%dma_wait3A_483] : memref<13312xi32, #tpu.memory_space<vmem>> -> memref<512xi32, #tpu.memory_space<vmem>>
    %dma_wait3A_485 = tpu.memref_slice %arg2[%add3A_482] : memref<425984xi32, #tpu.memory_space<hbm>> -> memref<512xi32, #tpu.memory_space<hbm>>
    %dma_wait3A_486 = arith.constant 11264 : i32
    %dma_wait3A_487 = tpu.memref_slice %arg4[%dma_wait3A_486] : memref<13312xi32, #tpu.memory_space<vmem>> -> memref<512xi32, #tpu.memory_space<vmem>>
    %dma_wait3A_488 = tpu.memref_slice %arg2[%add3A_482] : memref<425984xi32, #tpu.memory_space<hbm>> -> memref<512xi32, #tpu.memory_space<hbm>>
    tpu.wait_dma2 semaphore(%arg5 : memref<!tpu.dma_semaphore, #tpu.memory_space<semaphore_mem>>) src(%dma_wait3A_488 : memref<512xi32, #tpu.memory_space<hbm>>) dst(%dma_wait3A_487 : memref<512xi32, #tpu.memory_space<vmem>>)
    %mul3A_489 = arith.constant 512 : i32
    %mul3A_490 = arith.muli %add3A, %mul3A_489 : i32
    %add3A_491 = arith.constant 376832 : i32
    %add3A_492 = arith.addi %add3A_491, %mul3A_490 : i32
    %dma_wait3A_493 = arith.constant 11776 : i32
    %dma_wait3A_494 = tpu.memref_slice %arg4[%dma_wait3A_493] : memref<13312xi32, #tpu.memory_space<vmem>> -> memref<512xi32, #tpu.memory_space<vmem>>
    %dma_wait3A_495 = tpu.memref_slice %arg2[%add3A_492] : memref<425984xi32, #tpu.memory_space<hbm>> -> memref<512xi32, #tpu.memory_space<hbm>>
    %dma_wait3A_496 = arith.constant 11776 : i32
    %dma_wait3A_497 = tpu.memref_slice %arg4[%dma_wait3A_496] : memref<13312xi32, #tpu.memory_space<vmem>> -> memref<512xi32, #tpu.memory_space<vmem>>
    %dma_wait3A_498 = tpu.memref_slice %arg2[%add3A_492] : memref<425984xi32, #tpu.memory_space<hbm>> -> memref<512xi32, #tpu.memory_space<hbm>>
    tpu.wait_dma2 semaphore(%arg5 : memref<!tpu.dma_semaphore, #tpu.memory_space<semaphore_mem>>) src(%dma_wait3A_498 : memref<512xi32, #tpu.memory_space<hbm>>) dst(%dma_wait3A_497 : memref<512xi32, #tpu.memory_space<vmem>>)
    %mul3A_499 = arith.constant 512 : i32
    %mul3A_500 = arith.muli %add3A, %mul3A_499 : i32
    %add3A_501 = arith.constant 393216 : i32
    %add3A_502 = arith.addi %add3A_501, %mul3A_500 : i32
    %dma_wait3A_503 = arith.constant 12288 : i32
    %dma_wait3A_504 = tpu.memref_slice %arg4[%dma_wait3A_503] : memref<13312xi32, #tpu.memory_space<vmem>> -> memref<512xi32, #tpu.memory_space<vmem>>
    %dma_wait3A_505 = tpu.memref_slice %arg2[%add3A_502] : memref<425984xi32, #tpu.memory_space<hbm>> -> memref<512xi32, #tpu.memory_space<hbm>>
    %dma_wait3A_506 = arith.constant 12288 : i32
    %dma_wait3A_507 = tpu.memref_slice %arg4[%dma_wait3A_506] : memref<13312xi32, #tpu.memory_space<vmem>> -> memref<512xi32, #tpu.memory_space<vmem>>
    %dma_wait3A_508 = tpu.memref_slice %arg2[%add3A_502] : memref<425984xi32, #tpu.memory_space<hbm>> -> memref<512xi32, #tpu.memory_space<hbm>>
    tpu.wait_dma2 semaphore(%arg5 : memref<!tpu.dma_semaphore, #tpu.memory_space<semaphore_mem>>) src(%dma_wait3A_508 : memref<512xi32, #tpu.memory_space<hbm>>) dst(%dma_wait3A_507 : memref<512xi32, #tpu.memory_space<vmem>>)
    %mul3A_509 = arith.constant 512 : i32
    %mul3A_510 = arith.muli %add3A, %mul3A_509 : i32
    %add3A_511 = arith.constant 409600 : i32
    %add3A_512 = arith.addi %add3A_511, %mul3A_510 : i32
    %dma_wait3A_513 = arith.constant 12800 : i32
    %dma_wait3A_514 = tpu.memref_slice %arg4[%dma_wait3A_513] : memref<13312xi32, #tpu.memory_space<vmem>> -> memref<512xi32, #tpu.memory_space<vmem>>
    %dma_wait3A_515 = tpu.memref_slice %arg2[%add3A_512] : memref<425984xi32, #tpu.memory_space<hbm>> -> memref<512xi32, #tpu.memory_space<hbm>>
    %dma_wait3A_516 = arith.constant 12800 : i32
    %dma_wait3A_517 = tpu.memref_slice %arg4[%dma_wait3A_516] : memref<13312xi32, #tpu.memory_space<vmem>> -> memref<512xi32, #tpu.memory_space<vmem>>
    %dma_wait3A_518 = tpu.memref_slice %arg2[%add3A_512] : memref<425984xi32, #tpu.memory_space<hbm>> -> memref<512xi32, #tpu.memory_space<hbm>>
    tpu.wait_dma2 semaphore(%arg5 : memref<!tpu.dma_semaphore, #tpu.memory_space<semaphore_mem>>) src(%dma_wait3A_518 : memref<512xi32, #tpu.memory_space<hbm>>) dst(%dma_wait3A_517 : memref<512xi32, #tpu.memory_space<vmem>>)
    %scan3A = arith.constant 0 : i32
    %scan3A_519 = arith.constant 0 : i32
    %scan3A_520 = arith.constant 26 : i32
    %scan3A_521 = arith.addi %scan3A_519, %scan3A_520 : i32
    %scan3A_522 = arith.constant 1 : i32
    scf.for %scan3A_526 = %scan3A_519 to %scan3A_521 step %scan3A_522  : i32 {
      %jit3A = arith.constant 2 : i32
      %eq3A = arith.constant 0 : i32
      %eq3A_527 = arith.cmpi eq, %jit3A, %eq3A : i32
      %jit3A_528 = arith.constant 1 : i32
      %select_n3A = arith.select %eq3A_527, %jit3A_528, %jit3A : i32
      %rem3A = arith.remsi %scan3A_526, %select_n3A : i32
      %ne3A = arith.constant 0 : i32
      %ne3A_529 = arith.cmpi ne, %rem3A, %ne3A : i32
      %lt3A = arith.constant 0 : i32
      %lt3A_530 = arith.cmpi slt, %rem3A, %lt3A : i32
      %lt3A_531 = arith.constant 0 : i32
      %lt3A_532 = arith.cmpi slt, %select_n3A, %lt3A_531 : i32
      %ne3A_533 = arith.xori %lt3A_530, %lt3A_532 : i1
      %and3A = arith.andi %ne3A_533, %ne3A_529 : i1
      %add3A_534 = arith.addi %rem3A, %select_n3A : i32
      %select_n3A_535 = arith.select %and3A, %add3A_534, %rem3A : i32
      %mul3A_536 = arith.constant 100000 : i32
      %mul3A_537 = arith.muli %select_n3A_535, %mul3A_536 : i32
      %scan3A_538 = arith.constant 0 : i32
      %scan3A_539 = arith.constant 8 : i32
      %scan3A_540 = arith.addi %scan3A_538, %scan3A_539 : i32
      %scan3A_541 = arith.constant 1 : i32
      scf.for %scan3A_543 = %scan3A_538 to %scan3A_540 step %scan3A_541  : i32 {
        %mul3A_544 = arith.constant 512 : i32
        %mul3A_545 = arith.muli %scan3A_526, %mul3A_544 : i32
        %mul3A_546 = arith.constant 4 : i32
        %mul3A_547 = arith.muli %scan3A_543, %mul3A_546 : i32
        %add3A_548 = arith.constant 0 : i32
        %add3A_549 = arith.addi %mul3A_547, %add3A_548 : i32
        %mul3A_550 = arith.constant 16 : i32
        %mul3A_551 = arith.muli %add3A_549, %mul3A_550 : i32
        %add3A_552 = arith.addi %mul3A_545, %mul3A_551 : i32
        %get3A = arith.index_cast %add3A_552 : i32 to index
        %get3A_553 = tpu.vector_load %arg4[%get3A] {strides = array<i32>} : memref<13312xi32, #tpu.memory_space<vmem>>, vector<16xi32>,
        %get3A_554 = vector.shape_cast %get3A_553 : vector<16xi32> to vector<16xi32>
        %add3A_555 = vector.broadcast %mul3A_537 : i32 to vector<16xi32>
        %add3A_556 = arith.addi %get3A_554, %add3A_555 : vector<16xi32>
        %swap3A = arith.index_cast %add3A_552 : i32 to index
        %swap3A_557 = tpu.vector_load %arg4[%swap3A] {strides = array<i32>} : memref<13312xi32, #tpu.memory_space<vmem>>, vector<16xi32>,
        %swap3A_558 = vector.shape_cast %swap3A_557 : vector<16xi32> to vector<16xi32>
        %swap3A_559 = vector.shape_cast %add3A_556 : vector<16xi32> to vector<16xi32>
        tpu.vector_store %arg4[%swap3A], %swap3A_559 {strides = array<i32>} : memref<13312xi32, #tpu.memory_space<vmem>>, vector<16xi32>,
        %mul3A_560 = arith.constant 512 : i32
        %mul3A_561 = arith.muli %scan3A_526, %mul3A_560 : i32
        %mul3A_562 = arith.constant 4 : i32
        %mul3A_563 = arith.muli %scan3A_543, %mul3A_562 : i32
        %add3A_564 = arith.constant 1 : i32
        %add3A_565 = arith.addi %mul3A_563, %add3A_564 : i32
        %mul3A_566 = arith.constant 16 : i32
        %mul3A_567 = arith.muli %add3A_565, %mul3A_566 : i32
        %add3A_568 = arith.addi %mul3A_561, %mul3A_567 : i32
        %get3A_569 = arith.index_cast %add3A_568 : i32 to index
        %get3A_570 = tpu.vector_load %arg4[%get3A_569] {strides = array<i32>} : memref<13312xi32, #tpu.memory_space<vmem>>, vector<16xi32>,
        %get3A_571 = vector.shape_cast %get3A_570 : vector<16xi32> to vector<16xi32>
        %add3A_572 = vector.broadcast %mul3A_537 : i32 to vector<16xi32>
        %add3A_573 = arith.addi %get3A_571, %add3A_572 : vector<16xi32>
        %swap3A_574 = arith.index_cast %add3A_568 : i32 to index
        %swap3A_575 = tpu.vector_load %arg4[%swap3A_574] {strides = array<i32>} : memref<13312xi32, #tpu.memory_space<vmem>>, vector<16xi32>,
        %swap3A_576 = vector.shape_cast %swap3A_575 : vector<16xi32> to vector<16xi32>
        %swap3A_577 = vector.shape_cast %add3A_573 : vector<16xi32> to vector<16xi32>
        tpu.vector_store %arg4[%swap3A_574], %swap3A_577 {strides = array<i32>} : memref<13312xi32, #tpu.memory_space<vmem>>, vector<16xi32>,
        %mul3A_578 = arith.constant 512 : i32
        %mul3A_579 = arith.muli %scan3A_526, %mul3A_578 : i32
        %mul3A_580 = arith.constant 4 : i32
        %mul3A_581 = arith.muli %scan3A_543, %mul3A_580 : i32
        %add3A_582 = arith.constant 2 : i32
        %add3A_583 = arith.addi %mul3A_581, %add3A_582 : i32
        %mul3A_584 = arith.constant 16 : i32
        %mul3A_585 = arith.muli %add3A_583, %mul3A_584 : i32
        %add3A_586 = arith.addi %mul3A_579, %mul3A_585 : i32
        %get3A_587 = arith.index_cast %add3A_586 : i32 to index
        %get3A_588 = tpu.vector_load %arg4[%get3A_587] {strides = array<i32>} : memref<13312xi32, #tpu.memory_space<vmem>>, vector<16xi32>,
        %get3A_589 = vector.shape_cast %get3A_588 : vector<16xi32> to vector<16xi32>
        %add3A_590 = vector.broadcast %mul3A_537 : i32 to vector<16xi32>
        %add3A_591 = arith.addi %get3A_589, %add3A_590 : vector<16xi32>
        %swap3A_592 = arith.index_cast %add3A_586 : i32 to index
        %swap3A_593 = tpu.vector_load %arg4[%swap3A_592] {strides = array<i32>} : memref<13312xi32, #tpu.memory_space<vmem>>, vector<16xi32>,
        %swap3A_594 = vector.shape_cast %swap3A_593 : vector<16xi32> to vector<16xi32>
        %swap3A_595 = vector.shape_cast %add3A_591 : vector<16xi32> to vector<16xi32>
        tpu.vector_store %arg4[%swap3A_592], %swap3A_595 {strides = array<i32>} : memref<13312xi32, #tpu.memory_space<vmem>>, vector<16xi32>,
        %mul3A_596 = arith.constant 512 : i32
        %mul3A_597 = arith.muli %scan3A_526, %mul3A_596 : i32
        %mul3A_598 = arith.constant 4 : i32
        %mul3A_599 = arith.muli %scan3A_543, %mul3A_598 : i32
        %add3A_600 = arith.constant 3 : i32
        %add3A_601 = arith.addi %mul3A_599, %add3A_600 : i32
        %mul3A_602 = arith.constant 16 : i32
        %mul3A_603 = arith.muli %add3A_601, %mul3A_602 : i32
        %add3A_604 = arith.addi %mul3A_597, %mul3A_603 : i32
        %get3A_605 = arith.index_cast %add3A_604 : i32 to index
        %get3A_606 = tpu.vector_load %arg4[%get3A_605] {strides = array<i32>} : memref<13312xi32, #tpu.memory_space<vmem>>, vector<16xi32>,
        %get3A_607 = vector.shape_cast %get3A_606 : vector<16xi32> to vector<16xi32>
        %add3A_608 = vector.broadcast %mul3A_537 : i32 to vector<16xi32>
        %add3A_609 = arith.addi %get3A_607, %add3A_608 : vector<16xi32>
        %swap3A_610 = arith.index_cast %add3A_604 : i32 to index
        %swap3A_611 = tpu.vector_load %arg4[%swap3A_610] {strides = array<i32>} : memref<13312xi32, #tpu.memory_space<vmem>>, vector<16xi32>,
        %swap3A_612 = vector.shape_cast %swap3A_611 : vector<16xi32> to vector<16xi32>
        %swap3A_613 = vector.shape_cast %add3A_609 : vector<16xi32> to vector<16xi32>
        tpu.vector_store %arg4[%swap3A_610], %swap3A_613 {strides = array<i32>} : memref<13312xi32, #tpu.memory_space<vmem>>, vector<16xi32>,
      }
      %scan3A_542 = arith.constant 8 : i32
    }
    %scan3A_523 = arith.constant 26 : i32
    %mul3A_524 = arith.constant 13312 : i32
    %mul3A_525 = arith.muli %add3A, %mul3A_524 : i32
    "tpu.region"() ({
      %run_scoped3A = tpu.sem_alloc : memref<!tpu.dma_semaphore, #tpu.memory_space<semaphore_mem>>
      %dma_start3A_526 = tpu.memref_slice %arg3[%mul3A_525] : memref<425984xi32, #tpu.memory_space<hbm>> -> memref<13312xi32, #tpu.memory_space<hbm>>
      %dma_start3A_527 = tpu.memref_slice %arg3[%mul3A_525] : memref<425984xi32, #tpu.memory_space<hbm>> -> memref<13312xi32, #tpu.memory_space<hbm>>
      tpu.enqueue_dma source(%arg4 : memref<13312xi32, #tpu.memory_space<vmem>>) target(%dma_start3A_527 : memref<13312xi32, #tpu.memory_space<hbm>>) target_semaphore(%run_scoped3A : memref<!tpu.dma_semaphore, #tpu.memory_space<semaphore_mem>>)
      %dma_wait3A_528 = tpu.memref_slice %arg3[%mul3A_525] : memref<425984xi32, #tpu.memory_space<hbm>> -> memref<13312xi32, #tpu.memory_space<hbm>>
      %dma_wait3A_529 = tpu.memref_slice %arg3[%mul3A_525] : memref<425984xi32, #tpu.memory_space<hbm>> -> memref<13312xi32, #tpu.memory_space<hbm>>
      tpu.wait_dma2 semaphore(%run_scoped3A : memref<!tpu.dma_semaphore, #tpu.memory_space<semaphore_mem>>) src(%arg4 : memref<13312xi32, #tpu.memory_space<vmem>>) dst(%dma_wait3A_529 : memref<13312xi32, #tpu.memory_space<hbm>>)
      tpu.yield
    }) : () -> ()
    return
  }
}

</mosaic_0001>

<sc_bundles>
// kernel: _run.4.cloned.1.call-start
scs
__scs_entry_jumppad:
0x0: {  	(pc) =	sbr.rel $0x88, $3  }
0x1: {  	(tag) =	ssettag $0x0;
	lr =	simm.s32 $0x1  }
0x2: {  	[smem:$0x3F92] =	sst lr;
	_ =	strace $0xD0000000  }
0x3: {  	_ = 	snop  }
0x4: {  	_ = 	snop  }
0x5: {  	_ = 	snop  }
0x6: {  	_ = 	snop  }
0x7: {  	_ = 	snop  }
__scs_overlays_trampoline_lowered:
0x8: {  	[smem:$0x3FA1] =	sst s0  }
0x9: {  	[smem:$0x3FA2] =	sst s1  }
0xa: {  	[smem:$0x3FA3] =	sst s2  }
0xb: {  	[smem:$0x3FA4] =	sst s3  }
0xc: {  	[smem:$0x3FA5] =	sst s4  }
0xd: {  	[smem:$0x3FA6] =	sst s5  }
0xe: {  	[smem:$0x3FA7] =	sst s6  }
0xf: {  	[smem:$0x3FA8] =	sst s7  }
0x10: {  	[smem:$0x3FA9] =	sst s8  }
0x11: {  	[smem:$0x3FAA] =	sst s9;
	s0 =	simm.s32 @!p0 $0x0  }
0x12: {  	s1 =	sld [smem:$0x3F90];
	s0 =	simm.s32 @p0 $0x1  }
0x13: {  	[smem:$0x3FAB] =	sst s0;
	s0 =	simm.s32 @!p1 $0x0  }
0x14: {  	s2 =	sld [smem:$0x3F8F];
	s0 =	simm.s32 @p1 $0x1  }
0x15: {  	[smem:$0x3FAC] =	sst s0;
	s0 =	simm.s32 @!p2 $0x0  }
0x16: {  	s3 =	sld [smem:$0x3FDB];
	s0 =	simm.s32 @p2 $0x1  }
0x17: {  	s4 =	simm.s32 $0x1BF5;
	[smem:$0x3FAE] =	sst s0  }
0x18: {  	s0 =	sld [smem:$0x3F91];
	_ =	swait.ge [sflag:s4], $0x0  }
0x19: {  	s7 =	sld [smem:$0x3F92]  }
0x1a: {  	s8 =	sadd.s32 $0xFFFFE003, lr  }
0x1b: {  	s9 =	sadd.s32 $0xFFFFFEF7, lr;
	s5 =	simm.s32 $0xFFFFFFFF;
	p2 =	slt.u32 s8, $0xFFFFF086  }
0x1c: {  	p1 =	slt.u32 s9, $0xF7A;
	s5 =	simm.s32 @!p2 $0x0  }
0x1d: {  	s5 =	simm.s32 @p1 $0x1;
	p0 =	seq.s32 s7, s2  }
0x1e: {  	s7 =	smul.u32 @!p0 $0xF7A, s2;
	p2 =	seq.s32 @!p0 s5, $0x0  }
0x1f: {  	s9 =	smul.u32 $0xF7A, s1;
	s8 =	simm.s32 @!p0 $0x1BF5;
	p2 =	por !p2, p0  }
0x20: {  	[sflag:s8] =	ssyncset.s32 @!p0 $0xFFFFF086;
	s6 =	sadd.s32 @!p0 s3, s7;
	s7 =	simm.s32 @!p0 $0x108  }
0x21: {  	s3 =	sadd.s32 s3, s9;
	s6 =	sadd.s32 @!p0 $0x88, s6;
	s7 =	simm.s32 @p2 $0x1082  }
0x22: {  	[simem:s7], [sflag:s8] =	dma.local @!p0 [hbm:s6], $0xF7A  }
0x23: {  	s9 =	sor.u32 $0xD0000000, s2;
	s6 =	simm.s32 $0x108;
	_ =	swait.ge @!p0 [sflag:s8], $0x0  }
0x24: {  	s3 =	sadd.s32 $0x88, s3;
	s6 =	simm.s32 @!p1 $0x1082;
	[sflag:s4] =	ssyncset.s32 $0xFFFFF086  }
0x25: {  	[simem:s6], [sflag:s4] =	dma.local [hbm:s3], $0xF7A  }
0x26: {  	[smem:$0x3F92] =	sst s1;
	(tag) =	ssettag s2;
	_ =	strace s9  }
0x27: {  	s1 =	sld [smem:$0x3FA2]  }
0x28: {  	s2 =	sld [smem:$0x3FA3]  }
0x29: {  	s4 =	sld [smem:$0x3FA5]  }
0x2a: {  	p0 =	seq.s32 s5, $0x0;
	s5 =	sld [smem:$0x3FA6]  }
0x2b: {  	s6 =	sld [smem:$0x3FA7]  }
0x2c: {  	s7 =	sld [smem:$0x3FA8]  }
0x2d: {  	s3 =	simm.s32 $0x108;
	s8 =	sld [smem:$0x3FA9]  }
0x2e: {  	s3 =	simm.s32 @!p0 $0x1082;
	s9 =	sld [smem:$0x3FAA]  }
0x2f: {  	lr =	sadd.s32 s0, s3;
	s0 =	sld [smem:$0x3FA1]  }
0x30: {  	s3 =	sld [smem:$0x3FA4]  }
0x31: {  	[smem:$0x3FAD] =	sst s10  }
0x32: {  	s10 =	sld [smem:$0x3FAB];
	_ =	sdelay $0x3  }
0x33: {  	p0 =	seq.s32 s10, $0x1;
	s10 =	sld [smem:$0x3FAD];
	_ =	sdelay $0x3  }
0x34: {  	[smem:$0x3FAD] =	sst s10  }
0x35: {  	s10 =	sld [smem:$0x3FAC];
	_ =	sdelay $0x3  }
0x36: {  	p1 =	seq.s32 s10, $0x1;
	s10 =	sld [smem:$0x3FAD];
	_ =	sdelay $0x3  }
0x37: {  	[smem:$0x3FAD] =	sst s10  }
0x38: {  	s10 =	sld [smem:$0x3FAE]  }
0x39: {  	_ = 	snop;
	(pc) =	sbr.ind lr, $3  }
0x3a: {  	_ = 	snop  }
0x3b: {  	_ = 	snop  }
0x3c: {  	p2 =	seq.s32 s10, $0x1;
	s10 =	sld [smem:$0x3FAD]  }
0x3d: {  	_ =	shalt  }
0x3e: {  	_ =	shalt  }
0x3f: {  	_ =	shalt  }
0x40: {  	_ =	shalt  }
0x41: {  	_ =	shalt  }
0x42: {  	_ =	shalt  }
0x43: {  	_ =	shalt  }
0x44: {  	_ =	shalt  }
0x45: {  	_ =	shalt  }
0x46: {  	_ =	shalt  }
0x47: {  	_ =	shalt  }
0x48: {  	_ =	shalt  }
0x49: {  	_ =	shalt  }
0x4a: {  	_ =	shalt  }
0x4b: {  	_ =	shalt  }
0x4c: {  	_ =	shalt  }
0x4d: {  	_ =	shalt  }
0x4e: {  	_ =	shalt  }
0x4f: {  	_ =	shalt  }
0x50: {  	_ =	shalt  }
0x51: {  	_ =	shalt  }
0x52: {  	_ =	shalt  }
0x53: {  	_ =	shalt  }
0x54: {  	_ =	shalt  }
0x55: {  	_ =	shalt  }
0x56: {  	_ =	shalt  }
0x57: {  	_ =	shalt  }
0x58: {  	_ =	shalt  }
0x59: {  	_ =	shalt  }
0x5a: {  	_ =	shalt  }
0x5b: {  	_ =	shalt  }
0x5c: {  	_ =	shalt  }
0x5d: {  	_ =	shalt  }
0x5e: {  	_ =	shalt  }
0x5f: {  	_ =	shalt  }
0x60: {  	_ =	shalt  }
0x61: {  	_ =	shalt  }
0x62: {  	_ =	shalt  }
0x63: {  	_ =	shalt  }
0x64: {  	_ =	shalt  }
0x65: {  	_ =	shalt  }
0x66: {  	_ =	shalt  }
0x67: {  	_ =	shalt  }
0x68: {  	_ =	shalt  }
0x69: {  	_ =	shalt  }
0x6a: {  	_ =	shalt  }
0x6b: {  	_ =	shalt  }
0x6c: {  	_ =	shalt  }
0x6d: {  	_ =	shalt  }
0x6e: {  	_ =	shalt  }
0x6f: {  	_ =	shalt  }
0x70: {  	_ =	shalt  }
0x71: {  	_ =	shalt  }
0x72: {  	_ =	shalt  }
0x73: {  	_ =	shalt  }
0x74: {  	_ =	shalt  }
0x75: {  	_ =	shalt  }
0x76: {  	_ =	shalt  }
0x77: {  	_ =	shalt  }
0x78: {  	_ =	shalt  }
0x79: {  	_ =	shalt  }
0x7a: {  	_ =	shalt  }
0x7b: {  	_ =	shalt  }
0x7c: {  	_ =	shalt  }
0x7d: {  	_ =	shalt  }
0x7e: {  	_ =	shalt  }
0x7f: {  	_ =	shalt  }
0x80: {  	_ =	shalt  }
0x81: {  	_ =	shalt  }
0x82: {  	_ =	shalt  }
0x83: {  	_ =	shalt  }
0x84: {  	_ =	shalt  }
0x85: {  	_ =	shalt  }
0x86: {  	_ =	shalt  }
0x87: {  	_ =	shalt  }
.Lfunc_end0:
.L_simem_size_0:
called_computation_lowered:
.L_overlay_start_0:
0x88: {  	s2 =	sld [smem:$0x3FD9]  }
0x89: {  	s3 =	sld [smem:$0x3FFE];
	_ =	sdelay $0x1  }
0x8a: {  	s1 =	srdreg.scid  }
0x8b: {  	s0 =	sand.u32 $0x1, s1  }
0x8c: {  	s17 =	sshll.u32 s0, $0xA;
	s2 =	sadd.s32 s3, s2  }
0x8d: {  	s2 =	sadd.s32 s2, s17  }
0x8e: {  	[smem:$0x3FB9] =	sst s2  }
0x8f: {  	_ = 	snop  }
0x90: {  	s2 =	sld [smem:$0x3FC9];
	(tm) =	ssettm $0x1  }
0x91: {  	s18 =	sld [smem:$0x3FFB];
	_ =	sdelay $0x3  }
0x92: {  	_ =	strace s18  }
0x93: {  	s3 =	sld [smem:$0x3FFC];
	_ =	sdelay $0x3  }
0x94: {  	_ =	strace s3  }
0x95: {  	s3 =	sld [smem:$0x3FFD];
	_ =	sdelay $0x3  }
0x96: {  	_ =	strace s3  }
0x97: {  	_ =	strace $0x8FFFFFFF  }
0x98: {  	s19 =	sld [smem:$0x3FDB];
	_ =	sdelay $0x1  }
0x99: {  	s4 =	simm.s32 $_scs_section_size  }
0x9a: {  	s5 =	simm.s32 $_size__tile_overlayer_lowered;
	s6 =	simm.s32 $_tile_overlayer_lowered  }
0x9b: {  	s22 =	simm.s32 $0x1BFF;
	s21 =	sshll.u32 s6, $0x1;
	s3 =	sadd.s32 s4, s19  }
0x9c: {  	s7 =	simm.s32 $0x0;
	s20 =	sshll.u32 s5, $0x1;
	s5 =	sadd.s32 s21, s3  }
0x9d: {  	[timem:s7], [sflag:s22] =	dma.local [hbm:s5], s20  }
0x9e: {  	_ =	swait.ge [sflag:s22], s20  }
0x9f: {  	s4 =	ssub.s32 $0x0, s20;
	[sflag:s22] =	ssyncset.done $0x0  }
0xa0: {  	[sflag:s22] =	ssyncadd.s32 s4;
	_ =	sdelay $0x1  }
0xa1: {  	s23 =	simm.s32 $0x1B8B  }
0xa2: {  	_ =	swait.ge [sflag:s23], $0x1  }
0xa3: {  	[sflag:s23] =	ssyncset.done $0x0  }
0xa4: {  	s25 =	simm.s32 $0x1B8E;
	s24 =	sld [smem:$0x3FFE];
	[sflag:s23] =	ssyncadd.s32 $0xFFFFFFFF  }
0xa5: {  	s26 =	simm.s32 $execute0_lowered;
	[smem:$0x3FD2] =	sst s25  }
0xa6: {  	s5 =	sshll.u32 s26, $0x1;
	_ =	strace $0x80000046;
	[dreg:$0x1] =	wrdreg $0xFFFFFFFF  }
0xa7: {  	s28 =	simm.s32 $_size_execute0_lowered;
	s3 =	sadd.s32 s3, s5;
	[dreg:$0x0] =	wrdreg $0x0  }
0xa8: {  	s5 =	sshll.u32 s28, $0x1;
	[dreg:$0x2] =	wrdreg s3  }
0xa9: {  	[dreg:$0x3] =	wrdreg s5  }
0xaa: {  	[dreg:$0x4] =	wrdreg $0xC0  }
0xab: {  	_ =	task [dreg:s7], $0x5FFFF  }
0xac: {  	[dreg:$0x1] =	wrdreg $0xFFFFFFFF  }
0xad: {  	[dreg:$0x0] =	wrdreg $0x60  }
0xae: {  	[dreg:$0x2] =	wrdreg s2  }
0xaf: {  	[dreg:$0x3] =	wrdreg s24  }
0xb0: {  	[dreg:$0x4] =	wrdreg $0x9  }
0xb1: {  	_ =	task.clear_ibuf [dreg:s7], $0x5FFFF;
	_ =	strace $0x90000046  }
0xb2: {  	s29 =	simm.s32 $0x9;
	_ =	strace $0x80000048  }
0xb3: {  	_ =	swait.ge [sflag:s29], $0x1  }
0xb4: {  	[sflag:s29] =	ssyncadd.s32 $0xFFFFFFFF  }
0xb5: {  	_ =	strace $0x90000048  }
0xb6: {  	_ =	sfence  }
0xb7: {  	s30 =	sld [smem:$0x0];
	_ =	sdelay $0x2  }
0xb8: {  	s31 =	sshll.u32 s1, $0xD;
	s1 =	sshrl.u32 s1, $0x2  }
0xb9: {  	s3 =	sand.u32 $0x4000, s31;
	s1 =	sadd.s32 s1, s30  }
0xba: {  	s0 =	sor.u32 s3, s0;
	s1 =	sshll.u32 s1, $0x11  }
0xbb: {  	s0 =	sor.u32 s1, s0  }
0xbc: {  	s0 =	sadd.s32 $0x8F2B, s0  }
0xbd: {  	[sflag:s0] =	ssyncadd.remote.s32 $0x1  }
0xbe: {  	_ =	sfence.sel $0xFFFF  }
0xbf: {  	[dreg:$0x0] =	wrdreg $0xFFFFFFFF;
	(pc) =	sbr.abs _section_cstart, $3  }
0xc0: {  	[dreg:$0x1] =	wrdreg $0xFFFFFFFF  }
0xc1: {  	_ =	task.clear_ibuf [dreg:s7], $0x2FFFF;
	_ =	strace $0x9FFFFFFF  }
0xc2: {  	(tm) =	ssettm $0x7FFFFFFF  }
0xc3: {  	_ =	shalt  }
tec
execute0_lowered:
.L_overlay_start_1:
0x0: {  	(tag) =	ssettag $0x1  }
0x1: {  	s0 =	rddreg [dreg:$0x0];
	s2 =	srdreg.scid  }
0x2: {  	s1 =	rddreg [dreg:$0x1];
	s3 =	sand.u32 $0x1, s2;
	s2 =	simm.s32 $0x0  }
0x3: {  	s5 =	stileid.u32;
	s4 =	sshll.u32 s3, $0x4;
	[smem:$0x7FF] =	sst s2  }
0x4: {  	s6 =	ssub.s32 $0x2, s3;
	s4 =	sor.u32 s5, s4;
	_ =	strace $0x80000047  }
0x5: {  	s7 =	sshrl.u32 s6, $0x1;
	s5 =	smul.u32 $0x680, s4;
	s4 =	sshll.u32 s4, $0x6  }
0x6: {  	s9 =	ssub.s32 s6, s7;
	s3 =	sadd.s32 s0, s4;
	s0 =	simm.s32 $0x2  }
0x7: {  	s4 =	simm.s32 $0x0;
	s8 =	sadd.s32 s5, s1;
	s21 =	sadd.s32 $0x800, s3  }
0x8: {  	s22 =	sadd.s32 $0x1000, s3;
	s23 =	sadd.s32 $0x1800, s3;
	s24 =	sadd.s32 $0x2000, s3  }
0x9: {  	s25 =	sadd.s32 $0x2800, s3;
	s26 =	sadd.s32 $0x3000, s3;
	s10 =	sadd.s32 $0x3800, s3  }
0xa: {  	s11 =	sadd.s32 $0x4000, s3;
	s12 =	sadd.s32 $0x4800, s3;
	s13 =	sadd.s32 $0x5000, s3  }
0xb: {  	s14 =	sadd.s32 $0x5800, s3;
	s15 =	sadd.s32 $0x6000, s3;
	[dreg:$0x3] =	wrdreg s21  }
0xc: {  	s16 =	sadd.s32 $0x6800, s3;
	s17 =	sadd.s32 $0x7000, s3;
	[dreg:$0x4] =	wrdreg s22  }
0xd: {  	s18 =	sadd.s32 $0x7800, s3;
	s19 =	sadd.s32 $0x8000, s3;
	[dreg:$0x5] =	wrdreg s23  }
0xe: {  	s20 =	sadd.s32 $0x8800, s3;
	s28 =	sadd.s32 $0xB000, s3;
	[dreg:$0x6] =	wrdreg s24  }
0xf: {  	s29 =	sadd.s32 $0xB800, s3;
	s30 =	sadd.s32 $0xC000, s3;
	[dreg:$0x7] =	wrdreg s25  }
0x10: {  	s31 =	sadd.s32 $0xC800, s3;
	s1 =	simm.s32 $0x1;
	[dreg:$0x8] =	wrdreg s26  }
0x11: {  	s21 =	sadd.s32 $0x9000, s3;
	s22 =	sadd.s32 $0x9800, s3;
	s23 =	sadd.s32 $0xA000, s3  }
0x12: {  	s24 =	sadd.s32 $0x800, s8;
	s25 =	smax.u32 s9, $0x1;
	s26 =	sadd.s32 $0xA800, s3  }
.LBB2_1:
0x13: {  	[tilespmem:s2], [sflag:$0x1] =	stream.linear.gather [hbm4b:s3+s2], $0x200, $0x38;
	[tilespmem:$0x3400] =	vst v63  }
0x14: {  	s5 =	rddreg [dreg:$0x3];
	s6 =	simm.s32 $0x200  }
0x15: {  	[tilespmem:s6], [sflag:$0x1] =	stream.linear.gather [hbm4b:s5+s2], $0x200, $0x38;
	[tilespmem:$0x3400] =	vst v63  }
0x16: {  	s8 =	rddreg [dreg:$0x4];
	s9 =	simm.s32 $0x400  }
0x17: {  	[tilespmem:s9], [sflag:$0x1] =	stream.linear.gather [hbm4b:s8+s2], $0x200, $0x38;
	[tilespmem:$0x3400] =	vst v63  }
0x18: {  	s7 =	simm.s32 $0x600;
	s6 =	rddreg [dreg:$0x5]  }
0x19: {  	[tilespmem:s7], [sflag:$0x1] =	stream.linear.gather [hbm4b:s6+s2], $0x200, $0x38;
	[tilespmem:$0x3400] =	vst v63  }
0x1a: {  	s8 =	rddreg [dreg:$0x6];
	s9 =	simm.s32 $0x800  }
0x1b: {  	[tilespmem:s9], [sflag:$0x1] =	stream.linear.gather [hbm4b:s8+s2], $0x200, $0x38;
	[tilespmem:$0x3400] =	vst v63  }
0x1c: {  	s6 =	rddreg [dreg:$0x7];
	s7 =	simm.s32 $0xA00  }
0x1d: {  	[tilespmem:s7], [sflag:$0x1] =	stream.linear.gather [hbm4b:s6+s2], $0x200, $0x38;
	[tilespmem:$0x3400] =	vst v63  }
0x1e: {  	s8 =	rddreg [dreg:$0x8];
	s9 =	simm.s32 $0xC00  }
0x1f: {  	[tilespmem:s9], [sflag:$0x1] =	stream.linear.gather [hbm4b:s8+s2], $0x200, $0x38;
	[tilespmem:$0x3400] =	vst v63  }
0x20: {  	s6 =	simm.s32 $0xE00  }
0x21: {  	[tilespmem:s6], [sflag:$0x1] =	stream.linear.gather [hbm4b:s10+s2], $0x200, $0x38;
	[tilespmem:$0x3400] =	vst v63  }
0x22: {  	s7 =	simm.s32 $0x1000  }
0x23: {  	[tilespmem:s7], [sflag:$0x1] =	stream.linear.gather [hbm4b:s11+s2], $0x200, $0x38;
	[tilespmem:$0x3400] =	vst v63  }
0x24: {  	s8 =	simm.s32 $0x1200  }
0x25: {  	[tilespmem:s8], [sflag:$0x1] =	stream.linear.gather [hbm4b:s12+s2], $0x200, $0x38;
	[tilespmem:$0x3400] =	vst v63  }
0x26: {  	s9 =	simm.s32 $0x1400  }
0x27: {  	[tilespmem:s9], [sflag:$0x1] =	stream.linear.gather [hbm4b:s13+s2], $0x200, $0x38;
	[tilespmem:$0x3400] =	vst v63  }
0x28: {  	s6 =	simm.s32 $0x1600  }
0x29: {  	[tilespmem:s6], [sflag:$0x1] =	stream.linear.gather [hbm4b:s14+s2], $0x200, $0x38;
	[tilespmem:$0x3400] =	vst v63  }
0x2a: {  	s7 =	simm.s32 $0x1800  }
0x2b: {  	[tilespmem:s7], [sflag:$0x1] =	stream.linear.gather [hbm4b:s15+s2], $0x200, $0x38;
	[tilespmem:$0x3400] =	vst v63  }
0x2c: {  	s8 =	simm.s32 $0x1A00  }
0x2d: {  	[tilespmem:s8], [sflag:$0x1] =	stream.linear.gather [hbm4b:s16+s2], $0x200, $0x38;
	[tilespmem:$0x3400] =	vst v63  }
0x2e: {  	s9 =	simm.s32 $0x1C00  }
0x2f: {  	[tilespmem:s9], [sflag:$0x1] =	stream.linear.gather [hbm4b:s17+s2], $0x200, $0x38;
	[tilespmem:$0x3400] =	vst v63  }
0x30: {  	s6 =	simm.s32 $0x1E00  }
0x31: {  	[tilespmem:s6], [sflag:$0x1] =	stream.linear.gather [hbm4b:s18+s2], $0x200, $0x38;
	[tilespmem:$0x3400] =	vst v63  }
0x32: {  	s7 =	simm.s32 $0x2000  }
0x33: {  	[tilespmem:s7], [sflag:$0x1] =	stream.linear.gather [hbm4b:s19+s2], $0x200, $0x38;
	[tilespmem:$0x3400] =	vst v63  }
0x34: {  	s8 =	simm.s32 $0x2200  }
0x35: {  	[tilespmem:s8], [sflag:$0x1] =	stream.linear.gather [hbm4b:s20+s2], $0x200, $0x38;
	[tilespmem:$0x3400] =	vst v63  }
0x36: {  	s9 =	simm.s32 $0x2400  }
0x37: {  	[tilespmem:s9], [sflag:$0x1] =	stream.linear.gather [hbm4b:s21+s2], $0x200, $0x38;
	[tilespmem:$0x3400] =	vst v63  }
0x38: {  	s6 =	simm.s32 $0x2600  }
0x39: {  	[tilespmem:s6], [sflag:$0x1] =	stream.linear.gather [hbm4b:s22+s2], $0x200, $0x38;
	[tilespmem:$0x3400] =	vst v63  }
0x3a: {  	s7 =	simm.s32 $0x2800  }
0x3b: {  	[tilespmem:s7], [sflag:$0x1] =	stream.linear.gather [hbm4b:s23+s2], $0x200, $0x38;
	[tilespmem:$0x3400] =	vst v63  }
0x3c: {  	s8 =	simm.s32 $0x2A00  }
0x3d: {  	[tilespmem:s8], [sflag:$0x1] =	stream.linear.gather [hbm4b:s26+s2], $0x200, $0x38;
	[tilespmem:$0x3400] =	vst v63  }
0x3e: {  	s9 =	simm.s32 $0x2C00  }
0x3f: {  	[tilespmem:s9], [sflag:$0x1] =	stream.linear.gather [hbm4b:s28+s2], $0x200, $0x38;
	[tilespmem:$0x3400] =	vst v63  }
0x40: {  	s6 =	simm.s32 $0x2E00  }
0x41: {  	[tilespmem:s6], [sflag:$0x1] =	stream.linear.gather [hbm4b:s29+s2], $0x200, $0x38;
	[tilespmem:$0x3400] =	vst v63  }
0x42: {  	s7 =	simm.s32 $0x3000  }
0x43: {  	[tilespmem:s7], [sflag:$0x1] =	stream.linear.gather [hbm4b:s30+s2], $0x200, $0x38;
	[tilespmem:$0x3400] =	vst v63  }
0x44: {  	s8 =	simm.s32 $0x3200  }
0x45: {  	[tilespmem:s8], [sflag:$0x1] =	stream.linear.gather [hbm4b:s31+s2], $0x200, $0x38;
	[tilespmem:$0x3400] =	vst v63  }
0x46: {  	_ =	swait.ge [sflag:s1], $0x200  }
0x47: {  	[sflag:s1] =	ssyncset.done $0x0  }
0x48: {  	[sflag:s1] =	ssyncadd.s32 $0xFFFFFE00  }
0x49: {  	_ =	swait.ge [sflag:s1], $0x200  }
0x4a: {  	[sflag:s1] =	ssyncset.done $0x0  }
0x4b: {  	[sflag:s1] =	ssyncadd.s32 $0xFFFFFE00  }
0x4c: {  	_ =	swait.ge [sflag:s1], $0x200  }
0x4d: {  	[sflag:s1] =	ssyncset.done $0x0  }
0x4e: {  	[sflag:s1] =	ssyncadd.s32 $0xFFFFFE00  }
0x4f: {  	_ =	swait.ge [sflag:s1], $0x200  }
0x50: {  	[sflag:s1] =	ssyncset.done $0x0  }
0x51: {  	[sflag:s1] =	ssyncadd.s32 $0xFFFFFE00  }
0x52: {  	_ =	swait.ge [sflag:s1], $0x200  }
0x53: {  	[sflag:s1] =	ssyncset.done $0x0  }
0x54: {  	[sflag:s1] =	ssyncadd.s32 $0xFFFFFE00  }
0x55: {  	_ =	swait.ge [sflag:s1], $0x200  }
0x56: {  	[sflag:s1] =	ssyncset.done $0x0  }
0x57: {  	[sflag:s1] =	ssyncadd.s32 $0xFFFFFE00  }
0x58: {  	_ =	swait.ge [sflag:s1], $0x200  }
0x59: {  	[sflag:s1] =	ssyncset.done $0x0  }
0x5a: {  	[sflag:s1] =	ssyncadd.s32 $0xFFFFFE00  }
0x5b: {  	_ =	swait.ge [sflag:s1], $0x200  }
0x5c: {  	[sflag:s1] =	ssyncset.done $0x0  }
0x5d: {  	[sflag:s1] =	ssyncadd.s32 $0xFFFFFE00  }
0x5e: {  	_ =	swait.ge [sflag:s1], $0x200  }
0x5f: {  	[sflag:s1] =	ssyncset.done $0x0  }
0x60: {  	[sflag:s1] =	ssyncadd.s32 $0xFFFFFE00  }
0x61: {  	_ =	swait.ge [sflag:s1], $0x200  }
0x62: {  	[sflag:s1] =	ssyncset.done $0x0  }
0x63: {  	[sflag:s1] =	ssyncadd.s32 $0xFFFFFE00  }
0x64: {  	_ =	swait.ge [sflag:s1], $0x200  }
0x65: {  	[sflag:s1] =	ssyncset.done $0x0  }
0x66: {  	[sflag:s1] =	ssyncadd.s32 $0xFFFFFE00  }
0x67: {  	_ =	swait.ge [sflag:s1], $0x200  }
0x68: {  	[sflag:s1] =	ssyncset.done $0x0  }
0x69: {  	[sflag:s1] =	ssyncadd.s32 $0xFFFFFE00  }
0x6a: {  	_ =	swait.ge [sflag:s1], $0x200  }
0x6b: {  	[sflag:s1] =	ssyncset.done $0x0  }
0x6c: {  	[sflag:s1] =	ssyncadd.s32 $0xFFFFFE00  }
0x6d: {  	_ =	swait.ge [sflag:s1], $0x200  }
0x6e: {  	[sflag:s1] =	ssyncset.done $0x0  }
0x6f: {  	[sflag:s1] =	ssyncadd.s32 $0xFFFFFE00  }
0x70: {  	_ =	swait.ge [sflag:s1], $0x200  }
0x71: {  	[sflag:s1] =	ssyncset.done $0x0  }
0x72: {  	[sflag:s1] =	ssyncadd.s32 $0xFFFFFE00  }
0x73: {  	_ =	swait.ge [sflag:s1], $0x200  }
0x74: {  	[sflag:s1] =	ssyncset.done $0x0  }
0x75: {  	[sflag:s1] =	ssyncadd.s32 $0xFFFFFE00  }
0x76: {  	_ =	swait.ge [sflag:s1], $0x200  }
0x77: {  	[sflag:s1] =	ssyncset.done $0x0  }
0x78: {  	[sflag:s1] =	ssyncadd.s32 $0xFFFFFE00  }
0x79: {  	_ =	swait.ge [sflag:s1], $0x200  }
0x7a: {  	[sflag:s1] =	ssyncset.done $0x0  }
0x7b: {  	[sflag:s1] =	ssyncadd.s32 $0xFFFFFE00  }
0x7c: {  	_ =	swait.ge [sflag:s1], $0x200  }
0x7d: {  	[sflag:s1] =	ssyncset.done $0x0  }
0x7e: {  	[sflag:s1] =	ssyncadd.s32 $0xFFFFFE00  }
0x7f: {  	_ =	swait.ge [sflag:s1], $0x200  }
0x80: {  	[sflag:s1] =	ssyncset.done $0x0  }
0x81: {  	[sflag:s1] =	ssyncadd.s32 $0xFFFFFE00  }
0x82: {  	_ =	swait.ge [sflag:s1], $0x200  }
0x83: {  	[sflag:s1] =	ssyncset.done $0x0  }
0x84: {  	[sflag:s1] =	ssyncadd.s32 $0xFFFFFE00  }
0x85: {  	_ =	swait.ge [sflag:s1], $0x200  }
0x86: {  	[sflag:s1] =	ssyncset.done $0x0  }
0x87: {  	[sflag:s1] =	ssyncadd.s32 $0xFFFFFE00  }
0x88: {  	_ =	swait.ge [sflag:s1], $0x200  }
0x89: {  	[sflag:s1] =	ssyncset.done $0x0  }
0x8a: {  	[sflag:s1] =	ssyncadd.s32 $0xFFFFFE00  }
0x8b: {  	_ =	swait.ge [sflag:s1], $0x200  }
0x8c: {  	[sflag:s1] =	ssyncset.done $0x0  }
0x8d: {  	[sflag:s1] =	ssyncadd.s32 $0xFFFFFE00  }
0x8e: {  	_ =	swait.ge [sflag:s1], $0x200  }
0x8f: {  	[sflag:s1] =	ssyncset.done $0x0  }
0x90: {  	[sflag:s1] =	ssyncadd.s32 $0xFFFFFE00  }
0x91: {  	_ =	swait.ge [sflag:s1], $0x200  }
0x92: {  	[sflag:s1] =	ssyncset.done $0x0  }
0x93: {  	s5 =	simm.s32 $0x100;
	[sflag:s1] =	ssyncadd.s32 $0xFFFFFE00  }
0x94: {  	v0 =	vld [tilespmem:s5+$0xFFFFFF00]  }
0x95: {  	v1 =	vld [tilespmem:s5+$0xFFFFFF10]  }
0x96: {  	s9 =	sand.u32 $0x1, s2;
	v2 =	vld [tilespmem:s5+$0xFFFFFF20]  }
0x97: {  	p0 =	seq.s32 s9, $0x1;
	s6 =	simm.s32 $0x186A0;
	v3 =	vld [tilespmem:s5+$0xFFFFFF30]  }
0x98: {  	s6 =	simm.s32 @!p0 $0x0;
	v4 =	vld [tilespmem:s5+$0xFFFFFF40]  }
0x99: {  	v5 =	vld [tilespmem:s5+$0xFFFFFF50];
	v0 =	vadd.s32 s6, v0  }
0x9a: {  	[tilespmem:s5+$0xFFFFFF00] =	vst v0;
	v0 =	vadd.s32 s6, v1;
	v1 =	vld [tilespmem:s5+$0xFFFFFF60]  }
0x9b: {  	[tilespmem:s5+$0xFFFFFF10] =	vst v0;
	v0 =	vadd.s32 s6, v2;
	v2 =	vld [tilespmem:s5+$0xFFFFFF70]  }
0x9c: {  	[tilespmem:s5+$0xFFFFFF20] =	vst v0;
	v0 =	vadd.s32 s6, v3;
	v3 =	vld [tilespmem:s5+$0xFFFFFF80]  }
0x9d: {  	[tilespmem:s5+$0xFFFFFF30] =	vst v0;
	v0 =	vadd.s32 s6, v4;
	v4 =	vld [tilespmem:s5+$0xFFFFFF90]  }
0x9e: {  	[tilespmem:s5+$0xFFFFFF40] =	vst v0;
	v0 =	vadd.s32 s6, v5;
	v5 =	vld [tilespmem:s5+$0xFFFFFFA0]  }
0x9f: {  	[tilespmem:s5+$0xFFFFFF50] =	vst v0;
	v0 =	vadd.s32 s6, v1;
	v1 =	vld [tilespmem:s5+$0xFFFFFFB0]  }
0xa0: {  	[tilespmem:s5+$0xFFFFFF60] =	vst v0;
	v0 =	vadd.s32 s6, v2;
	v2 =	vld [tilespmem:s5+$0xFFFFFFC0]  }
0xa1: {  	[tilespmem:s5+$0xFFFFFF70] =	vst v0;
	v0 =	vadd.s32 s6, v3;
	v3 =	vld [tilespmem:s5+$0xFFFFFFD0]  }
0xa2: {  	[tilespmem:s5+$0xFFFFFF80] =	vst v0;
	v0 =	vadd.s32 s6, v4;
	v4 =	vld [tilespmem:s5+$0xFFFFFFE0]  }
0xa3: {  	[tilespmem:s5+$0xFFFFFF90] =	vst v0;
	v0 =	vadd.s32 s6, v5;
	v5 =	vld [tilespmem:s5+$0x0]  }
0xa4: {  	[tilespmem:s5+$0xFFFFFFA0] =	vst v0;
	v0 =	vadd.s32 s6, v1;
	v1 =	vld [tilespmem:s5+$0x10]  }
0xa5: {  	[tilespmem:s5+$0xFFFFFFB0] =	vst v0;
	v0 =	vadd.s32 s6, v2;
	v2 =	vld [tilespmem:s5+$0x20]  }
0xa6: {  	[tilespmem:s5+$0xFFFFFFC0] =	vst v0;
	v0 =	vadd.s32 s6, v3;
	v3 =	vld [tilespmem:s5+$0x30]  }
0xa7: {  	[tilespmem:s5+$0xFFFFFFD0] =	vst v0;
	v0 =	vadd.s32 s6, v4;
	v4 =	vld [tilespmem:s5+$0x40]  }
0xa8: {  	[tilespmem:s5+$0xFFFFFFE0] =	vst v0;
	v0 =	vadd.s32 s6, v5;
	v5 =	vld [tilespmem:s5+$0x50]  }
0xa9: {  	[tilespmem:s5+$0x0] =	vst v0;
	v0 =	vadd.s32 s6, v1;
	v1 =	vld [tilespmem:s5+$0x60]  }
0xaa: {  	[tilespmem:s5+$0x10] =	vst v0;
	v0 =	vadd.s32 s6, v2;
	v2 =	vld [tilespmem:s5+$0x70]  }
0xab: {  	[tilespmem:s5+$0x20] =	vst v0;
	v0 =	vadd.s32 s6, v3;
	v3 =	vld [tilespmem:s5+$0x80]  }
0xac: {  	[tilespmem:s5+$0x30] =	vst v0;
	v0 =	vadd.s32 s6, v4;
	v4 =	vld [tilespmem:s5+$0x90]  }
0xad: {  	[tilespmem:s5+$0x40] =	vst v0;
	v0 =	vadd.s32 s6, v5;
	v5 =	vld [tilespmem:s5+$0xA0]  }
0xae: {  	[tilespmem:s5+$0x50] =	vst v0;
	v1 =	vadd.s32 s6, v1;
	v0 =	vld [tilespmem:s5+$0xB0]  }
0xaf: {  	[tilespmem:s5+$0x60] =	vst v1;
	v2 =	vadd.s32 s6, v2;
	v1 =	vld [tilespmem:s5+$0xC0]  }
0xb0: {  	[tilespmem:s5+$0x70] =	vst v2;
	v3 =	vadd.s32 s6, v3;
	v2 =	vld [tilespmem:s5+$0xD0]  }
0xb1: {  	[tilespmem:s5+$0x80] =	vst v3;
	v4 =	vadd.s32 s6, v4;
	v3 =	vld [tilespmem:s5+$0xE0]  }
0xb2: {  	s7 =	simm.s32 $0x1;
	s8 =	simm.s32 $0x100;
	[tilespmem:s5+$0x90] =	vst v4;
	v5 =	vadd.s32 s6, v5;
	v4 =	vld [tilespmem:s5+$0xF0]  }
.LBB2_2:
0xb3: {  	v6 =	vld [tilespmem:s5+$0xFFFFFFF0]  }
0xb4: {  	p0 =	sne.s32 s7, $0x19;
	[tilespmem:s5+$0xA0] =	vst v5;
	v0 =	vadd.s32 s6, v0;
	s8 =	sadd.s32 $0x200, s8  }
0xb5: {  	v5 =	vld [tilespmem:s8+$0xFFFFFF00];
	[tilespmem:s5+$0xB0] =	vst v0;
	v0 =	vadd.s32 s6, v1  }
0xb6: {  	v1 =	vld [tilespmem:s8+$0xFFFFFF10];
	[tilespmem:s5+$0xC0] =	vst v0;
	v0 =	vadd.s32 s6, v2  }
0xb7: {  	s9 =	sand.u32 $0x1, s7;
	v2 =	vld [tilespmem:s8+$0xFFFFFF20];
	[tilespmem:s5+$0xD0] =	vst v0;
	v0 =	vadd.s32 s6, v3  }
0xb8: {  	p1 =	seq.s32 s9, $0x1;
	v3 =	vld [tilespmem:s8+$0xFFFFFF30];
	[tilespmem:s5+$0xE0] =	vst v0;
	v0 =	vadd.s32 s6, v4;
	v6 =	vadd.s32 s6, v6;
	s6 =	simm.s32 $0x186A0  }
0xb9: {  	v4 =	vld [tilespmem:s8+$0xFFFFFF40];
	[tilespmem:s5+$0xF0] =	vst v0;
	s6 =	simm.s32 @!p1 $0x0  }
0xba: {  	v0 =	vadd.s32 s6, v5;
	v5 =	vld [tilespmem:s8+$0xFFFFFF50];
	[tilespmem:s5+$0xFFFFFFF0] =	vst v6;
	s5 =	smov.u32 s8  }
0xbb: {  	[tilespmem:s8+$0xFFFFFF00] =	vst v0;
	v0 =	vadd.s32 s6, v1;
	v1 =	vld [tilespmem:s8+$0xFFFFFF60]  }
0xbc: {  	[tilespmem:s8+$0xFFFFFF10] =	vst v0;
	v0 =	vadd.s32 s6, v2;
	v2 =	vld [tilespmem:s8+$0xFFFFFF70]  }
0xbd: {  	[tilespmem:s8+$0xFFFFFF20] =	vst v0;
	v0 =	vadd.s32 s6, v3;
	v3 =	vld [tilespmem:s8+$0xFFFFFF80]  }
0xbe: {  	[tilespmem:s8+$0xFFFFFF30] =	vst v0;
	v0 =	vadd.s32 s6, v4;
	v4 =	vld [tilespmem:s8+$0xFFFFFF90]  }
0xbf: {  	[tilespmem:s8+$0xFFFFFF40] =	vst v0;
	v0 =	vadd.s32 s6, v5;
	v5 =	vld [tilespmem:s8+$0xFFFFFFA0]  }
0xc0: {  	[tilespmem:s8+$0xFFFFFF50] =	vst v0;
	v0 =	vadd.s32 s6, v1;
	v1 =	vld [tilespmem:s8+$0xFFFFFFB0]  }
0xc1: {  	[tilespmem:s8+$0xFFFFFF60] =	vst v0;
	v0 =	vadd.s32 s6, v2;
	v2 =	vld [tilespmem:s8+$0xFFFFFFC0]  }
0xc2: {  	[tilespmem:s8+$0xFFFFFF70] =	vst v0;
	v0 =	vadd.s32 s6, v3;
	v3 =	vld [tilespmem:s8+$0xFFFFFFD0]  }
0xc3: {  	[tilespmem:s8+$0xFFFFFF80] =	vst v0;
	v0 =	vadd.s32 s6, v4;
	v4 =	vld [tilespmem:s8+$0xFFFFFFE0]  }
0xc4: {  	[tilespmem:s8+$0xFFFFFF90] =	vst v0;
	v0 =	vadd.s32 s6, v5;
	v5 =	vld [tilespmem:s8+$0x0]  }
0xc5: {  	[tilespmem:s8+$0xFFFFFFA0] =	vst v0;
	v0 =	vadd.s32 s6, v1;
	v1 =	vld [tilespmem:s8+$0x10]  }
0xc6: {  	[tilespmem:s8+$0xFFFFFFB0] =	vst v0;
	v0 =	vadd.s32 s6, v2;
	v2 =	vld [tilespmem:s8+$0x20]  }
0xc7: {  	[tilespmem:s8+$0xFFFFFFC0] =	vst v0;
	v0 =	vadd.s32 s6, v3;
	v3 =	vld [tilespmem:s8+$0x30]  }
0xc8: {  	[tilespmem:s8+$0xFFFFFFD0] =	vst v0;
	v0 =	vadd.s32 s6, v4;
	v4 =	vld [tilespmem:s8+$0x40]  }
0xc9: {  	[tilespmem:s8+$0xFFFFFFE0] =	vst v0;
	v0 =	vadd.s32 s6, v5;
	v5 =	vld [tilespmem:s8+$0x50]  }
0xca: {  	[tilespmem:s8+$0x0] =	vst v0;
	v0 =	vadd.s32 s6, v1;
	v1 =	vld [tilespmem:s8+$0x60]  }
0xcb: {  	[tilespmem:s8+$0x10] =	vst v0;
	v0 =	vadd.s32 s6, v2;
	v2 =	vld [tilespmem:s8+$0x70]  }
0xcc: {  	[tilespmem:s8+$0x20] =	vst v0;
	v0 =	vadd.s32 s6, v3;
	v3 =	vld [tilespmem:s8+$0x80]  }
0xcd: {  	[tilespmem:s8+$0x30] =	vst v0;
	v0 =	vadd.s32 s6, v4;
	v4 =	vld [tilespmem:s8+$0x90]  }
0xce: {  	[tilespmem:s8+$0x40] =	vst v0;
	v0 =	vadd.s32 s6, v5;
	v5 =	vld [tilespmem:s8+$0xA0]  }
.Ltmp0:
0xcf: {  	[tilespmem:s8+$0x50] =	vst v0;
	v1 =	vadd.s32 s6, v1;
	v0 =	vld [tilespmem:s8+$0xB0];
	(pc) =	sbr.rel @p0 .LBB2_2-.Ltmp0, $4  }
0xd0: {  	[tilespmem:s8+$0x60] =	vst v1;
	v2 =	vadd.s32 s6, v2;
	v1 =	vld [tilespmem:s8+$0xC0]  }
0xd1: {  	[tilespmem:s8+$0x70] =	vst v2;
	v3 =	vadd.s32 s6, v3;
	v2 =	vld [tilespmem:s8+$0xD0]  }
0xd2: {  	[tilespmem:s8+$0x80] =	vst v3;
	v4 =	vadd.s32 s6, v4;
	v3 =	vld [tilespmem:s8+$0xE0]  }
0xd3: {  	s7 =	sadd.s32 $0x1, s7;
	[tilespmem:s8+$0x90] =	vst v4;
	v5 =	vadd.s32 s6, v5;
	v4 =	vld [tilespmem:s8+$0xF0]  }
0xd4: {  	v6 =	vld [tilespmem:s5+$0xFFFFFFF0];
	[tilespmem:s5+$0xA0] =	vst v5;
	v0 =	vadd.s32 s6, v0  }
0xd5: {  	[tilespmem:s5+$0xB0] =	vst v0;
	v59 =	vadd.s32 s6, v1  }
0xd6: {  	[tilespmem:s5+$0xC0] =	vst v59;
	v60 =	vadd.s32 s6, v2  }
0xd7: {  	[tilespmem:s5+$0xD0] =	vst v60;
	v61 =	vadd.s32 s6, v3  }
0xd8: {  	s4 =	sadd.s32 $0x1, s4;
	[tilespmem:s5+$0xE0] =	vst v61;
	v62 =	vadd.s32 s6, v4  }
0xd9: {  	p0 =	sne.s32 s4, s25;
	v63 =	vadd.s32 s6, v6;
	[tilespmem:s5+$0xF0] =	vst v62  }
.Ltmp1:
0xda: {  	[tilespmem:s5+$0xFFFFFFF0] =	vst v63;
	(pc) =	sbr.rel @p0 .LBB2_1-.Ltmp1, $4  }
0xdb: {  	[hbm4b:s24+s2] =	stream.linear.scatter [tilespmem:s2], [sflag:$0x2], $0x3400, $0x38;
	[tilespmem:$0x3400] =	vst v63  }
0xdc: {  	_ =	swait.ge [sflag:s0], $0x3400  }
0xdd: {  	[sflag:s0] =	ssyncset.done $0x0  }
0xde: {  	[sflag:s0] =	ssyncadd.s32 $0xFFFFCC00  }
0xdf: {  	_ =	sfence.sel $0x180000  }
0xe0: {  	[bflag:$0x0] =	sbarrier.arrive $0xFFFF  }
0xe1: {  	_ =	strace $0x90000047  }
0xe2: {  	s0 =	stileid.u32;
	[bflag:$0x2] =	sbarrier.arrive $0xFFFF  }
0xe3: {  	p0 =	sne.s32 s0, $0x0;
	s0 =	rddreg [dreg:$0x2]  }
0xe4: {  	s0 =	sadd.s32 @!p0 $0x100000, s0  }
0xe5: {  	[sflag:s0] =	ssyncadd.tile.s32 @!p0 $0x1;
	_ =	shalt  }
.Lfunc_end2:
_tile_overlayer_lowered:
.L_overlay_start_2:
0xe6: {  	(tag) =	ssettag $0x2  }
0xe7: {  	s0 =	rddreg [dreg:$0x0];
	s2 =	stileid.u32  }
0xe8: {  	s1 =	rddreg [dreg:$0x1];
	p0 =	sne.s32 s2, $0x0  }
0xe9: {  	s3 =	rddreg [dreg:$0x2];
	[bflag:$0x3] =	sbarrier.arrive $0xFFFF;
	s2 =	simm.s32 @!p0 $0x1C02  }
0xea: {  	[timem:s3], [sflag:s2] =	dma.local @!p0 [hbm:s0], s1  }
0xeb: {  	s0 =	simm.s32 @!p0 $0x2  }
0xec: {  	_ =	swait.ge @!p0 [sflag:s0], s1  }
0xed: {  	s1 =	ssub.s32 @!p0 $0x0, s1;
	[sflag:s0] =	ssyncset.done @!p0 $0x0  }
0xee: {  	[sflag:s0] =	ssyncadd.s32 @!p0 s1  }
0xef: {  	[bflag:$0x3] =	sbarrier.arrive $0xFFFF  }
0xf0: {  	_ =	shalt  }

// kernel: _run.7.cloned.1.call-start
scs
__scs_entry_jumppad:
0x0: {  	(pc) =	sbr.rel $0x88, $3  }
0x1: {  	(tag) =	ssettag $0x0;
	lr =	simm.s32 $0x1  }
0x2: {  	[smem:$0x3F92] =	sst lr;
	_ =	strace $0xD0000000  }
0x3: {  	_ = 	snop  }
0x4: {  	_ = 	snop  }
0x5: {  	_ = 	snop  }
0x6: {  	_ = 	snop  }
0x7: {  	_ = 	snop  }
__scs_overlays_trampoline_lowered:
0x8: {  	[smem:$0x3FA1] =	sst s0  }
0x9: {  	[smem:$0x3FA2] =	sst s1  }
0xa: {  	[smem:$0x3FA3] =	sst s2  }
0xb: {  	[smem:$0x3FA4] =	sst s3  }
0xc: {  	[smem:$0x3FA5] =	sst s4  }
0xd: {  	[smem:$0x3FA6] =	sst s5  }
0xe: {  	[smem:$0x3FA7] =	sst s6  }
0xf: {  	[smem:$0x3FA8] =	sst s7  }
0x10: {  	[smem:$0x3FA9] =	sst s8  }
0x11: {  	[smem:$0x3FAA] =	sst s9;
	s0 =	simm.s32 @!p0 $0x0  }
0x12: {  	s1 =	sld [smem:$0x3F90];
	s0 =	simm.s32 @p0 $0x1  }
0x13: {  	[smem:$0x3FAB] =	sst s0;
	s0 =	simm.s32 @!p1 $0x0  }
0x14: {  	s2 =	sld [smem:$0x3F8F];
	s0 =	simm.s32 @p1 $0x1  }
0x15: {  	[smem:$0x3FAC] =	sst s0;
	s0 =	simm.s32 @!p2 $0x0  }
0x16: {  	s3 =	sld [smem:$0x3FDB];
	s0 =	simm.s32 @p2 $0x1  }
0x17: {  	s4 =	simm.s32 $0x1BF5;
	[smem:$0x3FAE] =	sst s0  }
0x18: {  	s0 =	sld [smem:$0x3F91];
	_ =	swait.ge [sflag:s4], $0x0  }
0x19: {  	s7 =	sld [smem:$0x3F92]  }
0x1a: {  	s8 =	sadd.s32 $0xFFFFE003, lr  }
0x1b: {  	s9 =	sadd.s32 $0xFFFFFEF7, lr;
	s5 =	simm.s32 $0xFFFFFFFF;
	p2 =	slt.u32 s8, $0xFFFFF086  }
0x1c: {  	p1 =	slt.u32 s9, $0xF7A;
	s5 =	simm.s32 @!p2 $0x0  }
0x1d: {  	s5 =	simm.s32 @p1 $0x1;
	p0 =	seq.s32 s7, s2  }
0x1e: {  	s7 =	smul.u32 @!p0 $0xF7A, s2;
	p2 =	seq.s32 @!p0 s5, $0x0  }
0x1f: {  	s9 =	smul.u32 $0xF7A, s1;
	s8 =	simm.s32 @!p0 $0x1BF5;
	p2 =	por !p2, p0  }
0x20: {  	[sflag:s8] =	ssyncset.s32 @!p0 $0xFFFFF086;
	s6 =	sadd.s32 @!p0 s3, s7;
	s7 =	simm.s32 @!p0 $0x108  }
0x21: {  	s3 =	sadd.s32 s3, s9;
	s6 =	sadd.s32 @!p0 $0x88, s6;
	s7 =	simm.s32 @p2 $0x1082  }
0x22: {  	[simem:s7], [sflag:s8] =	dma.local @!p0 [hbm:s6], $0xF7A  }
0x23: {  	s9 =	sor.u32 $0xD0000000, s2;
	s6 =	simm.s32 $0x108;
	_ =	swait.ge @!p0 [sflag:s8], $0x0  }
0x24: {  	s3 =	sadd.s32 $0x88, s3;
	s6 =	simm.s32 @!p1 $0x1082;
	[sflag:s4] =	ssyncset.s32 $0xFFFFF086  }
0x25: {  	[simem:s6], [sflag:s4] =	dma.local [hbm:s3], $0xF7A  }
0x26: {  	[smem:$0x3F92] =	sst s1;
	(tag) =	ssettag s2;
	_ =	strace s9  }
0x27: {  	s1 =	sld [smem:$0x3FA2]  }
0x28: {  	s2 =	sld [smem:$0x3FA3]  }
0x29: {  	s4 =	sld [smem:$0x3FA5]  }
0x2a: {  	p0 =	seq.s32 s5, $0x0;
	s5 =	sld [smem:$0x3FA6]  }
0x2b: {  	s6 =	sld [smem:$0x3FA7]  }
0x2c: {  	s7 =	sld [smem:$0x3FA8]  }
0x2d: {  	s3 =	simm.s32 $0x108;
	s8 =	sld [smem:$0x3FA9]  }
0x2e: {  	s3 =	simm.s32 @!p0 $0x1082;
	s9 =	sld [smem:$0x3FAA]  }
0x2f: {  	lr =	sadd.s32 s0, s3;
	s0 =	sld [smem:$0x3FA1]  }
0x30: {  	s3 =	sld [smem:$0x3FA4]  }
0x31: {  	[smem:$0x3FAD] =	sst s10  }
0x32: {  	s10 =	sld [smem:$0x3FAB];
	_ =	sdelay $0x3  }
0x33: {  	p0 =	seq.s32 s10, $0x1;
	s10 =	sld [smem:$0x3FAD];
	_ =	sdelay $0x3  }
0x34: {  	[smem:$0x3FAD] =	sst s10  }
0x35: {  	s10 =	sld [smem:$0x3FAC];
	_ =	sdelay $0x3  }
0x36: {  	p1 =	seq.s32 s10, $0x1;
	s10 =	sld [smem:$0x3FAD];
	_ =	sdelay $0x3  }
0x37: {  	[smem:$0x3FAD] =	sst s10  }
0x38: {  	s10 =	sld [smem:$0x3FAE]  }
0x39: {  	_ = 	snop;
	(pc) =	sbr.ind lr, $3  }
0x3a: {  	_ = 	snop  }
0x3b: {  	_ = 	snop  }
0x3c: {  	p2 =	seq.s32 s10, $0x1;
	s10 =	sld [smem:$0x3FAD]  }
0x3d: {  	_ =	shalt  }
0x3e: {  	_ =	shalt  }
0x3f: {  	_ =	shalt  }
0x40: {  	_ =	shalt  }
0x41: {  	_ =	shalt  }
0x42: {  	_ =	shalt  }
0x43: {  	_ =	shalt  }
0x44: {  	_ =	shalt  }
0x45: {  	_ =	shalt  }
0x46: {  	_ =	shalt  }
0x47: {  	_ =	shalt  }
0x48: {  	_ =	shalt  }
0x49: {  	_ =	shalt  }
0x4a: {  	_ =	shalt  }
0x4b: {  	_ =	shalt  }
0x4c: {  	_ =	shalt  }
0x4d: {  	_ =	shalt  }
0x4e: {  	_ =	shalt  }
0x4f: {  	_ =	shalt  }
0x50: {  	_ =	shalt  }
0x51: {  	_ =	shalt  }
0x52: {  	_ =	shalt  }
0x53: {  	_ =	shalt  }
0x54: {  	_ =	shalt  }
0x55: {  	_ =	shalt  }
0x56: {  	_ =	shalt  }
0x57: {  	_ =	shalt  }
0x58: {  	_ =	shalt  }
0x59: {  	_ =	shalt  }
0x5a: {  	_ =	shalt  }
0x5b: {  	_ =	shalt  }
0x5c: {  	_ =	shalt  }
0x5d: {  	_ =	shalt  }
0x5e: {  	_ =	shalt  }
0x5f: {  	_ =	shalt  }
0x60: {  	_ =	shalt  }
0x61: {  	_ =	shalt  }
0x62: {  	_ =	shalt  }
0x63: {  	_ =	shalt  }
0x64: {  	_ =	shalt  }
0x65: {  	_ =	shalt  }
0x66: {  	_ =	shalt  }
0x67: {  	_ =	shalt  }
0x68: {  	_ =	shalt  }
0x69: {  	_ =	shalt  }
0x6a: {  	_ =	shalt  }
0x6b: {  	_ =	shalt  }
0x6c: {  	_ =	shalt  }
0x6d: {  	_ =	shalt  }
0x6e: {  	_ =	shalt  }
0x6f: {  	_ =	shalt  }
0x70: {  	_ =	shalt  }
0x71: {  	_ =	shalt  }
0x72: {  	_ =	shalt  }
0x73: {  	_ =	shalt  }
0x74: {  	_ =	shalt  }
0x75: {  	_ =	shalt  }
0x76: {  	_ =	shalt  }
0x77: {  	_ =	shalt  }
0x78: {  	_ =	shalt  }
0x79: {  	_ =	shalt  }
0x7a: {  	_ =	shalt  }
0x7b: {  	_ =	shalt  }
0x7c: {  	_ =	shalt  }
0x7d: {  	_ =	shalt  }
0x7e: {  	_ =	shalt  }
0x7f: {  	_ =	shalt  }
0x80: {  	_ =	shalt  }
0x81: {  	_ =	shalt  }
0x82: {  	_ =	shalt  }
0x83: {  	_ =	shalt  }
0x84: {  	_ =	shalt  }
0x85: {  	_ =	shalt  }
0x86: {  	_ =	shalt  }
0x87: {  	_ =	shalt  }
.Lfunc_end0:
.L_simem_size_0:
called_computation.1_lowered:
.L_overlay_start_0:
0x88: {  	s2 =	sld [smem:$0x3FD9]  }
0x89: {  	s3 =	sld [smem:$0x3FFE];
	_ =	sdelay $0x1  }
0x8a: {  	s1 =	srdreg.scid  }
0x8b: {  	s0 =	sand.u32 $0x1, s1  }
0x8c: {  	s23 =	sshll.u32 s0, $0xA;
	s2 =	sadd.s32 s3, s2  }
0x8d: {  	s2 =	sadd.s32 s2, s23  }
0x8e: {  	[smem:$0x3FB9] =	sst s2  }
0x8f: {  	_ = 	snop  }
0x90: {  	s2 =	sld [smem:$0x3FC8]  }
0x91: {  	s3 =	sld [smem:$0x3FC7]  }
0x92: {  	s4 =	sld [smem:$0x3FC6]  }
0x93: {  	s5 =	sld [smem:$0x3FC5]  }
0x94: {  	s6 =	sld [smem:$0x3FC4]  }
0x95: {  	s7 =	sld [smem:$0x3FC3]  }
0x96: {  	s8 =	sld [smem:$0x3FC2]  }
0x97: {  	s9 =	sld [smem:$0x3FC1]  }
0x98: {  	s10 =	sld [smem:$0x3FC0]  }
0x99: {  	s11 =	sld [smem:$0x3FBF]  }
0x9a: {  	s12 =	sld [smem:$0x3FBE]  }
0x9b: {  	s13 =	sld [smem:$0x3FBD]  }
0x9c: {  	s14 =	sld [smem:$0x3FBC]  }
0x9d: {  	s16 =	sld [smem:$0x3FBB]  }
0x9e: {  	s17 =	sld [smem:$0x3FD0];
	(tm) =	ssettm $0x1  }
0x9f: {  	s15 =	sld [smem:$0x3FFB];
	_ =	sdelay $0x3  }
0xa0: {  	_ =	strace s15  }
0xa1: {  	s15 =	sld [smem:$0x3FFC];
	_ =	sdelay $0x3  }
0xa2: {  	_ =	strace s15  }
0xa3: {  	s15 =	sld [smem:$0x3FFD];
	_ =	sdelay $0x3  }
0xa4: {  	_ =	strace s15  }
0xa5: {  	_ =	strace $0x8FFFFFFF  }
0xa6: {  	s24 =	sld [smem:$0x3FDB];
	_ =	sdelay $0x1  }
0xa7: {  	s18 =	simm.s32 $_scs_section_size  }
0xa8: {  	s19 =	simm.s32 $_size__tile_task_arg_handler_lowered;
	s20 =	simm.s32 $_tile_task_arg_handler_lowered  }
0xa9: {  	s28 =	simm.s32 $0x1BFF;
	s26 =	sshll.u32 s20, $0x1;
	s18 =	sadd.s32 s18, s24  }
0xaa: {  	s21 =	simm.s32 $0x60;
	s25 =	sshll.u32 s19, $0x1;
	s19 =	sadd.s32 s26, s18  }
0xab: {  	[timem:s21], [sflag:s28] =	dma.local [hbm:s19], s25  }
0xac: {  	_ =	swait.ge [sflag:s28], s25  }
0xad: {  	s29 =	simm.s32 $_tile_overlayer_lowered;
	s15 =	ssub.s32 $0x0, s25;
	[sflag:s28] =	ssyncset.done $0x0  }
0xae: {  	s30 =	simm.s32 $_size__tile_overlayer_lowered;
	s19 =	sshll.u32 s29, $0x1;
	[sflag:s28] =	ssyncadd.s32 s15  }
0xaf: {  	s31 =	sshll.u32 s30, $0x1;
	s19 =	sadd.s32 s19, s18;
	s15 =	simm.s32 $0x0  }
0xb0: {  	[timem:s15], [sflag:s28] =	dma.local [hbm:s19], s31  }
0xb1: {  	_ =	swait.ge [sflag:s28], s31  }
0xb2: {  	s22 =	ssub.s32 $0x0, s31;
	[sflag:s28] =	ssyncset.done $0x0  }
0xb3: {  	[sflag:s28] =	ssyncadd.s32 s22;
	_ =	sdelay $0x1  }
0xb4: {  	s23 =	simm.s32 $0x1B8B  }
0xb5: {  	_ =	swait.ge [sflag:s23], $0x1  }
0xb6: {  	[sflag:s23] =	ssyncset.done $0x0  }
0xb7: {  	s25 =	simm.s32 $0x1B8E;
	s24 =	sld [smem:$0x3FFE];
	[sflag:s23] =	ssyncadd.s32 $0xFFFFFFFF  }
0xb8: {  	s26 =	simm.s32 $execute0_lowered;
	[smem:$0x3FD2] =	sst s25  }
0xb9: {  	s20 =	sshll.u32 s26, $0x1;
	_ =	strace $0x80000049;
	[dreg:$0x1] =	wrdreg $0xFFFFFFFF  }
0xba: {  	s18 =	sadd.s32 s18, s20;
	s28 =	simm.s32 $_size_execute0_lowered;
	[dreg:$0x0] =	wrdreg $0x0  }
0xbb: {  	s20 =	sshll.u32 s28, $0x1;
	[dreg:$0x2] =	wrdreg s18  }
0xbc: {  	[dreg:$0x3] =	wrdreg s20  }
0xbd: {  	[dreg:$0x4] =	wrdreg $0xC0  }
0xbe: {  	_ =	task [dreg:s15], $0x5FFFF  }
0xbf: {  	[dreg:$0x1] =	wrdreg $0xFFFFFFFF  }
0xc0: {  	[dreg:$0x0] =	wrdreg $0x30  }
0xc1: {  	[dreg:$0x2] =	wrdreg $0x0  }
0xc2: {  	[dreg:$0x3] =	wrdreg s16  }
0xc3: {  	[dreg:$0x4] =	wrdreg s17  }
0xc4: {  	[dreg:$0x5] =	wrdreg $0x9  }
0xc5: {  	_ =	task [dreg:s15], $0x6FFFF  }
0xc6: {  	[dreg:$0x1] =	wrdreg $0xFFFFFFFF  }
0xc7: {  	[dreg:$0x0] =	wrdreg $0x60  }
0xc8: {  	[dreg:$0x2] =	wrdreg s24  }
0xc9: {  	[dreg:$0x3] =	wrdreg s2  }
0xca: {  	[dreg:$0x4] =	wrdreg s3  }
0xcb: {  	[dreg:$0x5] =	wrdreg s4  }
0xcc: {  	[dreg:$0x6] =	wrdreg s5  }
0xcd: {  	[dreg:$0x7] =	wrdreg s6  }
0xce: {  	[dreg:$0x8] =	wrdreg s7  }
0xcf: {  	[dreg:$0x9] =	wrdreg s8  }
0xd0: {  	[dreg:$0xa] =	wrdreg s9  }
0xd1: {  	[dreg:$0xb] =	wrdreg s10  }
0xd2: {  	[dreg:$0xc] =	wrdreg s11  }
0xd3: {  	[dreg:$0xd] =	wrdreg s12  }
0xd4: {  	[dreg:$0xe] =	wrdreg s13  }
0xd5: {  	[dreg:$0xf] =	wrdreg s14  }
0xd6: {  	_ =	task.clear_ibuf [dreg:s15], $0x10FFFF;
	_ =	strace $0x90000049  }
0xd7: {  	s29 =	simm.s32 $0x9;
	_ =	strace $0x8000004B  }
0xd8: {  	_ =	swait.ge [sflag:s29], $0x1  }
0xd9: {  	[sflag:s29] =	ssyncadd.s32 $0xFFFFFFFF  }
0xda: {  	_ =	strace $0x9000004B  }
0xdb: {  	_ =	sfence  }
0xdc: {  	s30 =	sld [smem:$0x0];
	_ =	sdelay $0x2  }
0xdd: {  	s31 =	sshll.u32 s1, $0xD;
	s1 =	sshrl.u32 s1, $0x2  }
0xde: {  	s3 =	sand.u32 $0x4000, s31;
	s1 =	sadd.s32 s1, s30  }
0xdf: {  	s0 =	sor.u32 s3, s0;
	s1 =	sshll.u32 s1, $0x11  }
0xe0: {  	s0 =	sor.u32 s1, s0  }
0xe1: {  	s0 =	sadd.s32 $0x8F2B, s0  }
0xe2: {  	[sflag:s0] =	ssyncadd.remote.s32 $0x1  }
0xe3: {  	_ =	sfence.sel $0xFFFF  }
0xe4: {  	[dreg:$0x0] =	wrdreg $0xFFFFFFFF;
	(pc) =	sbr.abs _section_cstart, $3  }
0xe5: {  	[dreg:$0x1] =	wrdreg $0xFFFFFFFF  }
0xe6: {  	_ =	task.clear_ibuf [dreg:s15], $0x2FFFF;
	_ =	strace $0x9FFFFFFF  }
0xe7: {  	(tm) =	ssettm $0x7FFFFFFF  }
tec
_tile_task_arg_handler_lowered:
.L_overlay_start_1:
0x0: {  	(tag) =	ssettag $0x1  }
0x1: {  	s0 =	rddreg [dreg:$0x0]  }
0x2: {  	s1 =	rddreg [dreg:$0x1]  }
0x3: {  	s2 =	rddreg [dreg:$0x2]  }
0x4: {  	s3 =	rddreg [dreg:$0x3]  }
0x5: {  	s4 =	rddreg [dreg:$0x4]  }
0x6: {  	s5 =	rddreg [dreg:$0x5]  }
0x7: {  	s6 =	rddreg [dreg:$0x6]  }
0x8: {  	s7 =	rddreg [dreg:$0x7]  }
0x9: {  	s8 =	rddreg [dreg:$0x8]  }
0xa: {  	s9 =	rddreg [dreg:$0x9]  }
0xb: {  	s10 =	rddreg [dreg:$0xa]  }
0xc: {  	s11 =	rddreg [dreg:$0xb]  }
0xd: {  	s12 =	rddreg [dreg:$0xc]  }
0xe: {  	s13 =	rddreg [dreg:$0xd]  }
0xf: {  	[smem:s0] =	sst s1  }
0x10: {  	[smem:s0+$0x1] =	sst s2  }
0x11: {  	[smem:s0+$0x2] =	sst s3  }
0x12: {  	[smem:s0+$0x3] =	sst s4  }
0x13: {  	[smem:s0+$0x4] =	sst s5  }
0x14: {  	[smem:s0+$0x5] =	sst s6  }
0x15: {  	[smem:s0+$0x6] =	sst s7  }
0x16: {  	[smem:s0+$0x7] =	sst s8  }
0x17: {  	[smem:s0+$0x8] =	sst s9  }
0x18: {  	[smem:s0+$0x9] =	sst s10  }
0x19: {  	[smem:s0+$0xA] =	sst s11  }
0x1a: {  	[smem:s0+$0xB] =	sst s12  }
0x1b: {  	[smem:s0+$0xC] =	sst s13;
	_ =	shalt  }
.Lfunc_end2:
execute0_lowered:
.L_overlay_start_2:
0x1c: {  	(tag) =	ssettag $0x2  }
0x1d: {  	s12 =	rddreg [dreg:$0x0]  }
0x1e: {  	s0 =	rddreg [dreg:$0x1]  }
0x1f: {  	s1 =	rddreg [dreg:$0x2]  }
0x20: {  	s2 =	rddreg [dreg:$0x3]  }
0x21: {  	s3 =	rddreg [dreg:$0x4]  }
0x22: {  	s4 =	rddreg [dreg:$0x5]  }
0x23: {  	s5 =	rddreg [dreg:$0x6]  }
0x24: {  	s6 =	rddreg [dreg:$0x7]  }
0x25: {  	s7 =	rddreg [dreg:$0x8]  }
0x26: {  	s8 =	rddreg [dreg:$0x9]  }
0x27: {  	s9 =	rddreg [dreg:$0xa]  }
0x28: {  	s10 =	rddreg [dreg:$0xb]  }
0x29: {  	s11 =	rddreg [dreg:$0xc]  }
0x2a: {  	s15 =	srdreg.scid;
	s13 =	rddreg [dreg:$0xd];
	s14 =	simm.s32 $0x0  }
0x2b: {  	s18 =	stileid.u32;
	s22 =	simm.s32 $0x80;
	s28 =	simm.s32 $0x6700  }
0x2c: {  	s29 =	simm.s32 $0x3380;
	s30 =	simm.s32 $0x6780;
	[smem:$0x7FF] =	sst s14  }
0x2d: {  	s31 =	simm.s32 $0x1;
	s15 =	sand.u32 $0x1, s15;
	s19 =	sld [smem:$0x1]  }
0x2e: {  	s17 =	sshll.u32 s15, $0x4;
	s20 =	sld [smem:$0x2];
	s15 =	ssub.s32 $0x2, s15  }
0x2f: {  	s16 =	sld [smem:$0x0];
	s18 =	sor.u32 s18, s17;
	s25 =	sshrl.u32 s15, $0x1  }
0x30: {  	s17 =	smul.u32 $0x680, s18;
	s15 =	ssub.s32 s15, s25;
	s26 =	sshll.u32 s18, $0x6  }
0x31: {  	[dreg:$0xe] =	wrdreg s20;
	s18 =	sadd.s32 s19, s26;
	s19 =	smax.u32 s15, $0x1  }
0x32: {  	s20 =	simm.s32 $0x2;
	s15 =	simm.s32 $0x0;
	s12 =	sadd.s32 s17, s12  }
0x33: {  	_ =	strace $0x8000004A;
	s17 =	sadd.s32 $0x800, s12;
	s12 =	simm.s32 $0x6800  }
.LBB3_1:
0x34: {  	[tilespmem:s14], [sflag:$0x2] =	stream.linear.gather [hbm4b:s17+s14], $0x3400, $0x38;
	[tilespmem:$0x6A80] =	vst v63  }
0x35: {  	_ =	swait.ge [sflag:s20], $0x3400  }
0x36: {  	[sflag:s20] =	ssyncset.done $0x0  }
0x37: {  	s21 =	simm.s32 $0x6A00;
	[sflag:s20] =	ssyncadd.s32 $0xFFFFCC00  }
0x38: {  	[tilespmem:s21], [sflag:$0x2] =	stream.linear.gather [hbm4b:s16+s14], $0x80, $0x38;
	[tilespmem:$0x6A80] =	vst v63  }
0x39: {  	_ =	swait.ge [sflag:s20], $0x80  }
0x3a: {  	[sflag:s20] =	ssyncset.done $0x0  }
0x3b: {  	s21 =	simm.s32 $0x3400;
	[sflag:s20] =	ssyncadd.s32 $0xFFFFFF80  }
0x3c: {  	[tilespmem:s21], [sflag:$0x1] =	stream.indirect.gather [hbm4b:s0+s22], $0x1, s14, s22, $0xb8;
	[tilespmem:$0x6A80] =	vst v63  }
0x3d: {  	s23 =	simm.s32 $0x3480  }
0x3e: {  	[tilespmem:s23], [sflag:$0x1] =	stream.indirect.gather [hbm4b:s0+s22], $0x1, s22, s22, $0xb8;
	[tilespmem:$0x6A80] =	vst v63  }
0x3f: {  	s26 =	simm.s32 $0x100;
	s24 =	simm.s32 $0x3500  }
0x40: {  	[tilespmem:s24], [sflag:$0x1] =	stream.indirect.gather [hbm4b:s0+s22], $0x1, s26, s22, $0xb8;
	[tilespmem:$0x6A80] =	vst v63  }
0x41: {  	s25 =	simm.s32 $0x180;
	s26 =	simm.s32 $0x3580  }
0x42: {  	[tilespmem:s26], [sflag:$0x1] =	stream.indirect.gather [hbm4b:s0+s22], $0x1, s25, s22, $0xb8;
	[tilespmem:$0x6A80] =	vst v63  }
0x43: {  	s25 =	simm.s32 $0x200;
	s26 =	simm.s32 $0x3600  }
0x44: {  	[tilespmem:s26], [sflag:$0x1] =	stream.indirect.gather [hbm4b:s0+s22], $0x1, s25, s22, $0xb8;
	[tilespmem:$0x6A80] =	vst v63  }
0x45: {  	s25 =	simm.s32 $0x280;
	s26 =	simm.s32 $0x3680  }
0x46: {  	[tilespmem:s26], [sflag:$0x1] =	stream.indirect.gather [hbm4b:s0+s22], $0x1, s25, s22, $0xb8;
	[tilespmem:$0x6A80] =	vst v63  }
0x47: {  	s25 =	simm.s32 $0x300;
	s26 =	simm.s32 $0x3700  }
0x48: {  	[tilespmem:s26], [sflag:$0x1] =	stream.indirect.gather [hbm4b:s0+s22], $0x1, s25, s22, $0xb8;
	[tilespmem:$0x6A80] =	vst v63  }
0x49: {  	s25 =	simm.s32 $0x380;
	s26 =	simm.s32 $0x3780  }
0x4a: {  	[tilespmem:s26], [sflag:$0x1] =	stream.indirect.gather [hbm4b:s0+s22], $0x1, s25, s22, $0xb8;
	[tilespmem:$0x6A80] =	vst v63  }
0x4b: {  	s25 =	simm.s32 $0x400;
	s26 =	simm.s32 $0x3800  }
0x4c: {  	[tilespmem:s26], [sflag:$0x1] =	stream.indirect.gather [hbm4b:s1+s22], $0x1, s25, s22, $0xb8;
	[tilespmem:$0x6A80] =	vst v63  }
0x4d: {  	s25 =	simm.s32 $0x480;
	s26 =	simm.s32 $0x3880  }
0x4e: {  	[tilespmem:s26], [sflag:$0x1] =	stream.indirect.gather [hbm4b:s1+s22], $0x1, s25, s22, $0xb8;
	[tilespmem:$0x6A80] =	vst v63  }
0x4f: {  	s25 =	simm.s32 $0x500;
	s26 =	simm.s32 $0x3900  }
0x50: {  	[tilespmem:s26], [sflag:$0x1] =	stream.indirect.gather [hbm4b:s1+s22], $0x1, s25, s22, $0xb8;
	[tilespmem:$0x6A80] =	vst v63  }
0x51: {  	s25 =	simm.s32 $0x580;
	s26 =	simm.s32 $0x3980  }
0x52: {  	[tilespmem:s26], [sflag:$0x1] =	stream.indirect.gather [hbm4b:s1+s22], $0x1, s25, s22, $0xb8;
	[tilespmem:$0x6A80] =	vst v63  }
0x53: {  	s25 =	simm.s32 $0x600;
	s26 =	simm.s32 $0x3A00  }
0x54: {  	[tilespmem:s26], [sflag:$0x1] =	stream.indirect.gather [hbm4b:s1+s22], $0x1, s25, s22, $0xb8;
	[tilespmem:$0x6A80] =	vst v63  }
0x55: {  	s25 =	simm.s32 $0x680;
	s26 =	simm.s32 $0x3A80  }
0x56: {  	[tilespmem:s26], [sflag:$0x1] =	stream.indirect.gather [hbm4b:s1+s22], $0x1, s25, s22, $0xb8;
	[tilespmem:$0x6A80] =	vst v63  }
0x57: {  	s25 =	simm.s32 $0x700;
	s26 =	simm.s32 $0x3B00  }
0x58: {  	[tilespmem:s26], [sflag:$0x1] =	stream.indirect.gather [hbm4b:s1+s22], $0x1, s25, s22, $0xb8;
	[tilespmem:$0x6A80] =	vst v63  }
0x59: {  	s25 =	simm.s32 $0x780;
	s26 =	simm.s32 $0x3B80  }
0x5a: {  	[tilespmem:s26], [sflag:$0x1] =	stream.indirect.gather [hbm4b:s1+s22], $0x1, s25, s22, $0xb8;
	[tilespmem:$0x6A80] =	vst v63  }
0x5b: {  	s25 =	simm.s32 $0x800;
	s26 =	simm.s32 $0x3C00  }
0x5c: {  	[tilespmem:s26], [sflag:$0x1] =	stream.indirect.gather [hbm4b:s2+s22], $0x1, s25, s22, $0xb8;
	[tilespmem:$0x6A80] =	vst v63  }
0x5d: {  	s25 =	simm.s32 $0x880;
	s26 =	simm.s32 $0x3C80  }
0x5e: {  	[tilespmem:s26], [sflag:$0x1] =	stream.indirect.gather [hbm4b:s2+s22], $0x1, s25, s22, $0xb8;
	[tilespmem:$0x6A80] =	vst v63  }
0x5f: {  	s25 =	simm.s32 $0x900;
	s26 =	simm.s32 $0x3D00  }
0x60: {  	[tilespmem:s26], [sflag:$0x1] =	stream.indirect.gather [hbm4b:s2+s22], $0x1, s25, s22, $0xb8;
	[tilespmem:$0x6A80] =	vst v63  }
0x61: {  	s25 =	simm.s32 $0x980;
	s26 =	simm.s32 $0x3D80  }
0x62: {  	[tilespmem:s26], [sflag:$0x1] =	stream.indirect.gather [hbm4b:s2+s22], $0x1, s25, s22, $0xb8;
	[tilespmem:$0x6A80] =	vst v63  }
0x63: {  	s25 =	simm.s32 $0xA00;
	s26 =	simm.s32 $0x3E00  }
0x64: {  	[tilespmem:s26], [sflag:$0x1] =	stream.indirect.gather [hbm4b:s2+s22], $0x1, s25, s22, $0xb8;
	[tilespmem:$0x6A80] =	vst v63  }
0x65: {  	s25 =	simm.s32 $0xA80;
	s26 =	simm.s32 $0x3E80  }
0x66: {  	[tilespmem:s26], [sflag:$0x1] =	stream.indirect.gather [hbm4b:s2+s22], $0x1, s25, s22, $0xb8;
	[tilespmem:$0x6A80] =	vst v63  }
0x67: {  	s25 =	simm.s32 $0xB00;
	s26 =	simm.s32 $0x3F00  }
0x68: {  	[tilespmem:s26], [sflag:$0x1] =	stream.indirect.gather [hbm4b:s2+s22], $0x1, s25, s22, $0xb8;
	[tilespmem:$0x6A80] =	vst v63  }
0x69: {  	s25 =	simm.s32 $0xB80;
	s26 =	simm.s32 $0x3F80  }
0x6a: {  	[tilespmem:s26], [sflag:$0x1] =	stream.indirect.gather [hbm4b:s2+s22], $0x1, s25, s22, $0xb8;
	[tilespmem:$0x6A80] =	vst v63  }
0x6b: {  	s25 =	simm.s32 $0xC00;
	s26 =	simm.s32 $0x4000  }
0x6c: {  	[tilespmem:s26], [sflag:$0x1] =	stream.indirect.gather [hbm4b:s3+s22], $0x1, s25, s22, $0xb8;
	[tilespmem:$0x6A80] =	vst v63  }
0x6d: {  	s25 =	simm.s32 $0xC80;
	s26 =	simm.s32 $0x4080  }
0x6e: {  	[tilespmem:s26], [sflag:$0x1] =	stream.indirect.gather [hbm4b:s3+s22], $0x1, s25, s22, $0xb8;
	[tilespmem:$0x6A80] =	vst v63  }
0x6f: {  	s25 =	simm.s32 $0xD00;
	s26 =	simm.s32 $0x4100  }
0x70: {  	[tilespmem:s26], [sflag:$0x1] =	stream.indirect.gather [hbm4b:s3+s22], $0x1, s25, s22, $0xb8;
	[tilespmem:$0x6A80] =	vst v63  }
0x71: {  	s25 =	simm.s32 $0xD80;
	s26 =	simm.s32 $0x4180  }
0x72: {  	[tilespmem:s26], [sflag:$0x1] =	stream.indirect.gather [hbm4b:s3+s22], $0x1, s25, s22, $0xb8;
	[tilespmem:$0x6A80] =	vst v63  }
0x73: {  	s25 =	simm.s32 $0xE00;
	s26 =	simm.s32 $0x4200  }
0x74: {  	[tilespmem:s26], [sflag:$0x1] =	stream.indirect.gather [hbm4b:s3+s22], $0x1, s25, s22, $0xb8;
	[tilespmem:$0x6A80] =	vst v63  }
0x75: {  	s25 =	simm.s32 $0xE80;
	s26 =	simm.s32 $0x4280  }
0x76: {  	[tilespmem:s26], [sflag:$0x1] =	stream.indirect.gather [hbm4b:s3+s22], $0x1, s25, s22, $0xb8;
	[tilespmem:$0x6A80] =	vst v63  }
0x77: {  	s25 =	simm.s32 $0xF00;
	s26 =	simm.s32 $0x4300  }
0x78: {  	[tilespmem:s26], [sflag:$0x1] =	stream.indirect.gather [hbm4b:s3+s22], $0x1, s25, s22, $0xb8;
	[tilespmem:$0x6A80] =	vst v63  }
0x79: {  	s25 =	simm.s32 $0xF80;
	s26 =	simm.s32 $0x4380  }
0x7a: {  	[tilespmem:s26], [sflag:$0x1] =	stream.indirect.gather [hbm4b:s3+s22], $0x1, s25, s22, $0xb8;
	[tilespmem:$0x6A80] =	vst v63  }
0x7b: {  	s25 =	simm.s32 $0x1000;
	s26 =	simm.s32 $0x4400  }
0x7c: {  	[tilespmem:s26], [sflag:$0x1] =	stream.indirect.gather [hbm4b:s4+s22], $0x1, s25, s22, $0xb8;
	[tilespmem:$0x6A80] =	vst v63  }
0x7d: {  	s25 =	simm.s32 $0x1080;
	s26 =	simm.s32 $0x4480  }
0x7e: {  	[tilespmem:s26], [sflag:$0x1] =	stream.indirect.gather [hbm4b:s4+s22], $0x1, s25, s22, $0xb8;
	[tilespmem:$0x6A80] =	vst v63  }
0x7f: {  	s25 =	simm.s32 $0x1100;
	s26 =	simm.s32 $0x4500  }
0x80: {  	[tilespmem:s26], [sflag:$0x1] =	stream.indirect.gather [hbm4b:s4+s22], $0x1, s25, s22, $0xb8;
	[tilespmem:$0x6A80] =	vst v63  }
0x81: {  	s25 =	simm.s32 $0x1180;
	s26 =	simm.s32 $0x4580  }
0x82: {  	[tilespmem:s26], [sflag:$0x1] =	stream.indirect.gather [hbm4b:s4+s22], $0x1, s25, s22, $0xb8;
	[tilespmem:$0x6A80] =	vst v63  }
0x83: {  	s25 =	simm.s32 $0x1200;
	s26 =	simm.s32 $0x4600  }
0x84: {  	[tilespmem:s26], [sflag:$0x1] =	stream.indirect.gather [hbm4b:s4+s22], $0x1, s25, s22, $0xb8;
	[tilespmem:$0x6A80] =	vst v63  }
0x85: {  	s25 =	simm.s32 $0x1280;
	s26 =	simm.s32 $0x4680  }
0x86: {  	[tilespmem:s26], [sflag:$0x1] =	stream.indirect.gather [hbm4b:s4+s22], $0x1, s25, s22, $0xb8;
	[tilespmem:$0x6A80] =	vst v63  }
0x87: {  	s25 =	simm.s32 $0x1300;
	s26 =	simm.s32 $0x4700  }
0x88: {  	[tilespmem:s26], [sflag:$0x1] =	stream.indirect.gather [hbm4b:s4+s22], $0x1, s25, s22, $0xb8;
	[tilespmem:$0x6A80] =	vst v63  }
0x89: {  	s25 =	simm.s32 $0x1380;
	s26 =	simm.s32 $0x4780  }
0x8a: {  	[tilespmem:s26], [sflag:$0x1] =	stream.indirect.gather [hbm4b:s4+s22], $0x1, s25, s22, $0xb8;
	[tilespmem:$0x6A80] =	vst v63  }
0x8b: {  	s25 =	simm.s32 $0x1400;
	s26 =	simm.s32 $0x4800  }
0x8c: {  	[tilespmem:s26], [sflag:$0x1] =	stream.indirect.gather [hbm4b:s5+s22], $0x1, s25, s22, $0xb8;
	[tilespmem:$0x6A80] =	vst v63  }
0x8d: {  	s25 =	simm.s32 $0x1480;
	s26 =	simm.s32 $0x4880  }
0x8e: {  	[tilespmem:s26], [sflag:$0x1] =	stream.indirect.gather [hbm4b:s5+s22], $0x1, s25, s22, $0xb8;
	[tilespmem:$0x6A80] =	vst v63  }
0x8f: {  	s25 =	simm.s32 $0x1500;
	s26 =	simm.s32 $0x4900  }
0x90: {  	[tilespmem:s26], [sflag:$0x1] =	stream.indirect.gather [hbm4b:s5+s22], $0x1, s25, s22, $0xb8;
	[tilespmem:$0x6A80] =	vst v63  }
0x91: {  	s25 =	simm.s32 $0x1580;
	s26 =	simm.s32 $0x4980  }
0x92: {  	[tilespmem:s26], [sflag:$0x1] =	stream.indirect.gather [hbm4b:s5+s22], $0x1, s25, s22, $0xb8;
	[tilespmem:$0x6A80] =	vst v63  }
0x93: {  	s25 =	simm.s32 $0x1600;
	s26 =	simm.s32 $0x4A00  }
0x94: {  	[tilespmem:s26], [sflag:$0x1] =	stream.indirect.gather [hbm4b:s5+s22], $0x1, s25, s22, $0xb8;
	[tilespmem:$0x6A80] =	vst v63  }
0x95: {  	s25 =	simm.s32 $0x1680;
	s26 =	simm.s32 $0x4A80  }
0x96: {  	[tilespmem:s26], [sflag:$0x1] =	stream.indirect.gather [hbm4b:s5+s22], $0x1, s25, s22, $0xb8;
	[tilespmem:$0x6A80] =	vst v63  }
0x97: {  	s25 =	simm.s32 $0x1700;
	s26 =	simm.s32 $0x4B00  }
0x98: {  	[tilespmem:s26], [sflag:$0x1] =	stream.indirect.gather [hbm4b:s5+s22], $0x1, s25, s22, $0xb8;
	[tilespmem:$0x6A80] =	vst v63  }
0x99: {  	s25 =	simm.s32 $0x1780;
	s26 =	simm.s32 $0x4B80  }
0x9a: {  	[tilespmem:s26], [sflag:$0x1] =	stream.indirect.gather [hbm4b:s5+s22], $0x1, s25, s22, $0xb8;
	[tilespmem:$0x6A80] =	vst v63  }
0x9b: {  	s25 =	simm.s32 $0x1800;
	s26 =	simm.s32 $0x4C00  }
0x9c: {  	[tilespmem:s26], [sflag:$0x1] =	stream.indirect.gather [hbm4b:s6+s22], $0x1, s25, s22, $0xb8;
	[tilespmem:$0x6A80] =	vst v63  }
0x9d: {  	s25 =	simm.s32 $0x1880;
	s26 =	simm.s32 $0x4C80  }
0x9e: {  	[tilespmem:s26], [sflag:$0x1] =	stream.indirect.gather [hbm4b:s6+s22], $0x1, s25, s22, $0xb8;
	[tilespmem:$0x6A80] =	vst v63  }
0x9f: {  	s25 =	simm.s32 $0x1900;
	s26 =	simm.s32 $0x4D00  }
0xa0: {  	[tilespmem:s26], [sflag:$0x1] =	stream.indirect.gather [hbm4b:s6+s22], $0x1, s25, s22, $0xb8;
	[tilespmem:$0x6A80] =	vst v63  }
0xa1: {  	s25 =	simm.s32 $0x1980;
	s26 =	simm.s32 $0x4D80  }
0xa2: {  	[tilespmem:s26], [sflag:$0x1] =	stream.indirect.gather [hbm4b:s6+s22], $0x1, s25, s22, $0xb8;
	[tilespmem:$0x6A80] =	vst v63  }
0xa3: {  	s25 =	simm.s32 $0x1A00;
	s26 =	simm.s32 $0x4E00  }
0xa4: {  	[tilespmem:s26], [sflag:$0x1] =	stream.indirect.gather [hbm4b:s6+s22], $0x1, s25, s22, $0xb8;
	[tilespmem:$0x6A80] =	vst v63  }
0xa5: {  	s25 =	simm.s32 $0x1A80;
	s26 =	simm.s32 $0x4E80  }
0xa6: {  	[tilespmem:s26], [sflag:$0x1] =	stream.indirect.gather [hbm4b:s6+s22], $0x1, s25, s22, $0xb8;
	[tilespmem:$0x6A80] =	vst v63  }
0xa7: {  	s25 =	simm.s32 $0x1B00;
	s26 =	simm.s32 $0x4F00  }
0xa8: {  	[tilespmem:s26], [sflag:$0x1] =	stream.indirect.gather [hbm4b:s6+s22], $0x1, s25, s22, $0xb8;
	[tilespmem:$0x6A80] =	vst v63  }
0xa9: {  	s25 =	simm.s32 $0x1B80;
	s26 =	simm.s32 $0x4F80  }
0xaa: {  	[tilespmem:s26], [sflag:$0x1] =	stream.indirect.gather [hbm4b:s6+s22], $0x1, s25, s22, $0xb8;
	[tilespmem:$0x6A80] =	vst v63  }
0xab: {  	s25 =	simm.s32 $0x1C00;
	s26 =	simm.s32 $0x5000  }
0xac: {  	[tilespmem:s26], [sflag:$0x1] =	stream.indirect.gather [hbm4b:s7+s22], $0x1, s25, s22, $0xb8;
	[tilespmem:$0x6A80] =	vst v63  }
0xad: {  	s25 =	simm.s32 $0x1C80;
	s26 =	simm.s32 $0x5080  }
0xae: {  	[tilespmem:s26], [sflag:$0x1] =	stream.indirect.gather [hbm4b:s7+s22], $0x1, s25, s22, $0xb8;
	[tilespmem:$0x6A80] =	vst v63  }
0xaf: {  	s25 =	simm.s32 $0x1D00;
	s26 =	simm.s32 $0x5100  }
0xb0: {  	[tilespmem:s26], [sflag:$0x1] =	stream.indirect.gather [hbm4b:s7+s22], $0x1, s25, s22, $0xb8;
	[tilespmem:$0x6A80] =	vst v63  }
0xb1: {  	s25 =	simm.s32 $0x1D80;
	s26 =	simm.s32 $0x5180  }
0xb2: {  	[tilespmem:s26], [sflag:$0x1] =	stream.indirect.gather [hbm4b:s7+s22], $0x1, s25, s22, $0xb8;
	[tilespmem:$0x6A80] =	vst v63  }
0xb3: {  	s25 =	simm.s32 $0x1E00;
	s26 =	simm.s32 $0x5200  }
0xb4: {  	[tilespmem:s26], [sflag:$0x1] =	stream.indirect.gather [hbm4b:s7+s22], $0x1, s25, s22, $0xb8;
	[tilespmem:$0x6A80] =	vst v63  }
0xb5: {  	s25 =	simm.s32 $0x1E80;
	s26 =	simm.s32 $0x5280  }
0xb6: {  	[tilespmem:s26], [sflag:$0x1] =	stream.indirect.gather [hbm4b:s7+s22], $0x1, s25, s22, $0xb8;
	[tilespmem:$0x6A80] =	vst v63  }
0xb7: {  	s25 =	simm.s32 $0x1F00;
	s26 =	simm.s32 $0x5300  }
0xb8: {  	[tilespmem:s26], [sflag:$0x1] =	stream.indirect.gather [hbm4b:s7+s22], $0x1, s25, s22, $0xb8;
	[tilespmem:$0x6A80] =	vst v63  }
0xb9: {  	s25 =	simm.s32 $0x1F80;
	s26 =	simm.s32 $0x5380  }
0xba: {  	[tilespmem:s26], [sflag:$0x1] =	stream.indirect.gather [hbm4b:s7+s22], $0x1, s25, s22, $0xb8;
	[tilespmem:$0x6A80] =	vst v63  }
0xbb: {  	s25 =	simm.s32 $0x2000;
	s26 =	simm.s32 $0x5400  }
0xbc: {  	[tilespmem:s26], [sflag:$0x1] =	stream.indirect.gather [hbm4b:s8+s22], $0x1, s25, s22, $0xb8;
	[tilespmem:$0x6A80] =	vst v63  }
0xbd: {  	s25 =	simm.s32 $0x2080;
	s26 =	simm.s32 $0x5480  }
0xbe: {  	[tilespmem:s26], [sflag:$0x1] =	stream.indirect.gather [hbm4b:s8+s22], $0x1, s25, s22, $0xb8;
	[tilespmem:$0x6A80] =	vst v63  }
0xbf: {  	s25 =	simm.s32 $0x2100;
	s26 =	simm.s32 $0x5500  }
0xc0: {  	[tilespmem:s26], [sflag:$0x1] =	stream.indirect.gather [hbm4b:s8+s22], $0x1, s25, s22, $0xb8;
	[tilespmem:$0x6A80] =	vst v63  }
0xc1: {  	s25 =	simm.s32 $0x2180;
	s26 =	simm.s32 $0x5580  }
0xc2: {  	[tilespmem:s26], [sflag:$0x1] =	stream.indirect.gather [hbm4b:s8+s22], $0x1, s25, s22, $0xb8;
	[tilespmem:$0x6A80] =	vst v63  }
0xc3: {  	s25 =	simm.s32 $0x2200;
	s26 =	simm.s32 $0x5600  }
0xc4: {  	[tilespmem:s26], [sflag:$0x1] =	stream.indirect.gather [hbm4b:s8+s22], $0x1, s25, s22, $0xb8;
	[tilespmem:$0x6A80] =	vst v63  }
0xc5: {  	s25 =	simm.s32 $0x2280;
	s26 =	simm.s32 $0x5680  }
0xc6: {  	[tilespmem:s26], [sflag:$0x1] =	stream.indirect.gather [hbm4b:s8+s22], $0x1, s25, s22, $0xb8;
	[tilespmem:$0x6A80] =	vst v63  }
0xc7: {  	s25 =	simm.s32 $0x2300;
	s26 =	simm.s32 $0x5700  }
0xc8: {  	[tilespmem:s26], [sflag:$0x1] =	stream.indirect.gather [hbm4b:s8+s22], $0x1, s25, s22, $0xb8;
	[tilespmem:$0x6A80] =	vst v63  }
0xc9: {  	s25 =	simm.s32 $0x2380;
	s26 =	simm.s32 $0x5780  }
0xca: {  	[tilespmem:s26], [sflag:$0x1] =	stream.indirect.gather [hbm4b:s8+s22], $0x1, s25, s22, $0xb8;
	[tilespmem:$0x6A80] =	vst v63  }
0xcb: {  	s25 =	simm.s32 $0x2400;
	s26 =	simm.s32 $0x5800  }
0xcc: {  	[tilespmem:s26], [sflag:$0x1] =	stream.indirect.gather [hbm4b:s9+s22], $0x1, s25, s22, $0xb8;
	[tilespmem:$0x6A80] =	vst v63  }
0xcd: {  	s25 =	simm.s32 $0x2480;
	s26 =	simm.s32 $0x5880  }
0xce: {  	[tilespmem:s26], [sflag:$0x1] =	stream.indirect.gather [hbm4b:s9+s22], $0x1, s25, s22, $0xb8;
	[tilespmem:$0x6A80] =	vst v63  }
0xcf: {  	s25 =	simm.s32 $0x2500;
	s26 =	simm.s32 $0x5900  }
0xd0: {  	[tilespmem:s26], [sflag:$0x1] =	stream.indirect.gather [hbm4b:s9+s22], $0x1, s25, s22, $0xb8;
	[tilespmem:$0x6A80] =	vst v63  }
0xd1: {  	s25 =	simm.s32 $0x2580;
	s26 =	simm.s32 $0x5980  }
0xd2: {  	[tilespmem:s26], [sflag:$0x1] =	stream.indirect.gather [hbm4b:s9+s22], $0x1, s25, s22, $0xb8;
	[tilespmem:$0x6A80] =	vst v63  }
0xd3: {  	s25 =	simm.s32 $0x2600;
	s26 =	simm.s32 $0x5A00  }
0xd4: {  	[tilespmem:s26], [sflag:$0x1] =	stream.indirect.gather [hbm4b:s9+s22], $0x1, s25, s22, $0xb8;
	[tilespmem:$0x6A80] =	vst v63  }
0xd5: {  	s25 =	simm.s32 $0x2680;
	s26 =	simm.s32 $0x5A80  }
0xd6: {  	[tilespmem:s26], [sflag:$0x1] =	stream.indirect.gather [hbm4b:s9+s22], $0x1, s25, s22, $0xb8;
	[tilespmem:$0x6A80] =	vst v63  }
0xd7: {  	s25 =	simm.s32 $0x2700;
	s26 =	simm.s32 $0x5B00  }
0xd8: {  	[tilespmem:s26], [sflag:$0x1] =	stream.indirect.gather [hbm4b:s9+s22], $0x1, s25, s22, $0xb8;
	[tilespmem:$0x6A80] =	vst v63  }
0xd9: {  	s25 =	simm.s32 $0x2780;
	s26 =	simm.s32 $0x5B80  }
0xda: {  	[tilespmem:s26], [sflag:$0x1] =	stream.indirect.gather [hbm4b:s9+s22], $0x1, s25, s22, $0xb8;
	[tilespmem:$0x6A80] =	vst v63  }
0xdb: {  	s25 =	simm.s32 $0x2800;
	s26 =	simm.s32 $0x5C00  }
0xdc: {  	[tilespmem:s26], [sflag:$0x1] =	stream.indirect.gather [hbm4b:s10+s22], $0x1, s25, s22, $0xb8;
	[tilespmem:$0x6A80] =	vst v63  }
0xdd: {  	s25 =	simm.s32 $0x2880;
	s26 =	simm.s32 $0x5C80  }
0xde: {  	[tilespmem:s26], [sflag:$0x1] =	stream.indirect.gather [hbm4b:s10+s22], $0x1, s25, s22, $0xb8;
	[tilespmem:$0x6A80] =	vst v63  }
0xdf: {  	s25 =	simm.s32 $0x2900;
	s26 =	simm.s32 $0x5D00  }
0xe0: {  	[tilespmem:s26], [sflag:$0x1] =	stream.indirect.gather [hbm4b:s10+s22], $0x1, s25, s22, $0xb8;
	[tilespmem:$0x6A80] =	vst v63  }
0xe1: {  	s25 =	simm.s32 $0x2980;
	s26 =	simm.s32 $0x5D80  }
0xe2: {  	[tilespmem:s26], [sflag:$0x1] =	stream.indirect.gather [hbm4b:s10+s22], $0x1, s25, s22, $0xb8;
	[tilespmem:$0x6A80] =	vst v63  }
0xe3: {  	s25 =	simm.s32 $0x2A00;
	s26 =	simm.s32 $0x5E00  }
0xe4: {  	[tilespmem:s26], [sflag:$0x1] =	stream.indirect.gather [hbm4b:s10+s22], $0x1, s25, s22, $0xb8;
	[tilespmem:$0x6A80] =	vst v63  }
0xe5: {  	s25 =	simm.s32 $0x2A80;
	s26 =	simm.s32 $0x5E80  }
0xe6: {  	[tilespmem:s26], [sflag:$0x1] =	stream.indirect.gather [hbm4b:s10+s22], $0x1, s25, s22, $0xb8;
	[tilespmem:$0x6A80] =	vst v63  }
0xe7: {  	s25 =	simm.s32 $0x2B00;
	s26 =	simm.s32 $0x5F00  }
0xe8: {  	[tilespmem:s26], [sflag:$0x1] =	stream.indirect.gather [hbm4b:s10+s22], $0x1, s25, s22, $0xb8;
	[tilespmem:$0x6A80] =	vst v63  }
0xe9: {  	s25 =	simm.s32 $0x2B80;
	s26 =	simm.s32 $0x5F80  }
0xea: {  	[tilespmem:s26], [sflag:$0x1] =	stream.indirect.gather [hbm4b:s10+s22], $0x1, s25, s22, $0xb8;
	[tilespmem:$0x6A80] =	vst v63  }
0xeb: {  	s25 =	simm.s32 $0x2C00;
	s26 =	simm.s32 $0x6000  }
0xec: {  	[tilespmem:s26], [sflag:$0x1] =	stream.indirect.gather [hbm4b:s11+s22], $0x1, s25, s22, $0xb8;
	[tilespmem:$0x6A80] =	vst v63  }
0xed: {  	s25 =	simm.s32 $0x2C80;
	s26 =	simm.s32 $0x6080  }
0xee: {  	[tilespmem:s26], [sflag:$0x1] =	stream.indirect.gather [hbm4b:s11+s22], $0x1, s25, s22, $0xb8;
	[tilespmem:$0x6A80] =	vst v63  }
0xef: {  	s25 =	simm.s32 $0x2D00;
	s26 =	simm.s32 $0x6100  }
0xf0: {  	[tilespmem:s26], [sflag:$0x1] =	stream.indirect.gather [hbm4b:s11+s22], $0x1, s25, s22, $0xb8;
	[tilespmem:$0x6A80] =	vst v63  }
0xf1: {  	s25 =	simm.s32 $0x2D80;
	s26 =	simm.s32 $0x6180  }
0xf2: {  	[tilespmem:s26], [sflag:$0x1] =	stream.indirect.gather [hbm4b:s11+s22], $0x1, s25, s22, $0xb8;
	[tilespmem:$0x6A80] =	vst v63  }
0xf3: {  	s25 =	simm.s32 $0x2E00;
	s26 =	simm.s32 $0x6200  }
0xf4: {  	[tilespmem:s26], [sflag:$0x1] =	stream.indirect.gather [hbm4b:s11+s22], $0x1, s25, s22, $0xb8;
	[tilespmem:$0x6A80] =	vst v63  }
0xf5: {  	s25 =	simm.s32 $0x2E80;
	s26 =	simm.s32 $0x6280  }
0xf6: {  	[tilespmem:s26], [sflag:$0x1] =	stream.indirect.gather [hbm4b:s11+s22], $0x1, s25, s22, $0xb8;
	[tilespmem:$0x6A80] =	vst v63  }
0xf7: {  	s25 =	simm.s32 $0x2F00;
	s26 =	simm.s32 $0x6300  }
0xf8: {  	[tilespmem:s26], [sflag:$0x1] =	stream.indirect.gather [hbm4b:s11+s22], $0x1, s25, s22, $0xb8;
	[tilespmem:$0x6A80] =	vst v63  }
0xf9: {  	s25 =	simm.s32 $0x2F80;
	s26 =	simm.s32 $0x6380  }
0xfa: {  	[tilespmem:s26], [sflag:$0x1] =	stream.indirect.gather [hbm4b:s11+s22], $0x1, s25, s22, $0xb8;
	[tilespmem:$0x6A80] =	vst v63  }
0xfb: {  	s25 =	simm.s32 $0x3000;
	s26 =	simm.s32 $0x6400  }
0xfc: {  	[tilespmem:s26], [sflag:$0x1] =	stream.indirect.gather [hbm4b:s13+s22], $0x1, s25, s22, $0xb8;
	[tilespmem:$0x6A80] =	vst v63  }
0xfd: {  	s25 =	simm.s32 $0x3080;
	s26 =	simm.s32 $0x6480  }
0xfe: {  	[tilespmem:s26], [sflag:$0x1] =	stream.indirect.gather [hbm4b:s13+s22], $0x1, s25, s22, $0xb8;
	[tilespmem:$0x6A80] =	vst v63  }
0xff: {  	s25 =	simm.s32 $0x3100;
	s26 =	simm.s32 $0x6500  }
0x100: {  	[tilespmem:s26], [sflag:$0x1] =	stream.indirect.gather [hbm4b:s13+s22], $0x1, s25, s22, $0xb8;
	[tilespmem:$0x6A80] =	vst v63  }
0x101: {  	s25 =	simm.s32 $0x3180;
	s26 =	simm.s32 $0x6580  }
0x102: {  	[tilespmem:s26], [sflag:$0x1] =	stream.indirect.gather [hbm4b:s13+s22], $0x1, s25, s22, $0xb8;
	[tilespmem:$0x6A80] =	vst v63  }
0x103: {  	s25 =	simm.s32 $0x3200;
	s26 =	simm.s32 $0x6600  }
0x104: {  	[tilespmem:s26], [sflag:$0x1] =	stream.indirect.gather [hbm4b:s13+s22], $0x1, s25, s22, $0xb8;
	[tilespmem:$0x6A80] =	vst v63  }
0x105: {  	s25 =	simm.s32 $0x3280;
	s26 =	simm.s32 $0x6680  }
0x106: {  	[tilespmem:s26], [sflag:$0x1] =	stream.indirect.gather [hbm4b:s13+s22], $0x1, s25, s22, $0xb8;
	[tilespmem:$0x6A80] =	vst v63  }
0x107: {  	s25 =	simm.s32 $0x3300  }
0x108: {  	[tilespmem:s28], [sflag:$0x1] =	stream.indirect.gather [hbm4b:s13+s22], $0x1, s25, s22, $0xb8;
	[tilespmem:$0x6A80] =	vst v63  }
0x109: {  	_ = 	snop  }
0x10a: {  	[tilespmem:s30], [sflag:$0x1] =	stream.indirect.gather [hbm4b:s13+s22], $0x1, s29, s22, $0xb8;
	[tilespmem:$0x6A80] =	vst v63  }
0x10b: {  	_ =	swait.ge [sflag:s31], $0x80  }
0x10c: {  	[sflag:s31] =	ssyncset.done $0x0  }
0x10d: {  	[sflag:s31] =	ssyncadd.s32 $0xFFFFFF80  }
0x10e: {  	_ =	swait.ge [sflag:s31], $0x80  }
0x10f: {  	[sflag:s31] =	ssyncset.done $0x0  }
0x110: {  	[sflag:s31] =	ssyncadd.s32 $0xFFFFFF80  }
0x111: {  	_ =	swait.ge [sflag:s31], $0x80  }
0x112: {  	[sflag:s31] =	ssyncset.done $0x0  }
0x113: {  	[sflag:s31] =	ssyncadd.s32 $0xFFFFFF80  }
0x114: {  	_ =	swait.ge [sflag:s31], $0x80  }
0x115: {  	[sflag:s31] =	ssyncset.done $0x0  }
0x116: {  	[sflag:s31] =	ssyncadd.s32 $0xFFFFFF80  }
0x117: {  	_ =	swait.ge [sflag:s31], $0x80  }
0x118: {  	[sflag:s31] =	ssyncset.done $0x0  }
0x119: {  	[sflag:s31] =	ssyncadd.s32 $0xFFFFFF80  }
0x11a: {  	_ =	swait.ge [sflag:s31], $0x80  }
0x11b: {  	[sflag:s31] =	ssyncset.done $0x0  }
0x11c: {  	[sflag:s31] =	ssyncadd.s32 $0xFFFFFF80  }
0x11d: {  	_ =	swait.ge [sflag:s31], $0x80  }
0x11e: {  	[sflag:s31] =	ssyncset.done $0x0  }
0x11f: {  	[sflag:s31] =	ssyncadd.s32 $0xFFFFFF80  }
0x120: {  	_ =	swait.ge [sflag:s31], $0x80  }
0x121: {  	[sflag:s31] =	ssyncset.done $0x0  }
0x122: {  	[sflag:s31] =	ssyncadd.s32 $0xFFFFFF80  }
0x123: {  	_ =	swait.ge [sflag:s31], $0x80  }
0x124: {  	[sflag:s31] =	ssyncset.done $0x0  }
0x125: {  	[sflag:s31] =	ssyncadd.s32 $0xFFFFFF80  }
0x126: {  	_ =	swait.ge [sflag:s31], $0x80  }
0x127: {  	[sflag:s31] =	ssyncset.done $0x0  }
0x128: {  	[sflag:s31] =	ssyncadd.s32 $0xFFFFFF80  }
0x129: {  	_ =	swait.ge [sflag:s31], $0x80  }
0x12a: {  	[sflag:s31] =	ssyncset.done $0x0  }
0x12b: {  	[sflag:s31] =	ssyncadd.s32 $0xFFFFFF80  }
0x12c: {  	_ =	swait.ge [sflag:s31], $0x80  }
0x12d: {  	[sflag:s31] =	ssyncset.done $0x0  }
0x12e: {  	[sflag:s31] =	ssyncadd.s32 $0xFFFFFF80  }
0x12f: {  	_ =	swait.ge [sflag:s31], $0x80  }
0x130: {  	[sflag:s31] =	ssyncset.done $0x0  }
0x131: {  	[sflag:s31] =	ssyncadd.s32 $0xFFFFFF80  }
0x132: {  	_ =	swait.ge [sflag:s31], $0x80  }
0x133: {  	[sflag:s31] =	ssyncset.done $0x0  }
0x134: {  	[sflag:s31] =	ssyncadd.s32 $0xFFFFFF80  }
0x135: {  	_ =	swait.ge [sflag:s31], $0x80  }
0x136: {  	[sflag:s31] =	ssyncset.done $0x0  }
0x137: {  	[sflag:s31] =	ssyncadd.s32 $0xFFFFFF80  }
0x138: {  	_ =	swait.ge [sflag:s31], $0x80  }
0x139: {  	[sflag:s31] =	ssyncset.done $0x0  }
0x13a: {  	[sflag:s31] =	ssyncadd.s32 $0xFFFFFF80  }
0x13b: {  	_ =	swait.ge [sflag:s31], $0x80  }
0x13c: {  	[sflag:s31] =	ssyncset.done $0x0  }
0x13d: {  	[sflag:s31] =	ssyncadd.s32 $0xFFFFFF80  }
0x13e: {  	_ =	swait.ge [sflag:s31], $0x80  }
0x13f: {  	[sflag:s31] =	ssyncset.done $0x0  }
0x140: {  	[sflag:s31] =	ssyncadd.s32 $0xFFFFFF80  }
0x141: {  	_ =	swait.ge [sflag:s31], $0x80  }
0x142: {  	[sflag:s31] =	ssyncset.done $0x0  }
0x143: {  	[sflag:s31] =	ssyncadd.s32 $0xFFFFFF80  }
0x144: {  	_ =	swait.ge [sflag:s31], $0x80  }
0x145: {  	[sflag:s31] =	ssyncset.done $0x0  }
0x146: {  	[sflag:s31] =	ssyncadd.s32 $0xFFFFFF80  }
0x147: {  	_ =	swait.ge [sflag:s31], $0x80  }
0x148: {  	[sflag:s31] =	ssyncset.done $0x0  }
0x149: {  	[sflag:s31] =	ssyncadd.s32 $0xFFFFFF80  }
0x14a: {  	_ =	swait.ge [sflag:s31], $0x80  }
0x14b: {  	[sflag:s31] =	ssyncset.done $0x0  }
0x14c: {  	[sflag:s31] =	ssyncadd.s32 $0xFFFFFF80  }
0x14d: {  	_ =	swait.ge [sflag:s31], $0x80  }
0x14e: {  	[sflag:s31] =	ssyncset.done $0x0  }
0x14f: {  	[sflag:s31] =	ssyncadd.s32 $0xFFFFFF80  }
0x150: {  	_ =	swait.ge [sflag:s31], $0x80  }
0x151: {  	[sflag:s31] =	ssyncset.done $0x0  }
0x152: {  	[sflag:s31] =	ssyncadd.s32 $0xFFFFFF80  }
0x153: {  	_ =	swait.ge [sflag:s31], $0x80  }
0x154: {  	[sflag:s31] =	ssyncset.done $0x0  }
0x155: {  	[sflag:s31] =	ssyncadd.s32 $0xFFFFFF80  }
0x156: {  	_ =	swait.ge [sflag:s31], $0x80  }
0x157: {  	[sflag:s31] =	ssyncset.done $0x0  }
0x158: {  	[sflag:s31] =	ssyncadd.s32 $0xFFFFFF80  }
0x159: {  	_ =	swait.ge [sflag:s31], $0x80  }
0x15a: {  	[sflag:s31] =	ssyncset.done $0x0  }
0x15b: {  	[sflag:s31] =	ssyncadd.s32 $0xFFFFFF80  }
0x15c: {  	_ =	swait.ge [sflag:s31], $0x80  }
0x15d: {  	[sflag:s31] =	ssyncset.done $0x0  }
0x15e: {  	[sflag:s31] =	ssyncadd.s32 $0xFFFFFF80  }
0x15f: {  	_ =	swait.ge [sflag:s31], $0x80  }
0x160: {  	[sflag:s31] =	ssyncset.done $0x0  }
0x161: {  	[sflag:s31] =	ssyncadd.s32 $0xFFFFFF80  }
0x162: {  	_ =	swait.ge [sflag:s31], $0x80  }
0x163: {  	[sflag:s31] =	ssyncset.done $0x0  }
0x164: {  	[sflag:s31] =	ssyncadd.s32 $0xFFFFFF80  }
0x165: {  	_ =	swait.ge [sflag:s31], $0x80  }
0x166: {  	[sflag:s31] =	ssyncset.done $0x0  }
0x167: {  	[sflag:s31] =	ssyncadd.s32 $0xFFFFFF80  }
0x168: {  	_ =	swait.ge [sflag:s31], $0x80  }
0x169: {  	[sflag:s31] =	ssyncset.done $0x0  }
0x16a: {  	[sflag:s31] =	ssyncadd.s32 $0xFFFFFF80  }
0x16b: {  	_ =	swait.ge [sflag:s31], $0x80  }
0x16c: {  	[sflag:s31] =	ssyncset.done $0x0  }
0x16d: {  	[sflag:s31] =	ssyncadd.s32 $0xFFFFFF80  }
0x16e: {  	_ =	swait.ge [sflag:s31], $0x80  }
0x16f: {  	[sflag:s31] =	ssyncset.done $0x0  }
0x170: {  	[sflag:s31] =	ssyncadd.s32 $0xFFFFFF80  }
0x171: {  	_ =	swait.ge [sflag:s31], $0x80  }
0x172: {  	[sflag:s31] =	ssyncset.done $0x0  }
0x173: {  	[sflag:s31] =	ssyncadd.s32 $0xFFFFFF80  }
0x174: {  	_ =	swait.ge [sflag:s31], $0x80  }
0x175: {  	[sflag:s31] =	ssyncset.done $0x0  }
0x176: {  	[sflag:s31] =	ssyncadd.s32 $0xFFFFFF80  }
0x177: {  	_ =	swait.ge [sflag:s31], $0x80  }
0x178: {  	[sflag:s31] =	ssyncset.done $0x0  }
0x179: {  	[sflag:s31] =	ssyncadd.s32 $0xFFFFFF80  }
0x17a: {  	_ =	swait.ge [sflag:s31], $0x80  }
0x17b: {  	[sflag:s31] =	ssyncset.done $0x0  }
0x17c: {  	[sflag:s31] =	ssyncadd.s32 $0xFFFFFF80  }
0x17d: {  	_ =	swait.ge [sflag:s31], $0x80  }
0x17e: {  	[sflag:s31] =	ssyncset.done $0x0  }
0x17f: {  	[sflag:s31] =	ssyncadd.s32 $0xFFFFFF80  }
0x180: {  	_ =	swait.ge [sflag:s31], $0x80  }
0x181: {  	[sflag:s31] =	ssyncset.done $0x0  }
0x182: {  	[sflag:s31] =	ssyncadd.s32 $0xFFFFFF80  }
0x183: {  	_ =	swait.ge [sflag:s31], $0x80  }
0x184: {  	[sflag:s31] =	ssyncset.done $0x0  }
0x185: {  	[sflag:s31] =	ssyncadd.s32 $0xFFFFFF80  }
0x186: {  	_ =	swait.ge [sflag:s31], $0x80  }
0x187: {  	[sflag:s31] =	ssyncset.done $0x0  }
0x188: {  	[sflag:s31] =	ssyncadd.s32 $0xFFFFFF80  }
0x189: {  	_ =	swait.ge [sflag:s31], $0x80  }
0x18a: {  	[sflag:s31] =	ssyncset.done $0x0  }
0x18b: {  	[sflag:s31] =	ssyncadd.s32 $0xFFFFFF80  }
0x18c: {  	_ =	swait.ge [sflag:s31], $0x80  }
0x18d: {  	[sflag:s31] =	ssyncset.done $0x0  }
0x18e: {  	[sflag:s31] =	ssyncadd.s32 $0xFFFFFF80  }
0x18f: {  	_ =	swait.ge [sflag:s31], $0x80  }
0x190: {  	[sflag:s31] =	ssyncset.done $0x0  }
0x191: {  	[sflag:s31] =	ssyncadd.s32 $0xFFFFFF80  }
0x192: {  	_ =	swait.ge [sflag:s31], $0x80  }
0x193: {  	[sflag:s31] =	ssyncset.done $0x0  }
0x194: {  	[sflag:s31] =	ssyncadd.s32 $0xFFFFFF80  }
0x195: {  	_ =	swait.ge [sflag:s31], $0x80  }
0x196: {  	[sflag:s31] =	ssyncset.done $0x0  }
0x197: {  	[sflag:s31] =	ssyncadd.s32 $0xFFFFFF80  }
0x198: {  	_ =	swait.ge [sflag:s31], $0x80  }
0x199: {  	[sflag:s31] =	ssyncset.done $0x0  }
0x19a: {  	[sflag:s31] =	ssyncadd.s32 $0xFFFFFF80  }
0x19b: {  	_ =	swait.ge [sflag:s31], $0x80  }
0x19c: {  	[sflag:s31] =	ssyncset.done $0x0  }
0x19d: {  	[sflag:s31] =	ssyncadd.s32 $0xFFFFFF80  }
0x19e: {  	_ =	swait.ge [sflag:s31], $0x80  }
0x19f: {  	[sflag:s31] =	ssyncset.done $0x0  }
0x1a0: {  	[sflag:s31] =	ssyncadd.s32 $0xFFFFFF80  }
0x1a1: {  	_ =	swait.ge [sflag:s31], $0x80  }
0x1a2: {  	[sflag:s31] =	ssyncset.done $0x0  }
0x1a3: {  	[sflag:s31] =	ssyncadd.s32 $0xFFFFFF80  }
0x1a4: {  	_ =	swait.ge [sflag:s31], $0x80  }
0x1a5: {  	[sflag:s31] =	ssyncset.done $0x0  }
0x1a6: {  	[sflag:s31] =	ssyncadd.s32 $0xFFFFFF80  }
0x1a7: {  	_ =	swait.ge [sflag:s31], $0x80  }
0x1a8: {  	[sflag:s31] =	ssyncset.done $0x0  }
0x1a9: {  	[sflag:s31] =	ssyncadd.s32 $0xFFFFFF80  }
0x1aa: {  	_ =	swait.ge [sflag:s31], $0x80  }
0x1ab: {  	[sflag:s31] =	ssyncset.done $0x0  }
0x1ac: {  	[sflag:s31] =	ssyncadd.s32 $0xFFFFFF80  }
0x1ad: {  	_ =	swait.ge [sflag:s31], $0x80  }
0x1ae: {  	[sflag:s31] =	ssyncset.done $0x0  }
0x1af: {  	[sflag:s31] =	ssyncadd.s32 $0xFFFFFF80  }
0x1b0: {  	_ =	swait.ge [sflag:s31], $0x80  }
0x1b1: {  	[sflag:s31] =	ssyncset.done $0x0  }
0x1b2: {  	[sflag:s31] =	ssyncadd.s32 $0xFFFFFF80  }
0x1b3: {  	_ =	swait.ge [sflag:s31], $0x80  }
0x1b4: {  	[sflag:s31] =	ssyncset.done $0x0  }
0x1b5: {  	[sflag:s31] =	ssyncadd.s32 $0xFFFFFF80  }
0x1b6: {  	_ =	swait.ge [sflag:s31], $0x80  }
0x1b7: {  	[sflag:s31] =	ssyncset.done $0x0  }
0x1b8: {  	[sflag:s31] =	ssyncadd.s32 $0xFFFFFF80  }
0x1b9: {  	_ =	swait.ge [sflag:s31], $0x80  }
0x1ba: {  	[sflag:s31] =	ssyncset.done $0x0  }
0x1bb: {  	[sflag:s31] =	ssyncadd.s32 $0xFFFFFF80  }
0x1bc: {  	_ =	swait.ge [sflag:s31], $0x80  }
0x1bd: {  	[sflag:s31] =	ssyncset.done $0x0  }
0x1be: {  	[sflag:s31] =	ssyncadd.s32 $0xFFFFFF80  }
0x1bf: {  	_ =	swait.ge [sflag:s31], $0x80  }
0x1c0: {  	[sflag:s31] =	ssyncset.done $0x0  }
0x1c1: {  	[sflag:s31] =	ssyncadd.s32 $0xFFFFFF80  }
0x1c2: {  	_ =	swait.ge [sflag:s31], $0x80  }
0x1c3: {  	[sflag:s31] =	ssyncset.done $0x0  }
0x1c4: {  	[sflag:s31] =	ssyncadd.s32 $0xFFFFFF80  }
0x1c5: {  	_ =	swait.ge [sflag:s31], $0x80  }
0x1c6: {  	[sflag:s31] =	ssyncset.done $0x0  }
0x1c7: {  	[sflag:s31] =	ssyncadd.s32 $0xFFFFFF80  }
0x1c8: {  	_ =	swait.ge [sflag:s31], $0x80  }
0x1c9: {  	[sflag:s31] =	ssyncset.done $0x0  }
0x1ca: {  	[sflag:s31] =	ssyncadd.s32 $0xFFFFFF80  }
0x1cb: {  	_ =	swait.ge [sflag:s31], $0x80  }
0x1cc: {  	[sflag:s31] =	ssyncset.done $0x0  }
0x1cd: {  	[sflag:s31] =	ssyncadd.s32 $0xFFFFFF80  }
0x1ce: {  	_ =	swait.ge [sflag:s31], $0x80  }
0x1cf: {  	[sflag:s31] =	ssyncset.done $0x0  }
0x1d0: {  	[sflag:s31] =	ssyncadd.s32 $0xFFFFFF80  }
0x1d1: {  	_ =	swait.ge [sflag:s31], $0x80  }
0x1d2: {  	[sflag:s31] =	ssyncset.done $0x0  }
0x1d3: {  	[sflag:s31] =	ssyncadd.s32 $0xFFFFFF80  }
0x1d4: {  	_ =	swait.ge [sflag:s31], $0x80  }
0x1d5: {  	[sflag:s31] =	ssyncset.done $0x0  }
0x1d6: {  	[sflag:s31] =	ssyncadd.s32 $0xFFFFFF80  }
0x1d7: {  	_ =	swait.ge [sflag:s31], $0x80  }
0x1d8: {  	[sflag:s31] =	ssyncset.done $0x0  }
0x1d9: {  	[sflag:s31] =	ssyncadd.s32 $0xFFFFFF80  }
0x1da: {  	_ =	swait.ge [sflag:s31], $0x80  }
0x1db: {  	[sflag:s31] =	ssyncset.done $0x0  }
0x1dc: {  	[sflag:s31] =	ssyncadd.s32 $0xFFFFFF80  }
0x1dd: {  	_ =	swait.ge [sflag:s31], $0x80  }
0x1de: {  	[sflag:s31] =	ssyncset.done $0x0  }
0x1df: {  	[sflag:s31] =	ssyncadd.s32 $0xFFFFFF80  }
0x1e0: {  	_ =	swait.ge [sflag:s31], $0x80  }
0x1e1: {  	[sflag:s31] =	ssyncset.done $0x0  }
0x1e2: {  	[sflag:s31] =	ssyncadd.s32 $0xFFFFFF80  }
0x1e3: {  	_ =	swait.ge [sflag:s31], $0x80  }
0x1e4: {  	[sflag:s31] =	ssyncset.done $0x0  }
0x1e5: {  	[sflag:s31] =	ssyncadd.s32 $0xFFFFFF80  }
0x1e6: {  	_ =	swait.ge [sflag:s31], $0x80  }
0x1e7: {  	[sflag:s31] =	ssyncset.done $0x0  }
0x1e8: {  	[sflag:s31] =	ssyncadd.s32 $0xFFFFFF80  }
0x1e9: {  	_ =	swait.ge [sflag:s31], $0x80  }
0x1ea: {  	[sflag:s31] =	ssyncset.done $0x0  }
0x1eb: {  	[sflag:s31] =	ssyncadd.s32 $0xFFFFFF80  }
0x1ec: {  	_ =	swait.ge [sflag:s31], $0x80  }
0x1ed: {  	[sflag:s31] =	ssyncset.done $0x0  }
0x1ee: {  	[sflag:s31] =	ssyncadd.s32 $0xFFFFFF80  }
0x1ef: {  	_ =	swait.ge [sflag:s31], $0x80  }
0x1f0: {  	[sflag:s31] =	ssyncset.done $0x0  }
0x1f1: {  	[sflag:s31] =	ssyncadd.s32 $0xFFFFFF80  }
0x1f2: {  	_ =	swait.ge [sflag:s31], $0x80  }
0x1f3: {  	[sflag:s31] =	ssyncset.done $0x0  }
0x1f4: {  	[sflag:s31] =	ssyncadd.s32 $0xFFFFFF80  }
0x1f5: {  	_ =	swait.ge [sflag:s31], $0x80  }
0x1f6: {  	[sflag:s31] =	ssyncset.done $0x0  }
0x1f7: {  	[sflag:s31] =	ssyncadd.s32 $0xFFFFFF80  }
0x1f8: {  	_ =	swait.ge [sflag:s31], $0x80  }
0x1f9: {  	[sflag:s31] =	ssyncset.done $0x0  }
0x1fa: {  	[sflag:s31] =	ssyncadd.s32 $0xFFFFFF80  }
0x1fb: {  	_ =	swait.ge [sflag:s31], $0x80  }
0x1fc: {  	[sflag:s31] =	ssyncset.done $0x0  }
0x1fd: {  	[sflag:s31] =	ssyncadd.s32 $0xFFFFFF80  }
0x1fe: {  	_ =	swait.ge [sflag:s31], $0x80  }
0x1ff: {  	[sflag:s31] =	ssyncset.done $0x0  }
0x200: {  	[sflag:s31] =	ssyncadd.s32 $0xFFFFFF80  }
0x201: {  	_ =	swait.ge [sflag:s31], $0x80  }
0x202: {  	[sflag:s31] =	ssyncset.done $0x0  }
0x203: {  	[sflag:s31] =	ssyncadd.s32 $0xFFFFFF80  }
0x204: {  	_ =	swait.ge [sflag:s31], $0x80  }
0x205: {  	[sflag:s31] =	ssyncset.done $0x0  }
0x206: {  	[sflag:s31] =	ssyncadd.s32 $0xFFFFFF80  }
0x207: {  	_ =	swait.ge [sflag:s31], $0x80  }
0x208: {  	[sflag:s31] =	ssyncset.done $0x0  }
0x209: {  	[sflag:s31] =	ssyncadd.s32 $0xFFFFFF80  }
0x20a: {  	_ =	swait.ge [sflag:s31], $0x80  }
0x20b: {  	[sflag:s31] =	ssyncset.done $0x0  }
0x20c: {  	[sflag:s31] =	ssyncadd.s32 $0xFFFFFF80  }
0x20d: {  	_ =	swait.ge [sflag:s31], $0x80  }
0x20e: {  	[sflag:s31] =	ssyncset.done $0x0  }
0x20f: {  	[sflag:s31] =	ssyncadd.s32 $0xFFFFFF80  }
0x210: {  	_ =	swait.ge [sflag:s31], $0x80  }
0x211: {  	[sflag:s31] =	ssyncset.done $0x0  }
0x212: {  	[sflag:s31] =	ssyncadd.s32 $0xFFFFFF80  }
0x213: {  	_ =	swait.ge [sflag:s31], $0x80  }
0x214: {  	[sflag:s31] =	ssyncset.done $0x0  }
0x215: {  	[sflag:s31] =	ssyncadd.s32 $0xFFFFFF80  }
0x216: {  	_ =	swait.ge [sflag:s31], $0x80  }
0x217: {  	[sflag:s31] =	ssyncset.done $0x0  }
0x218: {  	[sflag:s31] =	ssyncadd.s32 $0xFFFFFF80  }
0x219: {  	_ =	swait.ge [sflag:s31], $0x80  }
0x21a: {  	[sflag:s31] =	ssyncset.done $0x0  }
0x21b: {  	[sflag:s31] =	ssyncadd.s32 $0xFFFFFF80  }
0x21c: {  	_ =	swait.ge [sflag:s31], $0x80  }
0x21d: {  	[sflag:s31] =	ssyncset.done $0x0  }
0x21e: {  	[sflag:s31] =	ssyncadd.s32 $0xFFFFFF80  }
0x21f: {  	_ =	swait.ge [sflag:s31], $0x80  }
0x220: {  	[sflag:s31] =	ssyncset.done $0x0  }
0x221: {  	[sflag:s31] =	ssyncadd.s32 $0xFFFFFF80  }
0x222: {  	_ =	swait.ge [sflag:s31], $0x80  }
0x223: {  	[sflag:s31] =	ssyncset.done $0x0  }
0x224: {  	[sflag:s31] =	ssyncadd.s32 $0xFFFFFF80  }
0x225: {  	_ =	swait.ge [sflag:s31], $0x80  }
0x226: {  	[sflag:s31] =	ssyncset.done $0x0  }
0x227: {  	[sflag:s31] =	ssyncadd.s32 $0xFFFFFF80  }
0x228: {  	_ =	swait.ge [sflag:s31], $0x80  }
0x229: {  	[sflag:s31] =	ssyncset.done $0x0  }
0x22a: {  	[sflag:s31] =	ssyncadd.s32 $0xFFFFFF80  }
0x22b: {  	_ =	swait.ge [sflag:s31], $0x80  }
0x22c: {  	[sflag:s31] =	ssyncset.done $0x0  }
0x22d: {  	[sflag:s31] =	ssyncadd.s32 $0xFFFFFF80  }
0x22e: {  	_ =	swait.ge [sflag:s31], $0x80  }
0x22f: {  	[sflag:s31] =	ssyncset.done $0x0  }
0x230: {  	[sflag:s31] =	ssyncadd.s32 $0xFFFFFF80  }
0x231: {  	_ =	swait.ge [sflag:s31], $0x80  }
0x232: {  	[sflag:s31] =	ssyncset.done $0x0  }
0x233: {  	[sflag:s31] =	ssyncadd.s32 $0xFFFFFF80  }
0x234: {  	_ =	swait.ge [sflag:s31], $0x80  }
0x235: {  	[sflag:s31] =	ssyncset.done $0x0  }
0x236: {  	[sflag:s31] =	ssyncadd.s32 $0xFFFFFF80  }
0x237: {  	_ =	swait.ge [sflag:s31], $0x80  }
0x238: {  	[sflag:s31] =	ssyncset.done $0x0  }
0x239: {  	[sflag:s31] =	ssyncadd.s32 $0xFFFFFF80  }
0x23a: {  	_ =	swait.ge [sflag:s31], $0x80  }
0x23b: {  	[sflag:s31] =	ssyncset.done $0x0  }
0x23c: {  	[sflag:s31] =	ssyncadd.s32 $0xFFFFFF80  }
0x23d: {  	_ =	swait.ge [sflag:s31], $0x80  }
0x23e: {  	[sflag:s31] =	ssyncset.done $0x0  }
0x23f: {  	[sflag:s31] =	ssyncadd.s32 $0xFFFFFF80  }
0x240: {  	_ =	swait.ge [sflag:s31], $0x80  }
0x241: {  	[sflag:s31] =	ssyncset.done $0x0  }
0x242: {  	[sflag:s31] =	ssyncadd.s32 $0xFFFFFF80  }
0x243: {  	v0 =	vld [tilespmem:s21+$0x0]  }
0x244: {  	v1 =	vld [tilespmem:$0x6A00]  }
0x245: {  	s26 =	sand.u32 $0x1F0, s14  }
0x246: {  	v2 =	vld [tilespmem:s26+$0x3600];
	_ =	sdelay $0x1  }
0x247: {  	v3 =	vld [tilespmem:s26+$0x3800]  }
0x248: {  	v0 =	vadd.f32 v0, v1  }
0x249: {  	v1 =	vld [tilespmem:s26+$0x3A00]  }
0x24a: {  	v0 =	vadd.f32 v2, v0  }
0x24b: {  	v2 =	vld [tilespmem:s26+$0x3C00]  }
0x24c: {  	v0 =	vadd.f32 v3, v0  }
0x24d: {  	v3 =	vld [tilespmem:s26+$0x3E00]  }
0x24e: {  	v0 =	vadd.f32 v1, v0  }
0x24f: {  	v1 =	vld [tilespmem:s26+$0x4000]  }
0x250: {  	v0 =	vadd.f32 v2, v0  }
0x251: {  	v2 =	vld [tilespmem:s26+$0x4200]  }
0x252: {  	v0 =	vadd.f32 v3, v0  }
0x253: {  	v3 =	vld [tilespmem:s26+$0x4400]  }
0x254: {  	v0 =	vadd.f32 v1, v0  }
0x255: {  	v1 =	vld [tilespmem:s26+$0x4600]  }
0x256: {  	v0 =	vadd.f32 v2, v0  }
0x257: {  	v2 =	vld [tilespmem:s26+$0x4800]  }
0x258: {  	v0 =	vadd.f32 v3, v0  }
0x259: {  	v3 =	vld [tilespmem:s26+$0x4A00]  }
0x25a: {  	v0 =	vadd.f32 v1, v0  }
0x25b: {  	v1 =	vld [tilespmem:s26+$0x4C00]  }
0x25c: {  	v0 =	vadd.f32 v2, v0  }
0x25d: {  	v2 =	vld [tilespmem:s26+$0x4E00]  }
0x25e: {  	v0 =	vadd.f32 v3, v0  }
0x25f: {  	v3 =	vld [tilespmem:s26+$0x5000]  }
0x260: {  	v0 =	vadd.f32 v1, v0  }
0x261: {  	v1 =	vld [tilespmem:s26+$0x5200]  }
0x262: {  	v0 =	vadd.f32 v2, v0  }
0x263: {  	v2 =	vld [tilespmem:s26+$0x5400]  }
0x264: {  	v0 =	vadd.f32 v3, v0  }
0x265: {  	v3 =	vld [tilespmem:s26+$0x5600]  }
0x266: {  	v0 =	vadd.f32 v1, v0  }
0x267: {  	v1 =	vld [tilespmem:s26+$0x5800]  }
0x268: {  	v0 =	vadd.f32 v2, v0  }
0x269: {  	v2 =	vld [tilespmem:s26+$0x5A00]  }
0x26a: {  	v0 =	vadd.f32 v3, v0  }
0x26b: {  	v3 =	vld [tilespmem:s26+$0x5C00]  }
0x26c: {  	v0 =	vadd.f32 v1, v0  }
0x26d: {  	v1 =	vld [tilespmem:s26+$0x5E00]  }
0x26e: {  	v0 =	vadd.f32 v2, v0  }
0x26f: {  	v2 =	vld [tilespmem:s26+$0x6000]  }
0x270: {  	v0 =	vadd.f32 v3, v0  }
0x271: {  	v3 =	vld [tilespmem:s26+$0x6200]  }
0x272: {  	v0 =	vadd.f32 v1, v0  }
0x273: {  	v1 =	vld [tilespmem:s26+$0x6400]  }
0x274: {  	v0 =	vadd.f32 v2, v0  }
0x275: {  	v2 =	vld [tilespmem:s26+$0x6600]  }
0x276: {  	v0 =	vadd.f32 v3, v0;
	_ =	sdelay $0x1  }
0x277: {  	v0 =	vadd.f32 v1, v0;
	_ =	sdelay $0x1  }
0x278: {  	v0 =	vadd.f32 v2, v0;
	_ =	sdelay $0x1  }
0x279: {  	s23 =	simm.s32 $0x3410;
	[tilespmem:s12+$0x0] =	vst v0  }
0x27a: {  	v0 =	vld [tilespmem:s23+$0x0]  }
0x27b: {  	s24 =	simm.s32 $0x10;
	s25 =	simm.s32 $0x20;
	s21 =	simm.s32 $0x6800;
	v1 =	vld [tilespmem:$0x6A00]  }
.LBB3_2:
0x27c: {  	p0 =	sne.s32 s25, $0x1F0;
	s26 =	sand.u32 $0x1F0, s24;
	s24 =	smov.u32 s25  }
0x27d: {  	v2 =	vld [tilespmem:s26+$0x3600];
	_ =	sdelay $0x1  }
0x27e: {  	v3 =	vld [tilespmem:s26+$0x3800]  }
0x27f: {  	v0 =	vadd.f32 v0, v1  }
0x280: {  	v1 =	vld [tilespmem:s26+$0x3A00]  }
0x281: {  	v0 =	vadd.f32 v2, v0  }
0x282: {  	v2 =	vld [tilespmem:s26+$0x3C00]  }
0x283: {  	v0 =	vadd.f32 v3, v0  }
0x284: {  	v3 =	vld [tilespmem:s26+$0x3E00]  }
0x285: {  	v0 =	vadd.f32 v1, v0  }
0x286: {  	v1 =	vld [tilespmem:s26+$0x4000]  }
0x287: {  	v0 =	vadd.f32 v2, v0  }
0x288: {  	v2 =	vld [tilespmem:s26+$0x4200]  }
0x289: {  	v0 =	vadd.f32 v3, v0  }
0x28a: {  	v3 =	vld [tilespmem:s26+$0x4400]  }
0x28b: {  	v0 =	vadd.f32 v1, v0  }
0x28c: {  	v1 =	vld [tilespmem:s26+$0x4600]  }
0x28d: {  	v0 =	vadd.f32 v2, v0  }
0x28e: {  	v2 =	vld [tilespmem:s26+$0x4800]  }
0x28f: {  	v0 =	vadd.f32 v3, v0  }
0x290: {  	v3 =	vld [tilespmem:s26+$0x4A00]  }
0x291: {  	v0 =	vadd.f32 v1, v0  }
0x292: {  	v1 =	vld [tilespmem:s26+$0x4C00]  }
0x293: {  	v0 =	vadd.f32 v2, v0  }
0x294: {  	v2 =	vld [tilespmem:s26+$0x4E00]  }
0x295: {  	v0 =	vadd.f32 v3, v0  }
0x296: {  	v3 =	vld [tilespmem:s26+$0x5000]  }
0x297: {  	v0 =	vadd.f32 v1, v0  }
0x298: {  	v1 =	vld [tilespmem:s26+$0x5200]  }
0x299: {  	v0 =	vadd.f32 v2, v0  }
0x29a: {  	v2 =	vld [tilespmem:s26+$0x5400]  }
0x29b: {  	v0 =	vadd.f32 v3, v0  }
0x29c: {  	v3 =	vld [tilespmem:s26+$0x5600]  }
0x29d: {  	v0 =	vadd.f32 v1, v0  }
0x29e: {  	v1 =	vld [tilespmem:s26+$0x5800]  }
0x29f: {  	v0 =	vadd.f32 v2, v0  }
0x2a0: {  	v2 =	vld [tilespmem:s26+$0x5A00]  }
0x2a1: {  	v0 =	vadd.f32 v3, v0  }
0x2a2: {  	v3 =	vld [tilespmem:s26+$0x5C00]  }
0x2a3: {  	v0 =	vadd.f32 v1, v0  }
0x2a4: {  	v1 =	vld [tilespmem:s26+$0x5E00]  }
0x2a5: {  	v0 =	vadd.f32 v2, v0  }
0x2a6: {  	v2 =	vld [tilespmem:s26+$0x6000]  }
0x2a7: {  	v0 =	vadd.f32 v3, v0  }
0x2a8: {  	v3 =	vld [tilespmem:s26+$0x6200]  }
0x2a9: {  	v0 =	vadd.f32 v1, v0  }
0x2aa: {  	v1 =	vld [tilespmem:s26+$0x6400]  }
0x2ab: {  	v0 =	vadd.f32 v2, v0  }
0x2ac: {  	v2 =	vld [tilespmem:s26+$0x6600]  }
0x2ad: {  	v0 =	vadd.f32 v3, v0;
	_ =	sdelay $0x1  }
0x2ae: {  	v0 =	vadd.f32 v1, v0;
	_ =	sdelay $0x1  }
.Ltmp0:
0x2af: {  	v0 =	vadd.f32 v2, v0;
	(pc) =	sbr.rel @p0 .LBB3_2-.Ltmp0, $4  }
0x2b0: {  	s21 =	sadd.s32 $0x10, s21  }
0x2b1: {  	s23 =	sadd.s32 $0x10, s23;
	[tilespmem:s21+$0x0] =	vst v0  }
0x2b2: {  	v0 =	vld [tilespmem:s23+$0x0]  }
0x2b3: {  	s25 =	sadd.s32 $0x10, s25;
	v1 =	vld [tilespmem:$0x6A00]  }
0x2b4: {  	s23 =	sand.u32 $0x1F0, s24  }
0x2b5: {  	v2 =	vld [tilespmem:s23+$0x3600];
	_ =	sdelay $0x1  }
0x2b6: {  	v3 =	vld [tilespmem:s23+$0x3800]  }
0x2b7: {  	v0 =	vadd.f32 v0, v1  }
0x2b8: {  	v41 =	vld [tilespmem:s23+$0x3A00]  }
0x2b9: {  	v0 =	vadd.f32 v2, v0  }
0x2ba: {  	v42 =	vld [tilespmem:s23+$0x3C00]  }
0x2bb: {  	v0 =	vadd.f32 v3, v0  }
0x2bc: {  	v43 =	vld [tilespmem:s23+$0x3E00]  }
0x2bd: {  	v0 =	vadd.f32 v41, v0  }
0x2be: {  	v44 =	vld [tilespmem:s23+$0x4000]  }
0x2bf: {  	v0 =	vadd.f32 v42, v0  }
0x2c0: {  	v45 =	vld [tilespmem:s23+$0x4200]  }
0x2c1: {  	v0 =	vadd.f32 v43, v0  }
0x2c2: {  	v46 =	vld [tilespmem:s23+$0x4400]  }
0x2c3: {  	v0 =	vadd.f32 v44, v0  }
0x2c4: {  	v47 =	vld [tilespmem:s23+$0x4600]  }
0x2c5: {  	v0 =	vadd.f32 v45, v0  }
0x2c6: {  	v48 =	vld [tilespmem:s23+$0x4800]  }
0x2c7: {  	v0 =	vadd.f32 v46, v0  }
0x2c8: {  	v49 =	vld [tilespmem:s23+$0x4A00]  }
0x2c9: {  	v0 =	vadd.f32 v47, v0  }
0x2ca: {  	v50 =	vld [tilespmem:s23+$0x4C00]  }
0x2cb: {  	v0 =	vadd.f32 v48, v0  }
0x2cc: {  	v51 =	vld [tilespmem:s23+$0x4E00]  }
0x2cd: {  	v0 =	vadd.f32 v49, v0  }
0x2ce: {  	v52 =	vld [tilespmem:s23+$0x5000]  }
0x2cf: {  	v0 =	vadd.f32 v50, v0  }
0x2d0: {  	v53 =	vld [tilespmem:s23+$0x5200]  }
0x2d1: {  	v0 =	vadd.f32 v51, v0  }
0x2d2: {  	v54 =	vld [tilespmem:s23+$0x5400]  }
0x2d3: {  	v0 =	vadd.f32 v52, v0  }
0x2d4: {  	v55 =	vld [tilespmem:s23+$0x5600]  }
0x2d5: {  	v0 =	vadd.f32 v53, v0  }
0x2d6: {  	v56 =	vld [tilespmem:s23+$0x5800]  }
0x2d7: {  	v0 =	vadd.f32 v54, v0  }
0x2d8: {  	v57 =	vld [tilespmem:s23+$0x5A00]  }
0x2d9: {  	v0 =	vadd.f32 v55, v0  }
0x2da: {  	v58 =	vld [tilespmem:s23+$0x5C00]  }
0x2db: {  	v0 =	vadd.f32 v56, v0  }
0x2dc: {  	v59 =	vld [tilespmem:s23+$0x5E00]  }
0x2dd: {  	v0 =	vadd.f32 v57, v0  }
0x2de: {  	v60 =	vld [tilespmem:s23+$0x6000]  }
0x2df: {  	v0 =	vadd.f32 v58, v0  }
0x2e0: {  	v61 =	vld [tilespmem:s23+$0x6200]  }
0x2e1: {  	v0 =	vadd.f32 v59, v0  }
0x2e2: {  	v62 =	vld [tilespmem:s23+$0x6400]  }
0x2e3: {  	v0 =	vadd.f32 v60, v0  }
0x2e4: {  	v63 =	vld [tilespmem:s23+$0x6600]  }
0x2e5: {  	v0 =	vadd.f32 v61, v0;
	_ =	sdelay $0x1  }
0x2e6: {  	v0 =	vadd.f32 v62, v0;
	_ =	sdelay $0x1  }
0x2e7: {  	s15 =	sadd.s32 $0x1, s15;
	v0 =	vadd.f32 v63, v0  }
0x2e8: {  	s21 =	sadd.s32 $0x10, s21;
	p0 =	sne.s32 s15, s19  }
.Ltmp1:
0x2e9: {  	[tilespmem:s21+$0x0] =	vst v0;
	(pc) =	sbr.rel @p0 .LBB3_1-.Ltmp1, $4  }
0x2ea: {  	[hbm4b:s18+s14] =	stream.linear.scatter [tilespmem:s12], [sflag:$0x2], $0x200, $0x38;
	[tilespmem:$0x6A80] =	vst v63  }
0x2eb: {  	_ =	swait.ge [sflag:s20], $0x200  }
0x2ec: {  	[sflag:s20] =	ssyncset.done $0x0  }
0x2ed: {  	[sflag:s20] =	ssyncadd.s32 $0xFFFFFE00  }
0x2ee: {  	_ =	sfence.sel $0x180000  }
0x2ef: {  	[bflag:$0x0] =	sbarrier.arrive $0xFFFF  }
0x2f0: {  	_ =	strace $0x9000004A  }
0x2f1: {  	s0 =	stileid.u32;
	[bflag:$0x2] =	sbarrier.arrive $0xFFFF  }
0x2f2: {  	p0 =	sne.s32 s0, $0x0;
	s0 =	rddreg [dreg:$0xe]  }
0x2f3: {  	s0 =	sadd.s32 @!p0 $0x100000, s0  }
0x2f4: {  	[sflag:s0] =	ssyncadd.tile.s32 @!p0 $0x1;
	_ =	shalt  }
.Lfunc_end3:
_tile_overlayer_lowered:
.L_overlay_start_3:
0x2f5: {  	(tag) =	ssettag $0x3  }
0x2f6: {  	s0 =	rddreg [dreg:$0x0];
	s2 =	stileid.u32  }
0x2f7: {  	s1 =	rddreg [dreg:$0x1];
	p0 =	sne.s32 s2, $0x0  }
0x2f8: {  	s3 =	rddreg [dreg:$0x2];
	[bflag:$0x3] =	sbarrier.arrive $0xFFFF;
	s2 =	simm.s32 @!p0 $0x1C02  }
0x2f9: {  	[timem:s3], [sflag:s2] =	dma.local @!p0 [hbm:s0], s1  }
0x2fa: {  	s0 =	simm.s32 @!p0 $0x2  }
0x2fb: {  	_ =	swait.ge @!p0 [sflag:s0], s1  }
0x2fc: {  	s1 =	ssub.s32 @!p0 $0x0, s1;
	[sflag:s0] =	ssyncset.done @!p0 $0x0  }
0x2fd: {  	[sflag:s0] =	ssyncadd.s32 @!p0 s1  }
0x2fe: {  	[bflag:$0x3] =	sbarrier.arrive $0xFFFF  }
0x2ff: {  	_ =	shalt  }

</sc_bundles>
